<compile_context>
chip_gen: v7x
topology: tpu7x:2x2x1
jax: 0.10.2.dev20260603
libtpu: 0.0.44.dev20260713+nightly
codegen_flags: <defaults>
</compile_context>

<pallas_src>
import functools

import jax
import jax.numpy as jnp
from jax import lax
from jax.experimental import pallas as pl
from jax.experimental.pallas import tpu as pltpu
from jax.experimental.pallas import tpu_sc as plsc

N = 10000
D = 128
E = 320000

NC = 2
NS = 16
NW = NC * NS
L = 16

CHUNK = 125
TCH = 80
BLK = 16
GCH = NW * TCH
N1 = 10240
RPT = N1 // NS

_mesh = plsc.VectorSubcoreMesh(
    core_axis_name="c", subcore_axis_name="s", num_cores=NC, num_subcores=NS
)


@functools.partial(
    pl.kernel,
    out_type=jax.ShapeDtypeStruct((NC, N1), jnp.float32),
    mesh=_mesh,
    scratch_types=[
        pltpu.VMEM((TCH, CHUNK), jnp.int32),
        pltpu.VMEM((128,), jnp.float32),
        pltpu.VMEM((RPT,), jnp.float32),
        pltpu.VMEM_SHARED((N1,), jnp.float32),
        pltpu.SemaphoreType.DMA,
    ],
)
def _deg_kernel(ei_hbm, out_hbm, idx_v, ones_v, zero_v, deg_sh, dsem):
    c = lax.axis_index("c")
    s = lax.axis_index("s")
    w = c * NS + s

    for i in range(128 // L):
        ones_v[pl.ds(i * L, L)] = jnp.ones((L,), jnp.float32)
    for i in range(RPT // L):
        zero_v[pl.ds(i * L, L)] = jnp.zeros((L,), jnp.float32)

    pltpu.sync_copy(ei_hbm.at[1, pl.ds(w * TCH, TCH)], idx_v)
    pltpu.sync_copy(zero_v, deg_sh.at[pl.ds(s * RPT, RPT)])
    plsc.subcore_barrier()

    def fire(j, carry):
        pltpu.async_copy(ones_v.at[pl.ds(0, CHUNK)], deg_sh.at[idx_v.at[j]],
                         dsem, add=True)
        return carry

    def drain(j, carry):
        pltpu.make_async_copy(ones_v.at[pl.ds(0, CHUNK)],
                              deg_sh.at[idx_v.at[0]], dsem).wait()
        return carry

    lax.fori_loop(0, TCH, fire, 0)
    lax.fori_loop(0, TCH, drain, 0)
    plsc.subcore_barrier()
    pltpu.sync_copy(deg_sh.at[pl.ds(s * RPT, RPT)],
                    out_hbm.at[c, pl.ds(s * RPT, RPT)])


@functools.partial(
    pl.kernel,
    out_type=jax.ShapeDtypeStruct((NC, N1, D), jnp.float32),
    mesh=_mesh,
    scratch_types=[
        pltpu.VMEM((TCH, CHUNK), jnp.int32),
        pltpu.VMEM((BLK, CHUNK), jnp.int32),
        pltpu.VMEM((2, CHUNK, D), jnp.float32),
        pltpu.VMEM_SHARED((N1, D), jnp.float32),
        pltpu.SemaphoreType.DMA,
        pltpu.SemaphoreType.DMA,
        pltpu.SemaphoreType.DMA,
        pltpu.SemaphoreType.DMA,
    ],
)
def _agg_kernel(y_hbm, ei_hbm, out_hbm, src_v, dst_v, buf_v,
                acc_sh, gsem0, gsem1, ssem0, ssem1):
    c = lax.axis_index("c")
    s = lax.axis_index("s")
    w = c * NS + s
    base = s * RPT

    pltpu.sync_copy(ei_hbm.at[0, pl.ds(w * TCH, TCH)], src_v)
    pltpu.sync_copy(y_hbm.at[pl.ds(base, RPT)], acc_sh.at[pl.ds(base, RPT)])
    plsc.subcore_barrier()

    def gather_start(j, b, sem):
        pltpu.async_copy(y_hbm.at[src_v.at[j]], buf_v.at[b], sem)

    def gather_wait(j, b, sem):
        pltpu.make_async_copy(y_hbm.at[src_v.at[j]], buf_v.at[b], sem).wait()

    def scatter_start(jb, b, sem):
        pltpu.async_copy(buf_v.at[b], acc_sh.at[dst_v.at[jb]], sem, add=True)

    def scatter_wait(jb, b, sem):
        pltpu.make_async_copy(buf_v.at[b], acc_sh.at[dst_v.at[jb]],
                              sem).wait()

    gather_start(0, 0, gsem0)
    gather_start(1, 1, gsem1)

    last_blk = TCH // BLK - 1
    for blk in range(TCH // BLK):
        pltpu.sync_copy(ei_hbm.at[1, pl.ds(w * TCH + blk * BLK, BLK)], dst_v)

        def pair(jj, carry, blk=blk):
            j0 = blk * BLK + 2 * jj
            j1 = j0 + 1
            gather_wait(j0, 0, gsem0)
            pltpu.sync_copy(buf_v.at[0], acc_sh.at[dst_v.at[2 * jj]],
                            add=True)
            if blk < last_blk:
                gather_start(j0 + 2, 0, gsem0)
            else:
                @pl.when(jj < BLK // 2 - 1)
                def _():
                    gather_start(j0 + 2, 0, gsem0)
            gather_wait(j1, 1, gsem1)
            pltpu.sync_copy(buf_v.at[1], acc_sh.at[dst_v.at[2 * jj + 1]],
                            add=True)
            if blk < last_blk:
                gather_start(j1 + 2, 1, gsem1)
            else:
                @pl.when(jj < BLK // 2 - 1)
                def _():
                    gather_start(j1 + 2, 1, gsem1)
            return carry

        lax.fori_loop(0, BLK // 2, pair, 0)

    plsc.subcore_barrier()
    pltpu.sync_copy(acc_sh.at[pl.ds(base, RPT)],
                    out_hbm.at[c, pl.ds(base, RPT)])


def _prescale_body(x_ref, w_ref, dp_ref, y_ref):
    xw = jnp.dot(x_ref[...], w_ref[...], preferred_element_type=jnp.float32)
    deg = dp_ref[0] + dp_ref[1] + 1.0
    y_ref[...] = xw * lax.rsqrt(deg)


def _epilogue_body(a_ref, y_ref, dp_ref, x_ref, b_ref, bw_ref, bb_ref,
                   bm_ref, bv_ref, o_ref):
    deg = dp_ref[0] + dp_ref[1] + 1.0
    dinv = lax.rsqrt(deg)
    agg = (a_ref[0] + a_ref[1] - y_ref[...]) * dinv + b_ref[...]
    inv_std = lax.rsqrt(bv_ref[...] + 1e-5)
    h = (agg - bm_ref[...]) * inv_std * bw_ref[...] + bb_ref[...]
    o_ref[...] = jnp.maximum(h, 0.0) + x_ref[...]


BR = 10240
_GRID = N1 // BR


def kernel(x, edge_index, W, b, bn_weight, bn_bias, bn_mean, bn_var):
    ei = edge_index.reshape(2, GCH, CHUNK)

    deg_parts = _deg_kernel(ei)
    dp3 = deg_parts.reshape(NC, N1, 1)

    y = pl.pallas_call(
        _prescale_body,
        grid=(_GRID,),
        in_specs=[
            pl.BlockSpec((BR, D), lambda i: (i, 0)),
            pl.BlockSpec((D, D), lambda i: (0, 0)),
            pl.BlockSpec((NC, BR, 1), lambda i: (0, i, 0)),
        ],
        out_specs=pl.BlockSpec((BR, D), lambda i: (i, 0)),
        out_shape=jax.ShapeDtypeStruct((N1, D), jnp.float32),
    )(x, W, dp3)

    agg_parts = _agg_kernel(y, ei)

    vec = lambda a: a.reshape(1, D)
    h = pl.pallas_call(
        _epilogue_body,
        grid=(_GRID,),
        in_specs=[
            pl.BlockSpec((NC, BR, D), lambda i: (0, i, 0)),
            pl.BlockSpec((BR, D), lambda i: (i, 0)),
            pl.BlockSpec((NC, BR, 1), lambda i: (0, i, 0)),
            pl.BlockSpec((BR, D), lambda i: (i, 0)),
        ] + [pl.BlockSpec((1, D), lambda i: (0, 0))] * 5,
        out_specs=pl.BlockSpec((BR, D), lambda i: (i, 0)),
        out_shape=jax.ShapeDtypeStruct((N1, D), jnp.float32),
    )(agg_parts, y, dp3, x, vec(b), vec(bn_weight), vec(bn_bias),
      vec(bn_mean), vec(bn_var))

    return h[:N]

# --- scband reference (transcript-rebuilt; emitter-appended) ---
"""Pipeline reference for scband-gcnblock-89807766159789 (READ-ONLY COPY).

The authoritative reference and input builder live on the scoring server;
editing this copy changes nothing except your own understanding.
"""

import jax, jax.numpy as jnp
import numpy as np

N = 10000
E = 320000
D = 128

def setup_inputs(seed: int = 0) -> dict:
    key = jax.random.key(seed)
    k1, k2, k3 = jax.random.split(key, 3)
    x = jax.random.normal(k1, (N, D), dtype=jnp.float32)
    edge_index = jax.random.randint(k2, (2, E), 0, N, dtype=jnp.int32)
    W = jax.random.normal(k3, (D, D), dtype=jnp.float32) * 0.05
    b = jnp.zeros((D,), dtype=jnp.float32)
    bn_weight = jnp.ones((D,), dtype=jnp.float32)
    bn_bias = jnp.zeros((D,), dtype=jnp.float32)
    bn_mean = jnp.zeros((D,), dtype=jnp.float32)
    bn_var = jnp.ones((D,), dtype=jnp.float32)
    return {"x": x, "edge_index": edge_index, "W": W, "b": b,
            "bn_weight": bn_weight, "bn_bias": bn_bias,
            "bn_mean": bn_mean, "bn_var": bn_var}

def reference(x, edge_index, W, b, bn_weight, bn_bias, bn_mean, bn_var):
    # GCNConv (PyG semantics: add self-loops, symmetric normalization)
    n = x.shape[0]
    loop = jnp.arange(n, dtype=edge_index.dtype)
    src = jnp.concatenate([edge_index[0], loop])
    dst = jnp.concatenate([edge_index[1], loop])
    xw = x @ W
    deg = jax.ops.segment_sum(jnp.ones_like(dst, dtype=x.dtype), dst, num_segments=n)
    dinv = jnp.where(deg > 0, jax.lax.rsqrt(deg), 0.0)
    norm = dinv[src] * dinv[dst]
    msg = xw[src] * norm[:, None]
    agg = jax.ops.segment_sum(msg, dst, num_segments=n) + b
    # BatchNorm1d (eval mode: running stats), ReLU, dropout is a no-op in eval
    h = (agg - bn_mean) / jnp.sqrt(bn_var + 1e-5) * bn_weight + bn_bias
    h = jax.nn.relu(h)
    # residual (in_ch == out_ch)
    return h + x

if __name__ == "__main__":
    import jax
    _d = setup_inputs()
    print(jax.jit(kernel)(*tuple(_d.values())))

</pallas_src>

<mosaic_0001>
#map = affine_map<(d0, d1) -> (0, 0)>
#map1 = affine_map<(d0, d1) -> (0, 0, 0)>
module attributes {stable_mosaic.version = 14 : i64} {
  func.func @_agg_kernel(%arg0: i32, %arg1: i32, %arg2: memref<10240x128xf32, #tpu.memory_space<hbm>>, %arg3: memref<2x2560x125xi32, #tpu.memory_space<hbm>>, %arg4: memref<2x10240x128xf32, #tpu.memory_space<hbm>>, %arg5: memref<80x125xi32, #tpu.memory_space<vmem>>, %arg6: memref<16x125xi32, #tpu.memory_space<vmem>>, %arg7: memref<2x125x128xf32, #tpu.memory_space<vmem>>, %arg8: memref<10240x128xf32, #tpu.memory_space<vmem_shared>>, %arg9: memref<!tpu.dma_semaphore, #tpu.memory_space<semaphore_mem>>, %arg10: memref<!tpu.dma_semaphore, #tpu.memory_space<semaphore_mem>>, %arg11: memref<!tpu.dma_semaphore, #tpu.memory_space<semaphore_mem>>, %arg12: memref<!tpu.dma_semaphore, #tpu.memory_space<semaphore_mem>>) attributes {dimension_semantics = [#tpu.dimension_semantics<core_parallel>, #tpu.dimension_semantics<subcore_parallel>], iteration_bounds = array<i64: 2, 16>, scalar_prefetch = 0 : i64, scratch_operands = 8 : i64, tpu.core_type = #tpu.core_type<sc_vector_subcore>, window_params = [{transform_indices = #map}, {transform_indices = #map1}, {transform_indices = #map1}]} {
    %mul3A = arith.constant 16 : i32
    %mul3A_0 = arith.muli %arg0, %mul3A : i32
    %add3A = arith.addi %mul3A_0, %arg1 : i32
    %mul3A_1 = arith.constant 640 : i32
    %mul3A_2 = arith.muli %arg1, %mul3A_1 : i32
    %mul3A_3 = arith.constant 80 : i32
    %mul3A_4 = arith.muli %add3A, %mul3A_3 : i32
    %run_scoped3A = arith.constant 0 : i32
    "tpu.region"() ({
      %run_scoped3A_83 = tpu.sem_alloc : memref<!tpu.dma_semaphore, #tpu.memory_space<semaphore_mem>>
      %dma_start3A_84 = arith.constant 0 : i32
      %dma_start3A_85 = tpu.memref_slice %arg3[%run_scoped3A, %mul3A_4, %dma_start3A_84] : memref<2x2560x125xi32, #tpu.memory_space<hbm>> -> memref<1x80x125xi32, #tpu.memory_space<hbm>>
      %dma_start3A_86 = tpu.memref_squeeze %dma_start3A_85 : memref<1x80x125xi32, #tpu.memory_space<hbm>> -> memref<80x125xi32, #tpu.memory_space<hbm>>
      %dma_start3A_87 = arith.constant 0 : i32
      %dma_start3A_88 = tpu.memref_slice %arg3[%run_scoped3A, %mul3A_4, %dma_start3A_87] : memref<2x2560x125xi32, #tpu.memory_space<hbm>> -> memref<1x80x125xi32, #tpu.memory_space<hbm>>
      %dma_start3A_89 = tpu.memref_squeeze %dma_start3A_88 : memref<1x80x125xi32, #tpu.memory_space<hbm>> -> memref<80x125xi32, #tpu.memory_space<hbm>>
      tpu.enqueue_dma source(%dma_start3A_89 : memref<80x125xi32, #tpu.memory_space<hbm>>) target(%arg5 : memref<80x125xi32, #tpu.memory_space<vmem>>) target_semaphore(%run_scoped3A_83 : memref<!tpu.dma_semaphore, #tpu.memory_space<semaphore_mem>>)
      %dma_wait3A = arith.constant 0 : i32
      %dma_wait3A_90 = tpu.memref_slice %arg3[%run_scoped3A, %mul3A_4, %dma_wait3A] : memref<2x2560x125xi32, #tpu.memory_space<hbm>> -> memref<1x80x125xi32, #tpu.memory_space<hbm>>
      %dma_wait3A_91 = tpu.memref_squeeze %dma_wait3A_90 : memref<1x80x125xi32, #tpu.memory_space<hbm>> -> memref<80x125xi32, #tpu.memory_space<hbm>>
      %dma_wait3A_92 = arith.constant 0 : i32
      %dma_wait3A_93 = tpu.memref_slice %arg3[%run_scoped3A, %mul3A_4, %dma_wait3A_92] : memref<2x2560x125xi32, #tpu.memory_space<hbm>> -> memref<1x80x125xi32, #tpu.memory_space<hbm>>
      %dma_wait3A_94 = tpu.memref_squeeze %dma_wait3A_93 : memref<1x80x125xi32, #tpu.memory_space<hbm>> -> memref<80x125xi32, #tpu.memory_space<hbm>>
      tpu.wait_dma2 semaphore(%run_scoped3A_83 : memref<!tpu.dma_semaphore, #tpu.memory_space<semaphore_mem>>) src(%dma_wait3A_94 : memref<80x125xi32, #tpu.memory_space<hbm>>) dst(%arg5 : memref<80x125xi32, #tpu.memory_space<vmem>>)
      tpu.yield
    }) : () -> ()
    "tpu.region"() ({
      %run_scoped3A_83 = tpu.sem_alloc : memref<!tpu.dma_semaphore, #tpu.memory_space<semaphore_mem>>
      %dma_start3A_84 = arith.constant 0 : i32
      %dma_start3A_85 = tpu.memref_slice %arg8[%mul3A_2, %dma_start3A_84] : memref<10240x128xf32, #tpu.memory_space<vmem_shared>> -> memref<640x128xf32, #tpu.memory_space<vmem_shared>>
      %dma_start3A_86 = arith.constant 0 : i32
      %dma_start3A_87 = tpu.memref_slice %arg2[%mul3A_2, %dma_start3A_86] : memref<10240x128xf32, #tpu.memory_space<hbm>> -> memref<640x128xf32, #tpu.memory_space<hbm>>
      tpu.enqueue_dma source(%dma_start3A_87 : memref<640x128xf32, #tpu.memory_space<hbm>>) target(%dma_start3A_85 : memref<640x128xf32, #tpu.memory_space<vmem_shared>>) target_semaphore(%run_scoped3A_83 : memref<!tpu.dma_semaphore, #tpu.memory_space<semaphore_mem>>)
      %dma_wait3A = arith.constant 0 : i32
      %dma_wait3A_88 = tpu.memref_slice %arg8[%mul3A_2, %dma_wait3A] : memref<10240x128xf32, #tpu.memory_space<vmem_shared>> -> memref<640x128xf32, #tpu.memory_space<vmem_shared>>
      %dma_wait3A_89 = arith.constant 0 : i32
      %dma_wait3A_90 = tpu.memref_slice %arg2[%mul3A_2, %dma_wait3A_89] : memref<10240x128xf32, #tpu.memory_space<hbm>> -> memref<640x128xf32, #tpu.memory_space<hbm>>
      tpu.wait_dma2 semaphore(%run_scoped3A_83 : memref<!tpu.dma_semaphore, #tpu.memory_space<semaphore_mem>>) src(%dma_wait3A_90 : memref<640x128xf32, #tpu.memory_space<hbm>>) dst(%dma_wait3A_88 : memref<640x128xf32, #tpu.memory_space<vmem_shared>>)
      tpu.yield
    }) : () -> ()
    %barrier3A = arith.constant 0 : index
    tpu.barrier barrier_id(%barrier3A)
    %dma_start3A = arith.constant 0 : i32
    %dma_start3A_5 = arith.constant 0 : i32
    %dma_start3A_6 = arith.constant 0 : i32
    %dma_start3A_7 = arith.constant 0 : i32
    %dma_start3A_8 = tpu.memref_slice %arg7[%dma_start3A_5, %dma_start3A_6, %dma_start3A_7] : memref<2x125x128xf32, #tpu.memory_space<vmem>> -> memref<1x125x128xf32, #tpu.memory_space<vmem>>
    %dma_start3A_9 = tpu.memref_squeeze %dma_start3A_8 : memref<1x125x128xf32, #tpu.memory_space<vmem>> -> memref<125x128xf32, #tpu.memory_space<vmem>>
    %dma_start3A_10 = arith.constant 0 : i32
    %dma_start3A_11 = tpu.memref_slice %arg5[%dma_start3A, %dma_start3A_10] : memref<80x125xi32, #tpu.memory_space<vmem>> -> memref<1x125xi32, #tpu.memory_space<vmem>>
    %dma_start3A_12 = tpu.memref_squeeze %dma_start3A_11 : memref<1x125xi32, #tpu.memory_space<vmem>> -> memref<125xi32, #tpu.memory_space<vmem>>
    %dma_start3A_13 = arith.constant 0 : i32
    %dma_start3A_14 = arith.constant 0 : i32
    %dma_start3A_15 = tpu.memref_slice %arg2[%dma_start3A_13, %dma_start3A_14] : memref<10240x128xf32, #tpu.memory_space<hbm>> -> memref<10240x128xf32, #tpu.memory_space<hbm>>
    tpu.enqueue_indirect_dma source(%dma_start3A_15 : memref<10240x128xf32, #tpu.memory_space<hbm>>) target(%dma_start3A_9 : memref<125x128xf32, #tpu.memory_space<vmem>>) offsets(%dma_start3A_12 : memref<125xi32, #tpu.memory_space<vmem>>) semaphore(%arg9 : memref<!tpu.dma_semaphore, #tpu.memory_space<semaphore_mem>>)
    %dma_start3A_16 = arith.constant 1 : i32
    %dma_start3A_17 = arith.constant 1 : i32
    %dma_start3A_18 = arith.constant 0 : i32
    %dma_start3A_19 = arith.constant 0 : i32
    %dma_start3A_20 = tpu.memref_slice %arg7[%dma_start3A_17, %dma_start3A_18, %dma_start3A_19] : memref<2x125x128xf32, #tpu.memory_space<vmem>> -> memref<1x125x128xf32, #tpu.memory_space<vmem>>
    %dma_start3A_21 = tpu.memref_squeeze %dma_start3A_20 : memref<1x125x128xf32, #tpu.memory_space<vmem>> -> memref<125x128xf32, #tpu.memory_space<vmem>>
    %dma_start3A_22 = arith.constant 0 : i32
    %dma_start3A_23 = tpu.memref_slice %arg5[%dma_start3A_16, %dma_start3A_22] : memref<80x125xi32, #tpu.memory_space<vmem>> -> memref<1x125xi32, #tpu.memory_space<vmem>>
    %dma_start3A_24 = tpu.memref_squeeze %dma_start3A_23 : memref<1x125xi32, #tpu.memory_space<vmem>> -> memref<125xi32, #tpu.memory_space<vmem>>
    %dma_start3A_25 = arith.constant 0 : i32
    %dma_start3A_26 = arith.constant 0 : i32
    %dma_start3A_27 = tpu.memref_slice %arg2[%dma_start3A_25, %dma_start3A_26] : memref<10240x128xf32, #tpu.memory_space<hbm>> -> memref<10240x128xf32, #tpu.memory_space<hbm>>
    tpu.enqueue_indirect_dma source(%dma_start3A_27 : memref<10240x128xf32, #tpu.memory_space<hbm>>) target(%dma_start3A_21 : memref<125x128xf32, #tpu.memory_space<vmem>>) offsets(%dma_start3A_24 : memref<125xi32, #tpu.memory_space<vmem>>) semaphore(%arg10 : memref<!tpu.dma_semaphore, #tpu.memory_space<semaphore_mem>>)
    %mul3A_28 = arith.constant 80 : i32
    %mul3A_29 = arith.muli %add3A, %mul3A_28 : i32
    %add3A_30 = arith.constant 0 : i32
    %add3A_31 = arith.addi %mul3A_29, %add3A_30 : i32
    %run_scoped3A_32 = arith.constant 1 : i32
    "tpu.region"() ({
      %run_scoped3A_83 = tpu.sem_alloc : memref<!tpu.dma_semaphore, #tpu.memory_space<semaphore_mem>>
      %dma_start3A_84 = arith.constant 0 : i32
      %dma_start3A_85 = tpu.memref_slice %arg3[%run_scoped3A_32, %add3A_31, %dma_start3A_84] : memref<2x2560x125xi32, #tpu.memory_space<hbm>> -> memref<1x16x125xi32, #tpu.memory_space<hbm>>
      %dma_start3A_86 = tpu.memref_squeeze %dma_start3A_85 : memref<1x16x125xi32, #tpu.memory_space<hbm>> -> memref<16x125xi32, #tpu.memory_space<hbm>>
      %dma_start3A_87 = arith.constant 0 : i32
      %dma_start3A_88 = tpu.memref_slice %arg3[%run_scoped3A_32, %add3A_31, %dma_start3A_87] : memref<2x2560x125xi32, #tpu.memory_space<hbm>> -> memref<1x16x125xi32, #tpu.memory_space<hbm>>
      %dma_start3A_89 = tpu.memref_squeeze %dma_start3A_88 : memref<1x16x125xi32, #tpu.memory_space<hbm>> -> memref<16x125xi32, #tpu.memory_space<hbm>>
      tpu.enqueue_dma source(%dma_start3A_89 : memref<16x125xi32, #tpu.memory_space<hbm>>) target(%arg6 : memref<16x125xi32, #tpu.memory_space<vmem>>) target_semaphore(%run_scoped3A_83 : memref<!tpu.dma_semaphore, #tpu.memory_space<semaphore_mem>>)
      %dma_wait3A = arith.constant 0 : i32
      %dma_wait3A_90 = tpu.memref_slice %arg3[%run_scoped3A_32, %add3A_31, %dma_wait3A] : memref<2x2560x125xi32, #tpu.memory_space<hbm>> -> memref<1x16x125xi32, #tpu.memory_space<hbm>>
      %dma_wait3A_91 = tpu.memref_squeeze %dma_wait3A_90 : memref<1x16x125xi32, #tpu.memory_space<hbm>> -> memref<16x125xi32, #tpu.memory_space<hbm>>
      %dma_wait3A_92 = arith.constant 0 : i32
      %dma_wait3A_93 = tpu.memref_slice %arg3[%run_scoped3A_32, %add3A_31, %dma_wait3A_92] : memref<2x2560x125xi32, #tpu.memory_space<hbm>> -> memref<1x16x125xi32, #tpu.memory_space<hbm>>
      %dma_wait3A_94 = tpu.memref_squeeze %dma_wait3A_93 : memref<1x16x125xi32, #tpu.memory_space<hbm>> -> memref<16x125xi32, #tpu.memory_space<hbm>>
      tpu.wait_dma2 semaphore(%run_scoped3A_83 : memref<!tpu.dma_semaphore, #tpu.memory_space<semaphore_mem>>) src(%dma_wait3A_94 : memref<16x125xi32, #tpu.memory_space<hbm>>) dst(%arg6 : memref<16x125xi32, #tpu.memory_space<vmem>>)
      tpu.yield
    }) : () -> ()
    %scan3A = arith.constant 0 : i32
    %scan3A_33 = arith.constant 0 : i32
    %scan3A_34 = arith.constant 8 : i32
    %scan3A_35 = arith.addi %scan3A_33, %scan3A_34 : i32
    %scan3A_36 = arith.constant 1 : i32
    scf.for %scan3A_83 = %scan3A_33 to %scan3A_35 step %scan3A_36  : i32 {
      %mul3A_84 = arith.constant 2 : i32
      %mul3A_85 = arith.muli %mul3A_84, %scan3A_83 : i32
      %add3A_86 = arith.constant 0 : i32
      %add3A_87 = arith.addi %add3A_86, %mul3A_85 : i32
      %add3A_88 = arith.constant 1 : i32
      %add3A_89 = arith.addi %add3A_87, %add3A_88 : i32
      %dma_wait3A = arith.constant 0 : i32
      %dma_wait3A_90 = arith.constant 0 : i32
      %dma_wait3A_91 = arith.constant 0 : i32
      %dma_wait3A_92 = tpu.memref_slice %arg7[%dma_wait3A, %dma_wait3A_90, %dma_wait3A_91] : memref<2x125x128xf32, #tpu.memory_space<vmem>> -> memref<1x125x128xf32, #tpu.memory_space<vmem>>
      %dma_wait3A_93 = tpu.memref_squeeze %dma_wait3A_92 : memref<1x125x128xf32, #tpu.memory_space<vmem>> -> memref<125x128xf32, #tpu.memory_space<vmem>>
      %dma_wait3A_94 = arith.constant 0 : i32
      %dma_wait3A_95 = tpu.memref_slice %arg5[%add3A_87, %dma_wait3A_94] : memref<80x125xi32, #tpu.memory_space<vmem>> -> memref<1x125xi32, #tpu.memory_space<vmem>>
      %dma_wait3A_96 = tpu.memref_squeeze %dma_wait3A_95 : memref<1x125xi32, #tpu.memory_space<vmem>> -> memref<125xi32, #tpu.memory_space<vmem>>
      %dma_wait3A_97 = arith.constant 0 : i32
      %dma_wait3A_98 = arith.constant 0 : i32
      %dma_wait3A_99 = tpu.memref_slice %arg2[%dma_wait3A_97, %dma_wait3A_98] : memref<10240x128xf32, #tpu.memory_space<hbm>> -> memref<10240x128xf32, #tpu.memory_space<hbm>>
      tpu.wait_indirect_dma semaphore(%arg9 : memref<!tpu.dma_semaphore, #tpu.memory_space<semaphore_mem>>) src(%dma_wait3A_99 : memref<10240x128xf32, #tpu.memory_space<hbm>>) dst(%dma_wait3A_93 : memref<125x128xf32, #tpu.memory_space<vmem>>)
      %mul3A_100 = arith.constant 2 : i32
      %mul3A_101 = arith.muli %mul3A_100, %scan3A_83 : i32
      %run_scoped3A_102 = arith.constant 0 : i32
      "tpu.region"() ({
        %run_scoped3A_145 = tpu.sem_alloc : memref<!tpu.dma_semaphore, #tpu.memory_space<semaphore_mem>>
        %dma_start3A_146 = arith.constant 0 : i32
        %dma_start3A_147 = arith.constant 0 : i32
        %dma_start3A_148 = tpu.memref_slice %arg7[%run_scoped3A_102, %dma_start3A_146, %dma_start3A_147] : memref<2x125x128xf32, #tpu.memory_space<vmem>> -> memref<1x125x128xf32, #tpu.memory_space<vmem>>
        %dma_start3A_149 = tpu.memref_squeeze %dma_start3A_148 : memref<1x125x128xf32, #tpu.memory_space<vmem>> -> memref<125x128xf32, #tpu.memory_space<vmem>>
        %dma_start3A_150 = arith.constant 0 : i32
        %dma_start3A_151 = tpu.memref_slice %arg6[%mul3A_101, %dma_start3A_150] : memref<16x125xi32, #tpu.memory_space<vmem>> -> memref<1x125xi32, #tpu.memory_space<vmem>>
        %dma_start3A_152 = tpu.memref_squeeze %dma_start3A_151 : memref<1x125xi32, #tpu.memory_space<vmem>> -> memref<125xi32, #tpu.memory_space<vmem>>
        %dma_start3A_153 = arith.constant 0 : i32
        %dma_start3A_154 = arith.constant 0 : i32
        %dma_start3A_155 = tpu.memref_slice %arg8[%dma_start3A_153, %dma_start3A_154] : memref<10240x128xf32, #tpu.memory_space<vmem_shared>> -> memref<10240x128xf32, #tpu.memory_space<vmem_shared>>
        tpu.enqueue_indirect_dma source(%dma_start3A_149 : memref<125x128xf32, #tpu.memory_space<vmem>>) target(%dma_start3A_155 : memref<10240x128xf32, #tpu.memory_space<vmem_shared>>) offsets(%dma_start3A_152 : memref<125xi32, #tpu.memory_space<vmem>>) semaphore(%run_scoped3A_145 : memref<!tpu.dma_semaphore, #tpu.memory_space<semaphore_mem>>) {add = true}
        %dma_wait3A_156 = arith.constant 0 : i32
        %dma_wait3A_157 = arith.constant 0 : i32
        %dma_wait3A_158 = tpu.memref_slice %arg7[%run_scoped3A_102, %dma_wait3A_156, %dma_wait3A_157] : memref<2x125x128xf32, #tpu.memory_space<vmem>> -> memref<1x125x128xf32, #tpu.memory_space<vmem>>
        %dma_wait3A_159 = tpu.memref_squeeze %dma_wait3A_158 : memref<1x125x128xf32, #tpu.memory_space<vmem>> -> memref<125x128xf32, #tpu.memory_space<vmem>>
        %dma_wait3A_160 = arith.constant 0 : i32
        %dma_wait3A_161 = tpu.memref_slice %arg6[%mul3A_101, %dma_wait3A_160] : memref<16x125xi32, #tpu.memory_space<vmem>> -> memref<1x125xi32, #tpu.memory_space<vmem>>
        %dma_wait3A_162 = tpu.memref_squeeze %dma_wait3A_161 : memref<1x125xi32, #tpu.memory_space<vmem>> -> memref<125xi32, #tpu.memory_space<vmem>>
        %dma_wait3A_163 = arith.constant 0 : i32
        %dma_wait3A_164 = arith.constant 0 : i32
        %dma_wait3A_165 = tpu.memref_slice %arg8[%dma_wait3A_163, %dma_wait3A_164] : memref<10240x128xf32, #tpu.memory_space<vmem_shared>> -> memref<10240x128xf32, #tpu.memory_space<vmem_shared>>
        tpu.wait_indirect_dma semaphore(%run_scoped3A_145 : memref<!tpu.dma_semaphore, #tpu.memory_space<semaphore_mem>>) src(%dma_wait3A_159 : memref<125x128xf32, #tpu.memory_space<vmem>>) dst(%dma_wait3A_165 : memref<10240x128xf32, #tpu.memory_space<vmem_shared>>)
        tpu.yield
      }) : () -> ()
      %add3A_103 = arith.constant 2 : i32
      %add3A_104 = arith.addi %add3A_87, %add3A_103 : i32
      %dma_start3A_105 = arith.constant 0 : i32
      %dma_start3A_106 = arith.constant 0 : i32
      %dma_start3A_107 = arith.constant 0 : i32
      %dma_start3A_108 = tpu.memref_slice %arg7[%dma_start3A_105, %dma_start3A_106, %dma_start3A_107] : memref<2x125x128xf32, #tpu.memory_space<vmem>> -> memref<1x125x128xf32, #tpu.memory_space<vmem>>
      %dma_start3A_109 = tpu.memref_squeeze %dma_start3A_108 : memref<1x125x128xf32, #tpu.memory_space<vmem>> -> memref<125x128xf32, #tpu.memory_space<vmem>>
      %dma_start3A_110 = arith.constant 0 : i32
      %dma_start3A_111 = tpu.memref_slice %arg5[%add3A_104, %dma_start3A_110] : memref<80x125xi32, #tpu.memory_space<vmem>> -> memref<1x125xi32, #tpu.memory_space<vmem>>
      %dma_start3A_112 = tpu.memref_squeeze %dma_start3A_111 : memref<1x125xi32, #tpu.memory_space<vmem>> -> memref<125xi32, #tpu.memory_space<vmem>>
      %dma_start3A_113 = arith.constant 0 : i32
      %dma_start3A_114 = arith.constant 0 : i32
      %dma_start3A_115 = tpu.memref_slice %arg2[%dma_start3A_113, %dma_start3A_114] : memref<10240x128xf32, #tpu.memory_space<hbm>> -> memref<10240x128xf32, #tpu.memory_space<hbm>>
      tpu.enqueue_indirect_dma source(%dma_start3A_115 : memref<10240x128xf32, #tpu.memory_space<hbm>>) target(%dma_start3A_109 : memref<125x128xf32, #tpu.memory_space<vmem>>) offsets(%dma_start3A_112 : memref<125xi32, #tpu.memory_space<vmem>>) semaphore(%arg9 : memref<!tpu.dma_semaphore, #tpu.memory_space<semaphore_mem>>)
      %dma_wait3A_116 = arith.constant 1 : i32
      %dma_wait3A_117 = arith.constant 0 : i32
      %dma_wait3A_118 = arith.constant 0 : i32
      %dma_wait3A_119 = tpu.memref_slice %arg7[%dma_wait3A_116, %dma_wait3A_117, %dma_wait3A_118] : memref<2x125x128xf32, #tpu.memory_space<vmem>> -> memref<1x125x128xf32, #tpu.memory_space<vmem>>
      %dma_wait3A_120 = tpu.memref_squeeze %dma_wait3A_119 : memref<1x125x128xf32, #tpu.memory_space<vmem>> -> memref<125x128xf32, #tpu.memory_space<vmem>>
      %dma_wait3A_121 = arith.constant 0 : i32
      %dma_wait3A_122 = tpu.memref_slice %arg5[%add3A_89, %dma_wait3A_121] : memref<80x125xi32, #tpu.memory_space<vmem>> -> memref<1x125xi32, #tpu.memory_space<vmem>>
      %dma_wait3A_123 = tpu.memref_squeeze %dma_wait3A_122 : memref<1x125xi32, #tpu.memory_space<vmem>> -> memref<125xi32, #tpu.memory_space<vmem>>
      %dma_wait3A_124 = arith.constant 0 : i32
      %dma_wait3A_125 = arith.constant 0 : i32
      %dma_wait3A_126 = tpu.memref_slice %arg2[%dma_wait3A_124, %dma_wait3A_125] : memref<10240x128xf32, #tpu.memory_space<hbm>> -> memref<10240x128xf32, #tpu.memory_space<hbm>>
      tpu.wait_indirect_dma semaphore(%arg10 : memref<!tpu.dma_semaphore, #tpu.memory_space<semaphore_mem>>) src(%dma_wait3A_126 : memref<10240x128xf32, #tpu.memory_space<hbm>>) dst(%dma_wait3A_120 : memref<125x128xf32, #tpu.memory_space<vmem>>)
      %mul3A_127 = arith.constant 2 : i32
      %mul3A_128 = arith.muli %mul3A_127, %scan3A_83 : i32
      %add3A_129 = arith.constant 1 : i32
      %add3A_130 = arith.addi %mul3A_128, %add3A_129 : i32
      %run_scoped3A_131 = arith.constant 1 : i32
      "tpu.region"() ({
        %run_scoped3A_145 = tpu.sem_alloc : memref<!tpu.dma_semaphore, #tpu.memory_space<semaphore_mem>>
        %dma_start3A_146 = arith.constant 0 : i32
        %dma_start3A_147 = arith.constant 0 : i32
        %dma_start3A_148 = tpu.memref_slice %arg7[%run_scoped3A_131, %dma_start3A_146, %dma_start3A_147] : memref<2x125x128xf32, #tpu.memory_space<vmem>> -> memref<1x125x128xf32, #tpu.memory_space<vmem>>
        %dma_start3A_149 = tpu.memref_squeeze %dma_start3A_148 : memref<1x125x128xf32, #tpu.memory_space<vmem>> -> memref<125x128xf32, #tpu.memory_space<vmem>>
        %dma_start3A_150 = arith.constant 0 : i32
        %dma_start3A_151 = tpu.memref_slice %arg6[%add3A_130, %dma_start3A_150] : memref<16x125xi32, #tpu.memory_space<vmem>> -> memref<1x125xi32, #tpu.memory_space<vmem>>
        %dma_start3A_152 = tpu.memref_squeeze %dma_start3A_151 : memref<1x125xi32, #tpu.memory_space<vmem>> -> memref<125xi32, #tpu.memory_space<vmem>>
        %dma_start3A_153 = arith.constant 0 : i32
        %dma_start3A_154 = arith.constant 0 : i32
        %dma_start3A_155 = tpu.memref_slice %arg8[%dma_start3A_153, %dma_start3A_154] : memref<10240x128xf32, #tpu.memory_space<vmem_shared>> -> memref<10240x128xf32, #tpu.memory_space<vmem_shared>>
        tpu.enqueue_indirect_dma source(%dma_start3A_149 : memref<125x128xf32, #tpu.memory_space<vmem>>) target(%dma_start3A_155 : memref<10240x128xf32, #tpu.memory_space<vmem_shared>>) offsets(%dma_start3A_152 : memref<125xi32, #tpu.memory_space<vmem>>) semaphore(%run_scoped3A_145 : memref<!tpu.dma_semaphore, #tpu.memory_space<semaphore_mem>>) {add = true}
        %dma_wait3A_156 = arith.constant 0 : i32
        %dma_wait3A_157 = arith.constant 0 : i32
        %dma_wait3A_158 = tpu.memref_slice %arg7[%run_scoped3A_131, %dma_wait3A_156, %dma_wait3A_157] : memref<2x125x128xf32, #tpu.memory_space<vmem>> -> memref<1x125x128xf32, #tpu.memory_space<vmem>>
        %dma_wait3A_159 = tpu.memref_squeeze %dma_wait3A_158 : memref<1x125x128xf32, #tpu.memory_space<vmem>> -> memref<125x128xf32, #tpu.memory_space<vmem>>
        %dma_wait3A_160 = arith.constant 0 : i32
        %dma_wait3A_161 = tpu.memref_slice %arg6[%add3A_130, %dma_wait3A_160] : memref<16x125xi32, #tpu.memory_space<vmem>> -> memref<1x125xi32, #tpu.memory_space<vmem>>
        %dma_wait3A_162 = tpu.memref_squeeze %dma_wait3A_161 : memref<1x125xi32, #tpu.memory_space<vmem>> -> memref<125xi32, #tpu.memory_space<vmem>>
        %dma_wait3A_163 = arith.constant 0 : i32
        %dma_wait3A_164 = arith.constant 0 : i32
        %dma_wait3A_165 = tpu.memref_slice %arg8[%dma_wait3A_163, %dma_wait3A_164] : memref<10240x128xf32, #tpu.memory_space<vmem_shared>> -> memref<10240x128xf32, #tpu.memory_space<vmem_shared>>
        tpu.wait_indirect_dma semaphore(%run_scoped3A_145 : memref<!tpu.dma_semaphore, #tpu.memory_space<semaphore_mem>>) src(%dma_wait3A_159 : memref<125x128xf32, #tpu.memory_space<vmem>>) dst(%dma_wait3A_165 : memref<10240x128xf32, #tpu.memory_space<vmem_shared>>)
        tpu.yield
      }) : () -> ()
      %add3A_132 = arith.constant 2 : i32
      %add3A_133 = arith.addi %add3A_89, %add3A_132 : i32
      %dma_start3A_134 = arith.constant 1 : i32
      %dma_start3A_135 = arith.constant 0 : i32
      %dma_start3A_136 = arith.constant 0 : i32
      %dma_start3A_137 = tpu.memref_slice %arg7[%dma_start3A_134, %dma_start3A_135, %dma_start3A_136] : memref<2x125x128xf32, #tpu.memory_space<vmem>> -> memref<1x125x128xf32, #tpu.memory_space<vmem>>
      %dma_start3A_138 = tpu.memref_squeeze %dma_start3A_137 : memref<1x125x128xf32, #tpu.memory_space<vmem>> -> memref<125x128xf32, #tpu.memory_space<vmem>>
      %dma_start3A_139 = arith.constant 0 : i32
      %dma_start3A_140 = tpu.memref_slice %arg5[%add3A_133, %dma_start3A_139] : memref<80x125xi32, #tpu.memory_space<vmem>> -> memref<1x125xi32, #tpu.memory_space<vmem>>
      %dma_start3A_141 = tpu.memref_squeeze %dma_start3A_140 : memref<1x125xi32, #tpu.memory_space<vmem>> -> memref<125xi32, #tpu.memory_space<vmem>>
      %dma_start3A_142 = arith.constant 0 : i32
      %dma_start3A_143 = arith.constant 0 : i32
      %dma_start3A_144 = tpu.memref_slice %arg2[%dma_start3A_142, %dma_start3A_143] : memref<10240x128xf32, #tpu.memory_space<hbm>> -> memref<10240x128xf32, #tpu.memory_space<hbm>>
      tpu.enqueue_indirect_dma source(%dma_start3A_144 : memref<10240x128xf32, #tpu.memory_space<hbm>>) target(%dma_start3A_138 : memref<125x128xf32, #tpu.memory_space<vmem>>) offsets(%dma_start3A_141 : memref<125xi32, #tpu.memory_space<vmem>>) semaphore(%arg10 : memref<!tpu.dma_semaphore, #tpu.memory_space<semaphore_mem>>)
    }
    %scan3A_37 = arith.constant 8 : i32
    %mul3A_38 = arith.constant 80 : i32
    %mul3A_39 = arith.muli %add3A, %mul3A_38 : i32
    %add3A_40 = arith.constant 16 : i32
    %add3A_41 = arith.addi %mul3A_39, %add3A_40 : i32
    %run_scoped3A_42 = arith.constant 1 : i32
    "tpu.region"() ({
      %run_scoped3A_83 = tpu.sem_alloc : memref<!tpu.dma_semaphore, #tpu.memory_space<semaphore_mem>>
      %dma_start3A_84 = arith.constant 0 : i32
      %dma_start3A_85 = tpu.memref_slice %arg3[%run_scoped3A_42, %add3A_41, %dma_start3A_84] : memref<2x2560x125xi32, #tpu.memory_space<hbm>> -> memref<1x16x125xi32, #tpu.memory_space<hbm>>
      %dma_start3A_86 = tpu.memref_squeeze %dma_start3A_85 : memref<1x16x125xi32, #tpu.memory_space<hbm>> -> memref<16x125xi32, #tpu.memory_space<hbm>>
      %dma_start3A_87 = arith.constant 0 : i32
      %dma_start3A_88 = tpu.memref_slice %arg3[%run_scoped3A_42, %add3A_41, %dma_start3A_87] : memref<2x2560x125xi32, #tpu.memory_space<hbm>> -> memref<1x16x125xi32, #tpu.memory_space<hbm>>
      %dma_start3A_89 = tpu.memref_squeeze %dma_start3A_88 : memref<1x16x125xi32, #tpu.memory_space<hbm>> -> memref<16x125xi32, #tpu.memory_space<hbm>>
      tpu.enqueue_dma source(%dma_start3A_89 : memref<16x125xi32, #tpu.memory_space<hbm>>) target(%arg6 : memref<16x125xi32, #tpu.memory_space<vmem>>) target_semaphore(%run_scoped3A_83 : memref<!tpu.dma_semaphore, #tpu.memory_space<semaphore_mem>>)
      %dma_wait3A = arith.constant 0 : i32
      %dma_wait3A_90 = tpu.memref_slice %arg3[%run_scoped3A_42, %add3A_41, %dma_wait3A] : memref<2x2560x125xi32, #tpu.memory_space<hbm>> -> memref<1x16x125xi32, #tpu.memory_space<hbm>>
      %dma_wait3A_91 = tpu.memref_squeeze %dma_wait3A_90 : memref<1x16x125xi32, #tpu.memory_space<hbm>> -> memref<16x125xi32, #tpu.memory_space<hbm>>
      %dma_wait3A_92 = arith.constant 0 : i32
      %dma_wait3A_93 = tpu.memref_slice %arg3[%run_scoped3A_42, %add3A_41, %dma_wait3A_92] : memref<2x2560x125xi32, #tpu.memory_space<hbm>> -> memref<1x16x125xi32, #tpu.memory_space<hbm>>
      %dma_wait3A_94 = tpu.memref_squeeze %dma_wait3A_93 : memref<1x16x125xi32, #tpu.memory_space<hbm>> -> memref<16x125xi32, #tpu.memory_space<hbm>>
      tpu.wait_dma2 semaphore(%run_scoped3A_83 : memref<!tpu.dma_semaphore, #tpu.memory_space<semaphore_mem>>) src(%dma_wait3A_94 : memref<16x125xi32, #tpu.memory_space<hbm>>) dst(%arg6 : memref<16x125xi32, #tpu.memory_space<vmem>>)
      tpu.yield
    }) : () -> ()
    %scan3A_43 = arith.constant 0 : i32
    %scan3A_44 = arith.constant 0 : i32
    %scan3A_45 = arith.constant 8 : i32
    %scan3A_46 = arith.addi %scan3A_44, %scan3A_45 : i32
    %scan3A_47 = arith.constant 1 : i32
    scf.for %scan3A_83 = %scan3A_44 to %scan3A_46 step %scan3A_47  : i32 {
      %mul3A_84 = arith.constant 2 : i32
      %mul3A_85 = arith.muli %mul3A_84, %scan3A_83 : i32
      %add3A_86 = arith.constant 16 : i32
      %add3A_87 = arith.addi %add3A_86, %mul3A_85 : i32
      %add3A_88 = arith.constant 1 : i32
      %add3A_89 = arith.addi %add3A_87, %add3A_88 : i32
      %dma_wait3A = arith.constant 0 : i32
      %dma_wait3A_90 = arith.constant 0 : i32
      %dma_wait3A_91 = arith.constant 0 : i32
      %dma_wait3A_92 = tpu.memref_slice %arg7[%dma_wait3A, %dma_wait3A_90, %dma_wait3A_91] : memref<2x125x128xf32, #tpu.memory_space<vmem>> -> memref<1x125x128xf32, #tpu.memory_space<vmem>>
      %dma_wait3A_93 = tpu.memref_squeeze %dma_wait3A_92 : memref<1x125x128xf32, #tpu.memory_space<vmem>> -> memref<125x128xf32, #tpu.memory_space<vmem>>
      %dma_wait3A_94 = arith.constant 0 : i32
      %dma_wait3A_95 = tpu.memref_slice %arg5[%add3A_87, %dma_wait3A_94] : memref<80x125xi32, #tpu.memory_space<vmem>> -> memref<1x125xi32, #tpu.memory_space<vmem>>
      %dma_wait3A_96 = tpu.memref_squeeze %dma_wait3A_95 : memref<1x125xi32, #tpu.memory_space<vmem>> -> memref<125xi32, #tpu.memory_space<vmem>>
      %dma_wait3A_97 = arith.constant 0 : i32
      %dma_wait3A_98 = arith.constant 0 : i32
      %dma_wait3A_99 = tpu.memref_slice %arg2[%dma_wait3A_97, %dma_wait3A_98] : memref<10240x128xf32, #tpu.memory_space<hbm>> -> memref<10240x128xf32, #tpu.memory_space<hbm>>
      tpu.wait_indirect_dma semaphore(%arg9 : memref<!tpu.dma_semaphore, #tpu.memory_space<semaphore_mem>>) src(%dma_wait3A_99 : memref<10240x128xf32, #tpu.memory_space<hbm>>) dst(%dma_wait3A_93 : memref<125x128xf32, #tpu.memory_space<vmem>>)
      %mul3A_100 = arith.constant 2 : i32
      %mul3A_101 = arith.muli %mul3A_100, %scan3A_83 : i32
      %run_scoped3A_102 = arith.constant 0 : i32
      "tpu.region"() ({
        %run_scoped3A_145 = tpu.sem_alloc : memref<!tpu.dma_semaphore, #tpu.memory_space<semaphore_mem>>
        %dma_start3A_146 = arith.constant 0 : i32
        %dma_start3A_147 = arith.constant 0 : i32
        %dma_start3A_148 = tpu.memref_slice %arg7[%run_scoped3A_102, %dma_start3A_146, %dma_start3A_147] : memref<2x125x128xf32, #tpu.memory_space<vmem>> -> memref<1x125x128xf32, #tpu.memory_space<vmem>>
        %dma_start3A_149 = tpu.memref_squeeze %dma_start3A_148 : memref<1x125x128xf32, #tpu.memory_space<vmem>> -> memref<125x128xf32, #tpu.memory_space<vmem>>
        %dma_start3A_150 = arith.constant 0 : i32
        %dma_start3A_151 = tpu.memref_slice %arg6[%mul3A_101, %dma_start3A_150] : memref<16x125xi32, #tpu.memory_space<vmem>> -> memref<1x125xi32, #tpu.memory_space<vmem>>
        %dma_start3A_152 = tpu.memref_squeeze %dma_start3A_151 : memref<1x125xi32, #tpu.memory_space<vmem>> -> memref<125xi32, #tpu.memory_space<vmem>>
        %dma_start3A_153 = arith.constant 0 : i32
        %dma_start3A_154 = arith.constant 0 : i32
        %dma_start3A_155 = tpu.memref_slice %arg8[%dma_start3A_153, %dma_start3A_154] : memref<10240x128xf32, #tpu.memory_space<vmem_shared>> -> memref<10240x128xf32, #tpu.memory_space<vmem_shared>>
        tpu.enqueue_indirect_dma source(%dma_start3A_149 : memref<125x128xf32, #tpu.memory_space<vmem>>) target(%dma_start3A_155 : memref<10240x128xf32, #tpu.memory_space<vmem_shared>>) offsets(%dma_start3A_152 : memref<125xi32, #tpu.memory_space<vmem>>) semaphore(%run_scoped3A_145 : memref<!tpu.dma_semaphore, #tpu.memory_space<semaphore_mem>>) {add = true}
        %dma_wait3A_156 = arith.constant 0 : i32
        %dma_wait3A_157 = arith.constant 0 : i32
        %dma_wait3A_158 = tpu.memref_slice %arg7[%run_scoped3A_102, %dma_wait3A_156, %dma_wait3A_157] : memref<2x125x128xf32, #tpu.memory_space<vmem>> -> memref<1x125x128xf32, #tpu.memory_space<vmem>>
        %dma_wait3A_159 = tpu.memref_squeeze %dma_wait3A_158 : memref<1x125x128xf32, #tpu.memory_space<vmem>> -> memref<125x128xf32, #tpu.memory_space<vmem>>
        %dma_wait3A_160 = arith.constant 0 : i32
        %dma_wait3A_161 = tpu.memref_slice %arg6[%mul3A_101, %dma_wait3A_160] : memref<16x125xi32, #tpu.memory_space<vmem>> -> memref<1x125xi32, #tpu.memory_space<vmem>>
        %dma_wait3A_162 = tpu.memref_squeeze %dma_wait3A_161 : memref<1x125xi32, #tpu.memory_space<vmem>> -> memref<125xi32, #tpu.memory_space<vmem>>
        %dma_wait3A_163 = arith.constant 0 : i32
        %dma_wait3A_164 = arith.constant 0 : i32
        %dma_wait3A_165 = tpu.memref_slice %arg8[%dma_wait3A_163, %dma_wait3A_164] : memref<10240x128xf32, #tpu.memory_space<vmem_shared>> -> memref<10240x128xf32, #tpu.memory_space<vmem_shared>>
        tpu.wait_indirect_dma semaphore(%run_scoped3A_145 : memref<!tpu.dma_semaphore, #tpu.memory_space<semaphore_mem>>) src(%dma_wait3A_159 : memref<125x128xf32, #tpu.memory_space<vmem>>) dst(%dma_wait3A_165 : memref<10240x128xf32, #tpu.memory_space<vmem_shared>>)
        tpu.yield
      }) : () -> ()
      %add3A_103 = arith.constant 2 : i32
      %add3A_104 = arith.addi %add3A_87, %add3A_103 : i32
      %dma_start3A_105 = arith.constant 0 : i32
      %dma_start3A_106 = arith.constant 0 : i32
      %dma_start3A_107 = arith.constant 0 : i32
      %dma_start3A_108 = tpu.memref_slice %arg7[%dma_start3A_105, %dma_start3A_106, %dma_start3A_107] : memref<2x125x128xf32, #tpu.memory_space<vmem>> -> memref<1x125x128xf32, #tpu.memory_space<vmem>>
      %dma_start3A_109 = tpu.memref_squeeze %dma_start3A_108 : memref<1x125x128xf32, #tpu.memory_space<vmem>> -> memref<125x128xf32, #tpu.memory_space<vmem>>
      %dma_start3A_110 = arith.constant 0 : i32
      %dma_start3A_111 = tpu.memref_slice %arg5[%add3A_104, %dma_start3A_110] : memref<80x125xi32, #tpu.memory_space<vmem>> -> memref<1x125xi32, #tpu.memory_space<vmem>>
      %dma_start3A_112 = tpu.memref_squeeze %dma_start3A_111 : memref<1x125xi32, #tpu.memory_space<vmem>> -> memref<125xi32, #tpu.memory_space<vmem>>
      %dma_start3A_113 = arith.constant 0 : i32
      %dma_start3A_114 = arith.constant 0 : i32
      %dma_start3A_115 = tpu.memref_slice %arg2[%dma_start3A_113, %dma_start3A_114] : memref<10240x128xf32, #tpu.memory_space<hbm>> -> memref<10240x128xf32, #tpu.memory_space<hbm>>
      tpu.enqueue_indirect_dma source(%dma_start3A_115 : memref<10240x128xf32, #tpu.memory_space<hbm>>) target(%dma_start3A_109 : memref<125x128xf32, #tpu.memory_space<vmem>>) offsets(%dma_start3A_112 : memref<125xi32, #tpu.memory_space<vmem>>) semaphore(%arg9 : memref<!tpu.dma_semaphore, #tpu.memory_space<semaphore_mem>>)
      %dma_wait3A_116 = arith.constant 1 : i32
      %dma_wait3A_117 = arith.constant 0 : i32
      %dma_wait3A_118 = arith.constant 0 : i32
      %dma_wait3A_119 = tpu.memref_slice %arg7[%dma_wait3A_116, %dma_wait3A_117, %dma_wait3A_118] : memref<2x125x128xf32, #tpu.memory_space<vmem>> -> memref<1x125x128xf32, #tpu.memory_space<vmem>>
      %dma_wait3A_120 = tpu.memref_squeeze %dma_wait3A_119 : memref<1x125x128xf32, #tpu.memory_space<vmem>> -> memref<125x128xf32, #tpu.memory_space<vmem>>
      %dma_wait3A_121 = arith.constant 0 : i32
      %dma_wait3A_122 = tpu.memref_slice %arg5[%add3A_89, %dma_wait3A_121] : memref<80x125xi32, #tpu.memory_space<vmem>> -> memref<1x125xi32, #tpu.memory_space<vmem>>
      %dma_wait3A_123 = tpu.memref_squeeze %dma_wait3A_122 : memref<1x125xi32, #tpu.memory_space<vmem>> -> memref<125xi32, #tpu.memory_space<vmem>>
      %dma_wait3A_124 = arith.constant 0 : i32
      %dma_wait3A_125 = arith.constant 0 : i32
      %dma_wait3A_126 = tpu.memref_slice %arg2[%dma_wait3A_124, %dma_wait3A_125] : memref<10240x128xf32, #tpu.memory_space<hbm>> -> memref<10240x128xf32, #tpu.memory_space<hbm>>
      tpu.wait_indirect_dma semaphore(%arg10 : memref<!tpu.dma_semaphore, #tpu.memory_space<semaphore_mem>>) src(%dma_wait3A_126 : memref<10240x128xf32, #tpu.memory_space<hbm>>) dst(%dma_wait3A_120 : memref<125x128xf32, #tpu.memory_space<vmem>>)
      %mul3A_127 = arith.constant 2 : i32
      %mul3A_128 = arith.muli %mul3A_127, %scan3A_83 : i32
      %add3A_129 = arith.constant 1 : i32
      %add3A_130 = arith.addi %mul3A_128, %add3A_129 : i32
      %run_scoped3A_131 = arith.constant 1 : i32
      "tpu.region"() ({
        %run_scoped3A_145 = tpu.sem_alloc : memref<!tpu.dma_semaphore, #tpu.memory_space<semaphore_mem>>
        %dma_start3A_146 = arith.constant 0 : i32
        %dma_start3A_147 = arith.constant 0 : i32
        %dma_start3A_148 = tpu.memref_slice %arg7[%run_scoped3A_131, %dma_start3A_146, %dma_start3A_147] : memref<2x125x128xf32, #tpu.memory_space<vmem>> -> memref<1x125x128xf32, #tpu.memory_space<vmem>>
        %dma_start3A_149 = tpu.memref_squeeze %dma_start3A_148 : memref<1x125x128xf32, #tpu.memory_space<vmem>> -> memref<125x128xf32, #tpu.memory_space<vmem>>
        %dma_start3A_150 = arith.constant 0 : i32
        %dma_start3A_151 = tpu.memref_slice %arg6[%add3A_130, %dma_start3A_150] : memref<16x125xi32, #tpu.memory_space<vmem>> -> memref<1x125xi32, #tpu.memory_space<vmem>>
        %dma_start3A_152 = tpu.memref_squeeze %dma_start3A_151 : memref<1x125xi32, #tpu.memory_space<vmem>> -> memref<125xi32, #tpu.memory_space<vmem>>
        %dma_start3A_153 = arith.constant 0 : i32
        %dma_start3A_154 = arith.constant 0 : i32
        %dma_start3A_155 = tpu.memref_slice %arg8[%dma_start3A_153, %dma_start3A_154] : memref<10240x128xf32, #tpu.memory_space<vmem_shared>> -> memref<10240x128xf32, #tpu.memory_space<vmem_shared>>
        tpu.enqueue_indirect_dma source(%dma_start3A_149 : memref<125x128xf32, #tpu.memory_space<vmem>>) target(%dma_start3A_155 : memref<10240x128xf32, #tpu.memory_space<vmem_shared>>) offsets(%dma_start3A_152 : memref<125xi32, #tpu.memory_space<vmem>>) semaphore(%run_scoped3A_145 : memref<!tpu.dma_semaphore, #tpu.memory_space<semaphore_mem>>) {add = true}
        %dma_wait3A_156 = arith.constant 0 : i32
        %dma_wait3A_157 = arith.constant 0 : i32
        %dma_wait3A_158 = tpu.memref_slice %arg7[%run_scoped3A_131, %dma_wait3A_156, %dma_wait3A_157] : memref<2x125x128xf32, #tpu.memory_space<vmem>> -> memref<1x125x128xf32, #tpu.memory_space<vmem>>
        %dma_wait3A_159 = tpu.memref_squeeze %dma_wait3A_158 : memref<1x125x128xf32, #tpu.memory_space<vmem>> -> memref<125x128xf32, #tpu.memory_space<vmem>>
        %dma_wait3A_160 = arith.constant 0 : i32
        %dma_wait3A_161 = tpu.memref_slice %arg6[%add3A_130, %dma_wait3A_160] : memref<16x125xi32, #tpu.memory_space<vmem>> -> memref<1x125xi32, #tpu.memory_space<vmem>>
        %dma_wait3A_162 = tpu.memref_squeeze %dma_wait3A_161 : memref<1x125xi32, #tpu.memory_space<vmem>> -> memref<125xi32, #tpu.memory_space<vmem>>
        %dma_wait3A_163 = arith.constant 0 : i32
        %dma_wait3A_164 = arith.constant 0 : i32
        %dma_wait3A_165 = tpu.memref_slice %arg8[%dma_wait3A_163, %dma_wait3A_164] : memref<10240x128xf32, #tpu.memory_space<vmem_shared>> -> memref<10240x128xf32, #tpu.memory_space<vmem_shared>>
        tpu.wait_indirect_dma semaphore(%run_scoped3A_145 : memref<!tpu.dma_semaphore, #tpu.memory_space<semaphore_mem>>) src(%dma_wait3A_159 : memref<125x128xf32, #tpu.memory_space<vmem>>) dst(%dma_wait3A_165 : memref<10240x128xf32, #tpu.memory_space<vmem_shared>>)
        tpu.yield
      }) : () -> ()
      %add3A_132 = arith.constant 2 : i32
      %add3A_133 = arith.addi %add3A_89, %add3A_132 : i32
      %dma_start3A_134 = arith.constant 1 : i32
      %dma_start3A_135 = arith.constant 0 : i32
      %dma_start3A_136 = arith.constant 0 : i32
      %dma_start3A_137 = tpu.memref_slice %arg7[%dma_start3A_134, %dma_start3A_135, %dma_start3A_136] : memref<2x125x128xf32, #tpu.memory_space<vmem>> -> memref<1x125x128xf32, #tpu.memory_space<vmem>>
      %dma_start3A_138 = tpu.memref_squeeze %dma_start3A_137 : memref<1x125x128xf32, #tpu.memory_space<vmem>> -> memref<125x128xf32, #tpu.memory_space<vmem>>
      %dma_start3A_139 = arith.constant 0 : i32
      %dma_start3A_140 = tpu.memref_slice %arg5[%add3A_133, %dma_start3A_139] : memref<80x125xi32, #tpu.memory_space<vmem>> -> memref<1x125xi32, #tpu.memory_space<vmem>>
      %dma_start3A_141 = tpu.memref_squeeze %dma_start3A_140 : memref<1x125xi32, #tpu.memory_space<vmem>> -> memref<125xi32, #tpu.memory_space<vmem>>
      %dma_start3A_142 = arith.constant 0 : i32
      %dma_start3A_143 = arith.constant 0 : i32
      %dma_start3A_144 = tpu.memref_slice %arg2[%dma_start3A_142, %dma_start3A_143] : memref<10240x128xf32, #tpu.memory_space<hbm>> -> memref<10240x128xf32, #tpu.memory_space<hbm>>
      tpu.enqueue_indirect_dma source(%dma_start3A_144 : memref<10240x128xf32, #tpu.memory_space<hbm>>) target(%dma_start3A_138 : memref<125x128xf32, #tpu.memory_space<vmem>>) offsets(%dma_start3A_141 : memref<125xi32, #tpu.memory_space<vmem>>) semaphore(%arg10 : memref<!tpu.dma_semaphore, #tpu.memory_space<semaphore_mem>>)
    }
    %scan3A_48 = arith.constant 8 : i32
    %mul3A_49 = arith.constant 80 : i32
    %mul3A_50 = arith.muli %add3A, %mul3A_49 : i32
    %add3A_51 = arith.constant 32 : i32
    %add3A_52 = arith.addi %mul3A_50, %add3A_51 : i32
    %run_scoped3A_53 = arith.constant 1 : i32
    "tpu.region"() ({
      %run_scoped3A_83 = tpu.sem_alloc : memref<!tpu.dma_semaphore, #tpu.memory_space<semaphore_mem>>
      %dma_start3A_84 = arith.constant 0 : i32
      %dma_start3A_85 = tpu.memref_slice %arg3[%run_scoped3A_53, %add3A_52, %dma_start3A_84] : memref<2x2560x125xi32, #tpu.memory_space<hbm>> -> memref<1x16x125xi32, #tpu.memory_space<hbm>>
      %dma_start3A_86 = tpu.memref_squeeze %dma_start3A_85 : memref<1x16x125xi32, #tpu.memory_space<hbm>> -> memref<16x125xi32, #tpu.memory_space<hbm>>
      %dma_start3A_87 = arith.constant 0 : i32
      %dma_start3A_88 = tpu.memref_slice %arg3[%run_scoped3A_53, %add3A_52, %dma_start3A_87] : memref<2x2560x125xi32, #tpu.memory_space<hbm>> -> memref<1x16x125xi32, #tpu.memory_space<hbm>>
      %dma_start3A_89 = tpu.memref_squeeze %dma_start3A_88 : memref<1x16x125xi32, #tpu.memory_space<hbm>> -> memref<16x125xi32, #tpu.memory_space<hbm>>
      tpu.enqueue_dma source(%dma_start3A_89 : memref<16x125xi32, #tpu.memory_space<hbm>>) target(%arg6 : memref<16x125xi32, #tpu.memory_space<vmem>>) target_semaphore(%run_scoped3A_83 : memref<!tpu.dma_semaphore, #tpu.memory_space<semaphore_mem>>)
      %dma_wait3A = arith.constant 0 : i32
      %dma_wait3A_90 = tpu.memref_slice %arg3[%run_scoped3A_53, %add3A_52, %dma_wait3A] : memref<2x2560x125xi32, #tpu.memory_space<hbm>> -> memref<1x16x125xi32, #tpu.memory_space<hbm>>
      %dma_wait3A_91 = tpu.memref_squeeze %dma_wait3A_90 : memref<1x16x125xi32, #tpu.memory_space<hbm>> -> memref<16x125xi32, #tpu.memory_space<hbm>>
      %dma_wait3A_92 = arith.constant 0 : i32
      %dma_wait3A_93 = tpu.memref_slice %arg3[%run_scoped3A_53, %add3A_52, %dma_wait3A_92] : memref<2x2560x125xi32, #tpu.memory_space<hbm>> -> memref<1x16x125xi32, #tpu.memory_space<hbm>>
      %dma_wait3A_94 = tpu.memref_squeeze %dma_wait3A_93 : memref<1x16x125xi32, #tpu.memory_space<hbm>> -> memref<16x125xi32, #tpu.memory_space<hbm>>
      tpu.wait_dma2 semaphore(%run_scoped3A_83 : memref<!tpu.dma_semaphore, #tpu.memory_space<semaphore_mem>>) src(%dma_wait3A_94 : memref<16x125xi32, #tpu.memory_space<hbm>>) dst(%arg6 : memref<16x125xi32, #tpu.memory_space<vmem>>)
      tpu.yield
    }) : () -> ()
    %scan3A_54 = arith.constant 0 : i32
    %scan3A_55 = arith.constant 0 : i32
    %scan3A_56 = arith.constant 8 : i32
    %scan3A_57 = arith.addi %scan3A_55, %scan3A_56 : i32
    %scan3A_58 = arith.constant 1 : i32
    scf.for %scan3A_83 = %scan3A_55 to %scan3A_57 step %scan3A_58  : i32 {
      %mul3A_84 = arith.constant 2 : i32
      %mul3A_85 = arith.muli %mul3A_84, %scan3A_83 : i32
      %add3A_86 = arith.constant 32 : i32
      %add3A_87 = arith.addi %add3A_86, %mul3A_85 : i32
      %add3A_88 = arith.constant 1 : i32
      %add3A_89 = arith.addi %add3A_87, %add3A_88 : i32
      %dma_wait3A = arith.constant 0 : i32
      %dma_wait3A_90 = arith.constant 0 : i32
      %dma_wait3A_91 = arith.constant 0 : i32
      %dma_wait3A_92 = tpu.memref_slice %arg7[%dma_wait3A, %dma_wait3A_90, %dma_wait3A_91] : memref<2x125x128xf32, #tpu.memory_space<vmem>> -> memref<1x125x128xf32, #tpu.memory_space<vmem>>
      %dma_wait3A_93 = tpu.memref_squeeze %dma_wait3A_92 : memref<1x125x128xf32, #tpu.memory_space<vmem>> -> memref<125x128xf32, #tpu.memory_space<vmem>>
      %dma_wait3A_94 = arith.constant 0 : i32
      %dma_wait3A_95 = tpu.memref_slice %arg5[%add3A_87, %dma_wait3A_94] : memref<80x125xi32, #tpu.memory_space<vmem>> -> memref<1x125xi32, #tpu.memory_space<vmem>>
      %dma_wait3A_96 = tpu.memref_squeeze %dma_wait3A_95 : memref<1x125xi32, #tpu.memory_space<vmem>> -> memref<125xi32, #tpu.memory_space<vmem>>
      %dma_wait3A_97 = arith.constant 0 : i32
      %dma_wait3A_98 = arith.constant 0 : i32
      %dma_wait3A_99 = tpu.memref_slice %arg2[%dma_wait3A_97, %dma_wait3A_98] : memref<10240x128xf32, #tpu.memory_space<hbm>> -> memref<10240x128xf32, #tpu.memory_space<hbm>>
      tpu.wait_indirect_dma semaphore(%arg9 : memref<!tpu.dma_semaphore, #tpu.memory_space<semaphore_mem>>) src(%dma_wait3A_99 : memref<10240x128xf32, #tpu.memory_space<hbm>>) dst(%dma_wait3A_93 : memref<125x128xf32, #tpu.memory_space<vmem>>)
      %mul3A_100 = arith.constant 2 : i32
      %mul3A_101 = arith.muli %mul3A_100, %scan3A_83 : i32
      %run_scoped3A_102 = arith.constant 0 : i32
      "tpu.region"() ({
        %run_scoped3A_145 = tpu.sem_alloc : memref<!tpu.dma_semaphore, #tpu.memory_space<semaphore_mem>>
        %dma_start3A_146 = arith.constant 0 : i32
        %dma_start3A_147 = arith.constant 0 : i32
        %dma_start3A_148 = tpu.memref_slice %arg7[%run_scoped3A_102, %dma_start3A_146, %dma_start3A_147] : memref<2x125x128xf32, #tpu.memory_space<vmem>> -> memref<1x125x128xf32, #tpu.memory_space<vmem>>
        %dma_start3A_149 = tpu.memref_squeeze %dma_start3A_148 : memref<1x125x128xf32, #tpu.memory_space<vmem>> -> memref<125x128xf32, #tpu.memory_space<vmem>>
        %dma_start3A_150 = arith.constant 0 : i32
        %dma_start3A_151 = tpu.memref_slice %arg6[%mul3A_101, %dma_start3A_150] : memref<16x125xi32, #tpu.memory_space<vmem>> -> memref<1x125xi32, #tpu.memory_space<vmem>>
        %dma_start3A_152 = tpu.memref_squeeze %dma_start3A_151 : memref<1x125xi32, #tpu.memory_space<vmem>> -> memref<125xi32, #tpu.memory_space<vmem>>
        %dma_start3A_153 = arith.constant 0 : i32
        %dma_start3A_154 = arith.constant 0 : i32
        %dma_start3A_155 = tpu.memref_slice %arg8[%dma_start3A_153, %dma_start3A_154] : memref<10240x128xf32, #tpu.memory_space<vmem_shared>> -> memref<10240x128xf32, #tpu.memory_space<vmem_shared>>
        tpu.enqueue_indirect_dma source(%dma_start3A_149 : memref<125x128xf32, #tpu.memory_space<vmem>>) target(%dma_start3A_155 : memref<10240x128xf32, #tpu.memory_space<vmem_shared>>) offsets(%dma_start3A_152 : memref<125xi32, #tpu.memory_space<vmem>>) semaphore(%run_scoped3A_145 : memref<!tpu.dma_semaphore, #tpu.memory_space<semaphore_mem>>) {add = true}
        %dma_wait3A_156 = arith.constant 0 : i32
        %dma_wait3A_157 = arith.constant 0 : i32
        %dma_wait3A_158 = tpu.memref_slice %arg7[%run_scoped3A_102, %dma_wait3A_156, %dma_wait3A_157] : memref<2x125x128xf32, #tpu.memory_space<vmem>> -> memref<1x125x128xf32, #tpu.memory_space<vmem>>
        %dma_wait3A_159 = tpu.memref_squeeze %dma_wait3A_158 : memref<1x125x128xf32, #tpu.memory_space<vmem>> -> memref<125x128xf32, #tpu.memory_space<vmem>>
        %dma_wait3A_160 = arith.constant 0 : i32
        %dma_wait3A_161 = tpu.memref_slice %arg6[%mul3A_101, %dma_wait3A_160] : memref<16x125xi32, #tpu.memory_space<vmem>> -> memref<1x125xi32, #tpu.memory_space<vmem>>
        %dma_wait3A_162 = tpu.memref_squeeze %dma_wait3A_161 : memref<1x125xi32, #tpu.memory_space<vmem>> -> memref<125xi32, #tpu.memory_space<vmem>>
        %dma_wait3A_163 = arith.constant 0 : i32
        %dma_wait3A_164 = arith.constant 0 : i32
        %dma_wait3A_165 = tpu.memref_slice %arg8[%dma_wait3A_163, %dma_wait3A_164] : memref<10240x128xf32, #tpu.memory_space<vmem_shared>> -> memref<10240x128xf32, #tpu.memory_space<vmem_shared>>
        tpu.wait_indirect_dma semaphore(%run_scoped3A_145 : memref<!tpu.dma_semaphore, #tpu.memory_space<semaphore_mem>>) src(%dma_wait3A_159 : memref<125x128xf32, #tpu.memory_space<vmem>>) dst(%dma_wait3A_165 : memref<10240x128xf32, #tpu.memory_space<vmem_shared>>)
        tpu.yield
      }) : () -> ()
      %add3A_103 = arith.constant 2 : i32
      %add3A_104 = arith.addi %add3A_87, %add3A_103 : i32
      %dma_start3A_105 = arith.constant 0 : i32
      %dma_start3A_106 = arith.constant 0 : i32
      %dma_start3A_107 = arith.constant 0 : i32
      %dma_start3A_108 = tpu.memref_slice %arg7[%dma_start3A_105, %dma_start3A_106, %dma_start3A_107] : memref<2x125x128xf32, #tpu.memory_space<vmem>> -> memref<1x125x128xf32, #tpu.memory_space<vmem>>
      %dma_start3A_109 = tpu.memref_squeeze %dma_start3A_108 : memref<1x125x128xf32, #tpu.memory_space<vmem>> -> memref<125x128xf32, #tpu.memory_space<vmem>>
      %dma_start3A_110 = arith.constant 0 : i32
      %dma_start3A_111 = tpu.memref_slice %arg5[%add3A_104, %dma_start3A_110] : memref<80x125xi32, #tpu.memory_space<vmem>> -> memref<1x125xi32, #tpu.memory_space<vmem>>
      %dma_start3A_112 = tpu.memref_squeeze %dma_start3A_111 : memref<1x125xi32, #tpu.memory_space<vmem>> -> memref<125xi32, #tpu.memory_space<vmem>>
      %dma_start3A_113 = arith.constant 0 : i32
      %dma_start3A_114 = arith.constant 0 : i32
      %dma_start3A_115 = tpu.memref_slice %arg2[%dma_start3A_113, %dma_start3A_114] : memref<10240x128xf32, #tpu.memory_space<hbm>> -> memref<10240x128xf32, #tpu.memory_space<hbm>>
      tpu.enqueue_indirect_dma source(%dma_start3A_115 : memref<10240x128xf32, #tpu.memory_space<hbm>>) target(%dma_start3A_109 : memref<125x128xf32, #tpu.memory_space<vmem>>) offsets(%dma_start3A_112 : memref<125xi32, #tpu.memory_space<vmem>>) semaphore(%arg9 : memref<!tpu.dma_semaphore, #tpu.memory_space<semaphore_mem>>)
      %dma_wait3A_116 = arith.constant 1 : i32
      %dma_wait3A_117 = arith.constant 0 : i32
      %dma_wait3A_118 = arith.constant 0 : i32
      %dma_wait3A_119 = tpu.memref_slice %arg7[%dma_wait3A_116, %dma_wait3A_117, %dma_wait3A_118] : memref<2x125x128xf32, #tpu.memory_space<vmem>> -> memref<1x125x128xf32, #tpu.memory_space<vmem>>
      %dma_wait3A_120 = tpu.memref_squeeze %dma_wait3A_119 : memref<1x125x128xf32, #tpu.memory_space<vmem>> -> memref<125x128xf32, #tpu.memory_space<vmem>>
      %dma_wait3A_121 = arith.constant 0 : i32
      %dma_wait3A_122 = tpu.memref_slice %arg5[%add3A_89, %dma_wait3A_121] : memref<80x125xi32, #tpu.memory_space<vmem>> -> memref<1x125xi32, #tpu.memory_space<vmem>>
      %dma_wait3A_123 = tpu.memref_squeeze %dma_wait3A_122 : memref<1x125xi32, #tpu.memory_space<vmem>> -> memref<125xi32, #tpu.memory_space<vmem>>
      %dma_wait3A_124 = arith.constant 0 : i32
      %dma_wait3A_125 = arith.constant 0 : i32
      %dma_wait3A_126 = tpu.memref_slice %arg2[%dma_wait3A_124, %dma_wait3A_125] : memref<10240x128xf32, #tpu.memory_space<hbm>> -> memref<10240x128xf32, #tpu.memory_space<hbm>>
      tpu.wait_indirect_dma semaphore(%arg10 : memref<!tpu.dma_semaphore, #tpu.memory_space<semaphore_mem>>) src(%dma_wait3A_126 : memref<10240x128xf32, #tpu.memory_space<hbm>>) dst(%dma_wait3A_120 : memref<125x128xf32, #tpu.memory_space<vmem>>)
      %mul3A_127 = arith.constant 2 : i32
      %mul3A_128 = arith.muli %mul3A_127, %scan3A_83 : i32
      %add3A_129 = arith.constant 1 : i32
      %add3A_130 = arith.addi %mul3A_128, %add3A_129 : i32
      %run_scoped3A_131 = arith.constant 1 : i32
      "tpu.region"() ({
        %run_scoped3A_145 = tpu.sem_alloc : memref<!tpu.dma_semaphore, #tpu.memory_space<semaphore_mem>>
        %dma_start3A_146 = arith.constant 0 : i32
        %dma_start3A_147 = arith.constant 0 : i32
        %dma_start3A_148 = tpu.memref_slice %arg7[%run_scoped3A_131, %dma_start3A_146, %dma_start3A_147] : memref<2x125x128xf32, #tpu.memory_space<vmem>> -> memref<1x125x128xf32, #tpu.memory_space<vmem>>
        %dma_start3A_149 = tpu.memref_squeeze %dma_start3A_148 : memref<1x125x128xf32, #tpu.memory_space<vmem>> -> memref<125x128xf32, #tpu.memory_space<vmem>>
        %dma_start3A_150 = arith.constant 0 : i32
        %dma_start3A_151 = tpu.memref_slice %arg6[%add3A_130, %dma_start3A_150] : memref<16x125xi32, #tpu.memory_space<vmem>> -> memref<1x125xi32, #tpu.memory_space<vmem>>
        %dma_start3A_152 = tpu.memref_squeeze %dma_start3A_151 : memref<1x125xi32, #tpu.memory_space<vmem>> -> memref<125xi32, #tpu.memory_space<vmem>>
        %dma_start3A_153 = arith.constant 0 : i32
        %dma_start3A_154 = arith.constant 0 : i32
        %dma_start3A_155 = tpu.memref_slice %arg8[%dma_start3A_153, %dma_start3A_154] : memref<10240x128xf32, #tpu.memory_space<vmem_shared>> -> memref<10240x128xf32, #tpu.memory_space<vmem_shared>>
        tpu.enqueue_indirect_dma source(%dma_start3A_149 : memref<125x128xf32, #tpu.memory_space<vmem>>) target(%dma_start3A_155 : memref<10240x128xf32, #tpu.memory_space<vmem_shared>>) offsets(%dma_start3A_152 : memref<125xi32, #tpu.memory_space<vmem>>) semaphore(%run_scoped3A_145 : memref<!tpu.dma_semaphore, #tpu.memory_space<semaphore_mem>>) {add = true}
        %dma_wait3A_156 = arith.constant 0 : i32
        %dma_wait3A_157 = arith.constant 0 : i32
        %dma_wait3A_158 = tpu.memref_slice %arg7[%run_scoped3A_131, %dma_wait3A_156, %dma_wait3A_157] : memref<2x125x128xf32, #tpu.memory_space<vmem>> -> memref<1x125x128xf32, #tpu.memory_space<vmem>>
        %dma_wait3A_159 = tpu.memref_squeeze %dma_wait3A_158 : memref<1x125x128xf32, #tpu.memory_space<vmem>> -> memref<125x128xf32, #tpu.memory_space<vmem>>
        %dma_wait3A_160 = arith.constant 0 : i32
        %dma_wait3A_161 = tpu.memref_slice %arg6[%add3A_130, %dma_wait3A_160] : memref<16x125xi32, #tpu.memory_space<vmem>> -> memref<1x125xi32, #tpu.memory_space<vmem>>
        %dma_wait3A_162 = tpu.memref_squeeze %dma_wait3A_161 : memref<1x125xi32, #tpu.memory_space<vmem>> -> memref<125xi32, #tpu.memory_space<vmem>>
        %dma_wait3A_163 = arith.constant 0 : i32
        %dma_wait3A_164 = arith.constant 0 : i32
        %dma_wait3A_165 = tpu.memref_slice %arg8[%dma_wait3A_163, %dma_wait3A_164] : memref<10240x128xf32, #tpu.memory_space<vmem_shared>> -> memref<10240x128xf32, #tpu.memory_space<vmem_shared>>
        tpu.wait_indirect_dma semaphore(%run_scoped3A_145 : memref<!tpu.dma_semaphore, #tpu.memory_space<semaphore_mem>>) src(%dma_wait3A_159 : memref<125x128xf32, #tpu.memory_space<vmem>>) dst(%dma_wait3A_165 : memref<10240x128xf32, #tpu.memory_space<vmem_shared>>)
        tpu.yield
      }) : () -> ()
      %add3A_132 = arith.constant 2 : i32
      %add3A_133 = arith.addi %add3A_89, %add3A_132 : i32
      %dma_start3A_134 = arith.constant 1 : i32
      %dma_start3A_135 = arith.constant 0 : i32
      %dma_start3A_136 = arith.constant 0 : i32
      %dma_start3A_137 = tpu.memref_slice %arg7[%dma_start3A_134, %dma_start3A_135, %dma_start3A_136] : memref<2x125x128xf32, #tpu.memory_space<vmem>> -> memref<1x125x128xf32, #tpu.memory_space<vmem>>
      %dma_start3A_138 = tpu.memref_squeeze %dma_start3A_137 : memref<1x125x128xf32, #tpu.memory_space<vmem>> -> memref<125x128xf32, #tpu.memory_space<vmem>>
      %dma_start3A_139 = arith.constant 0 : i32
      %dma_start3A_140 = tpu.memref_slice %arg5[%add3A_133, %dma_start3A_139] : memref<80x125xi32, #tpu.memory_space<vmem>> -> memref<1x125xi32, #tpu.memory_space<vmem>>
      %dma_start3A_141 = tpu.memref_squeeze %dma_start3A_140 : memref<1x125xi32, #tpu.memory_space<vmem>> -> memref<125xi32, #tpu.memory_space<vmem>>
      %dma_start3A_142 = arith.constant 0 : i32
      %dma_start3A_143 = arith.constant 0 : i32
      %dma_start3A_144 = tpu.memref_slice %arg2[%dma_start3A_142, %dma_start3A_143] : memref<10240x128xf32, #tpu.memory_space<hbm>> -> memref<10240x128xf32, #tpu.memory_space<hbm>>
      tpu.enqueue_indirect_dma source(%dma_start3A_144 : memref<10240x128xf32, #tpu.memory_space<hbm>>) target(%dma_start3A_138 : memref<125x128xf32, #tpu.memory_space<vmem>>) offsets(%dma_start3A_141 : memref<125xi32, #tpu.memory_space<vmem>>) semaphore(%arg10 : memref<!tpu.dma_semaphore, #tpu.memory_space<semaphore_mem>>)
    }
    %scan3A_59 = arith.constant 8 : i32
    %mul3A_60 = arith.constant 80 : i32
    %mul3A_61 = arith.muli %add3A, %mul3A_60 : i32
    %add3A_62 = arith.constant 48 : i32
    %add3A_63 = arith.addi %mul3A_61, %add3A_62 : i32
    %run_scoped3A_64 = arith.constant 1 : i32
    "tpu.region"() ({
      %run_scoped3A_83 = tpu.sem_alloc : memref<!tpu.dma_semaphore, #tpu.memory_space<semaphore_mem>>
      %dma_start3A_84 = arith.constant 0 : i32
      %dma_start3A_85 = tpu.memref_slice %arg3[%run_scoped3A_64, %add3A_63, %dma_start3A_84] : memref<2x2560x125xi32, #tpu.memory_space<hbm>> -> memref<1x16x125xi32, #tpu.memory_space<hbm>>
      %dma_start3A_86 = tpu.memref_squeeze %dma_start3A_85 : memref<1x16x125xi32, #tpu.memory_space<hbm>> -> memref<16x125xi32, #tpu.memory_space<hbm>>
      %dma_start3A_87 = arith.constant 0 : i32
      %dma_start3A_88 = tpu.memref_slice %arg3[%run_scoped3A_64, %add3A_63, %dma_start3A_87] : memref<2x2560x125xi32, #tpu.memory_space<hbm>> -> memref<1x16x125xi32, #tpu.memory_space<hbm>>
      %dma_start3A_89 = tpu.memref_squeeze %dma_start3A_88 : memref<1x16x125xi32, #tpu.memory_space<hbm>> -> memref<16x125xi32, #tpu.memory_space<hbm>>
      tpu.enqueue_dma source(%dma_start3A_89 : memref<16x125xi32, #tpu.memory_space<hbm>>) target(%arg6 : memref<16x125xi32, #tpu.memory_space<vmem>>) target_semaphore(%run_scoped3A_83 : memref<!tpu.dma_semaphore, #tpu.memory_space<semaphore_mem>>)
      %dma_wait3A = arith.constant 0 : i32
      %dma_wait3A_90 = tpu.memref_slice %arg3[%run_scoped3A_64, %add3A_63, %dma_wait3A] : memref<2x2560x125xi32, #tpu.memory_space<hbm>> -> memref<1x16x125xi32, #tpu.memory_space<hbm>>
      %dma_wait3A_91 = tpu.memref_squeeze %dma_wait3A_90 : memref<1x16x125xi32, #tpu.memory_space<hbm>> -> memref<16x125xi32, #tpu.memory_space<hbm>>
      %dma_wait3A_92 = arith.constant 0 : i32
      %dma_wait3A_93 = tpu.memref_slice %arg3[%run_scoped3A_64, %add3A_63, %dma_wait3A_92] : memref<2x2560x125xi32, #tpu.memory_space<hbm>> -> memref<1x16x125xi32, #tpu.memory_space<hbm>>
      %dma_wait3A_94 = tpu.memref_squeeze %dma_wait3A_93 : memref<1x16x125xi32, #tpu.memory_space<hbm>> -> memref<16x125xi32, #tpu.memory_space<hbm>>
      tpu.wait_dma2 semaphore(%run_scoped3A_83 : memref<!tpu.dma_semaphore, #tpu.memory_space<semaphore_mem>>) src(%dma_wait3A_94 : memref<16x125xi32, #tpu.memory_space<hbm>>) dst(%arg6 : memref<16x125xi32, #tpu.memory_space<vmem>>)
      tpu.yield
    }) : () -> ()
    %scan3A_65 = arith.constant 0 : i32
    %scan3A_66 = arith.constant 0 : i32
    %scan3A_67 = arith.constant 8 : i32
    %scan3A_68 = arith.addi %scan3A_66, %scan3A_67 : i32
    %scan3A_69 = arith.constant 1 : i32
    scf.for %scan3A_83 = %scan3A_66 to %scan3A_68 step %scan3A_69  : i32 {
      %mul3A_84 = arith.constant 2 : i32
      %mul3A_85 = arith.muli %mul3A_84, %scan3A_83 : i32
      %add3A_86 = arith.constant 48 : i32
      %add3A_87 = arith.addi %add3A_86, %mul3A_85 : i32
      %add3A_88 = arith.constant 1 : i32
      %add3A_89 = arith.addi %add3A_87, %add3A_88 : i32
      %dma_wait3A = arith.constant 0 : i32
      %dma_wait3A_90 = arith.constant 0 : i32
      %dma_wait3A_91 = arith.constant 0 : i32
      %dma_wait3A_92 = tpu.memref_slice %arg7[%dma_wait3A, %dma_wait3A_90, %dma_wait3A_91] : memref<2x125x128xf32, #tpu.memory_space<vmem>> -> memref<1x125x128xf32, #tpu.memory_space<vmem>>
      %dma_wait3A_93 = tpu.memref_squeeze %dma_wait3A_92 : memref<1x125x128xf32, #tpu.memory_space<vmem>> -> memref<125x128xf32, #tpu.memory_space<vmem>>
      %dma_wait3A_94 = arith.constant 0 : i32
      %dma_wait3A_95 = tpu.memref_slice %arg5[%add3A_87, %dma_wait3A_94] : memref<80x125xi32, #tpu.memory_space<vmem>> -> memref<1x125xi32, #tpu.memory_space<vmem>>
      %dma_wait3A_96 = tpu.memref_squeeze %dma_wait3A_95 : memref<1x125xi32, #tpu.memory_space<vmem>> -> memref<125xi32, #tpu.memory_space<vmem>>
      %dma_wait3A_97 = arith.constant 0 : i32
      %dma_wait3A_98 = arith.constant 0 : i32
      %dma_wait3A_99 = tpu.memref_slice %arg2[%dma_wait3A_97, %dma_wait3A_98] : memref<10240x128xf32, #tpu.memory_space<hbm>> -> memref<10240x128xf32, #tpu.memory_space<hbm>>
      tpu.wait_indirect_dma semaphore(%arg9 : memref<!tpu.dma_semaphore, #tpu.memory_space<semaphore_mem>>) src(%dma_wait3A_99 : memref<10240x128xf32, #tpu.memory_space<hbm>>) dst(%dma_wait3A_93 : memref<125x128xf32, #tpu.memory_space<vmem>>)
      %mul3A_100 = arith.constant 2 : i32
      %mul3A_101 = arith.muli %mul3A_100, %scan3A_83 : i32
      %run_scoped3A_102 = arith.constant 0 : i32
      "tpu.region"() ({
        %run_scoped3A_145 = tpu.sem_alloc : memref<!tpu.dma_semaphore, #tpu.memory_space<semaphore_mem>>
        %dma_start3A_146 = arith.constant 0 : i32
        %dma_start3A_147 = arith.constant 0 : i32
        %dma_start3A_148 = tpu.memref_slice %arg7[%run_scoped3A_102, %dma_start3A_146, %dma_start3A_147] : memref<2x125x128xf32, #tpu.memory_space<vmem>> -> memref<1x125x128xf32, #tpu.memory_space<vmem>>
        %dma_start3A_149 = tpu.memref_squeeze %dma_start3A_148 : memref<1x125x128xf32, #tpu.memory_space<vmem>> -> memref<125x128xf32, #tpu.memory_space<vmem>>
        %dma_start3A_150 = arith.constant 0 : i32
        %dma_start3A_151 = tpu.memref_slice %arg6[%mul3A_101, %dma_start3A_150] : memref<16x125xi32, #tpu.memory_space<vmem>> -> memref<1x125xi32, #tpu.memory_space<vmem>>
        %dma_start3A_152 = tpu.memref_squeeze %dma_start3A_151 : memref<1x125xi32, #tpu.memory_space<vmem>> -> memref<125xi32, #tpu.memory_space<vmem>>
        %dma_start3A_153 = arith.constant 0 : i32
        %dma_start3A_154 = arith.constant 0 : i32
        %dma_start3A_155 = tpu.memref_slice %arg8[%dma_start3A_153, %dma_start3A_154] : memref<10240x128xf32, #tpu.memory_space<vmem_shared>> -> memref<10240x128xf32, #tpu.memory_space<vmem_shared>>
        tpu.enqueue_indirect_dma source(%dma_start3A_149 : memref<125x128xf32, #tpu.memory_space<vmem>>) target(%dma_start3A_155 : memref<10240x128xf32, #tpu.memory_space<vmem_shared>>) offsets(%dma_start3A_152 : memref<125xi32, #tpu.memory_space<vmem>>) semaphore(%run_scoped3A_145 : memref<!tpu.dma_semaphore, #tpu.memory_space<semaphore_mem>>) {add = true}
        %dma_wait3A_156 = arith.constant 0 : i32
        %dma_wait3A_157 = arith.constant 0 : i32
        %dma_wait3A_158 = tpu.memref_slice %arg7[%run_scoped3A_102, %dma_wait3A_156, %dma_wait3A_157] : memref<2x125x128xf32, #tpu.memory_space<vmem>> -> memref<1x125x128xf32, #tpu.memory_space<vmem>>
        %dma_wait3A_159 = tpu.memref_squeeze %dma_wait3A_158 : memref<1x125x128xf32, #tpu.memory_space<vmem>> -> memref<125x128xf32, #tpu.memory_space<vmem>>
        %dma_wait3A_160 = arith.constant 0 : i32
        %dma_wait3A_161 = tpu.memref_slice %arg6[%mul3A_101, %dma_wait3A_160] : memref<16x125xi32, #tpu.memory_space<vmem>> -> memref<1x125xi32, #tpu.memory_space<vmem>>
        %dma_wait3A_162 = tpu.memref_squeeze %dma_wait3A_161 : memref<1x125xi32, #tpu.memory_space<vmem>> -> memref<125xi32, #tpu.memory_space<vmem>>
        %dma_wait3A_163 = arith.constant 0 : i32
        %dma_wait3A_164 = arith.constant 0 : i32
        %dma_wait3A_165 = tpu.memref_slice %arg8[%dma_wait3A_163, %dma_wait3A_164] : memref<10240x128xf32, #tpu.memory_space<vmem_shared>> -> memref<10240x128xf32, #tpu.memory_space<vmem_shared>>
        tpu.wait_indirect_dma semaphore(%run_scoped3A_145 : memref<!tpu.dma_semaphore, #tpu.memory_space<semaphore_mem>>) src(%dma_wait3A_159 : memref<125x128xf32, #tpu.memory_space<vmem>>) dst(%dma_wait3A_165 : memref<10240x128xf32, #tpu.memory_space<vmem_shared>>)
        tpu.yield
      }) : () -> ()
      %add3A_103 = arith.constant 2 : i32
      %add3A_104 = arith.addi %add3A_87, %add3A_103 : i32
      %dma_start3A_105 = arith.constant 0 : i32
      %dma_start3A_106 = arith.constant 0 : i32
      %dma_start3A_107 = arith.constant 0 : i32
      %dma_start3A_108 = tpu.memref_slice %arg7[%dma_start3A_105, %dma_start3A_106, %dma_start3A_107] : memref<2x125x128xf32, #tpu.memory_space<vmem>> -> memref<1x125x128xf32, #tpu.memory_space<vmem>>
      %dma_start3A_109 = tpu.memref_squeeze %dma_start3A_108 : memref<1x125x128xf32, #tpu.memory_space<vmem>> -> memref<125x128xf32, #tpu.memory_space<vmem>>
      %dma_start3A_110 = arith.constant 0 : i32
      %dma_start3A_111 = tpu.memref_slice %arg5[%add3A_104, %dma_start3A_110] : memref<80x125xi32, #tpu.memory_space<vmem>> -> memref<1x125xi32, #tpu.memory_space<vmem>>
      %dma_start3A_112 = tpu.memref_squeeze %dma_start3A_111 : memref<1x125xi32, #tpu.memory_space<vmem>> -> memref<125xi32, #tpu.memory_space<vmem>>
      %dma_start3A_113 = arith.constant 0 : i32
      %dma_start3A_114 = arith.constant 0 : i32
      %dma_start3A_115 = tpu.memref_slice %arg2[%dma_start3A_113, %dma_start3A_114] : memref<10240x128xf32, #tpu.memory_space<hbm>> -> memref<10240x128xf32, #tpu.memory_space<hbm>>
      tpu.enqueue_indirect_dma source(%dma_start3A_115 : memref<10240x128xf32, #tpu.memory_space<hbm>>) target(%dma_start3A_109 : memref<125x128xf32, #tpu.memory_space<vmem>>) offsets(%dma_start3A_112 : memref<125xi32, #tpu.memory_space<vmem>>) semaphore(%arg9 : memref<!tpu.dma_semaphore, #tpu.memory_space<semaphore_mem>>)
      %dma_wait3A_116 = arith.constant 1 : i32
      %dma_wait3A_117 = arith.constant 0 : i32
      %dma_wait3A_118 = arith.constant 0 : i32
      %dma_wait3A_119 = tpu.memref_slice %arg7[%dma_wait3A_116, %dma_wait3A_117, %dma_wait3A_118] : memref<2x125x128xf32, #tpu.memory_space<vmem>> -> memref<1x125x128xf32, #tpu.memory_space<vmem>>
      %dma_wait3A_120 = tpu.memref_squeeze %dma_wait3A_119 : memref<1x125x128xf32, #tpu.memory_space<vmem>> -> memref<125x128xf32, #tpu.memory_space<vmem>>
      %dma_wait3A_121 = arith.constant 0 : i32
      %dma_wait3A_122 = tpu.memref_slice %arg5[%add3A_89, %dma_wait3A_121] : memref<80x125xi32, #tpu.memory_space<vmem>> -> memref<1x125xi32, #tpu.memory_space<vmem>>
      %dma_wait3A_123 = tpu.memref_squeeze %dma_wait3A_122 : memref<1x125xi32, #tpu.memory_space<vmem>> -> memref<125xi32, #tpu.memory_space<vmem>>
      %dma_wait3A_124 = arith.constant 0 : i32
      %dma_wait3A_125 = arith.constant 0 : i32
      %dma_wait3A_126 = tpu.memref_slice %arg2[%dma_wait3A_124, %dma_wait3A_125] : memref<10240x128xf32, #tpu.memory_space<hbm>> -> memref<10240x128xf32, #tpu.memory_space<hbm>>
      tpu.wait_indirect_dma semaphore(%arg10 : memref<!tpu.dma_semaphore, #tpu.memory_space<semaphore_mem>>) src(%dma_wait3A_126 : memref<10240x128xf32, #tpu.memory_space<hbm>>) dst(%dma_wait3A_120 : memref<125x128xf32, #tpu.memory_space<vmem>>)
      %mul3A_127 = arith.constant 2 : i32
      %mul3A_128 = arith.muli %mul3A_127, %scan3A_83 : i32
      %add3A_129 = arith.constant 1 : i32
      %add3A_130 = arith.addi %mul3A_128, %add3A_129 : i32
      %run_scoped3A_131 = arith.constant 1 : i32
      "tpu.region"() ({
        %run_scoped3A_145 = tpu.sem_alloc : memref<!tpu.dma_semaphore, #tpu.memory_space<semaphore_mem>>
        %dma_start3A_146 = arith.constant 0 : i32
        %dma_start3A_147 = arith.constant 0 : i32
        %dma_start3A_148 = tpu.memref_slice %arg7[%run_scoped3A_131, %dma_start3A_146, %dma_start3A_147] : memref<2x125x128xf32, #tpu.memory_space<vmem>> -> memref<1x125x128xf32, #tpu.memory_space<vmem>>
        %dma_start3A_149 = tpu.memref_squeeze %dma_start3A_148 : memref<1x125x128xf32, #tpu.memory_space<vmem>> -> memref<125x128xf32, #tpu.memory_space<vmem>>
        %dma_start3A_150 = arith.constant 0 : i32
        %dma_start3A_151 = tpu.memref_slice %arg6[%add3A_130, %dma_start3A_150] : memref<16x125xi32, #tpu.memory_space<vmem>> -> memref<1x125xi32, #tpu.memory_space<vmem>>
        %dma_start3A_152 = tpu.memref_squeeze %dma_start3A_151 : memref<1x125xi32, #tpu.memory_space<vmem>> -> memref<125xi32, #tpu.memory_space<vmem>>
        %dma_start3A_153 = arith.constant 0 : i32
        %dma_start3A_154 = arith.constant 0 : i32
        %dma_start3A_155 = tpu.memref_slice %arg8[%dma_start3A_153, %dma_start3A_154] : memref<10240x128xf32, #tpu.memory_space<vmem_shared>> -> memref<10240x128xf32, #tpu.memory_space<vmem_shared>>
        tpu.enqueue_indirect_dma source(%dma_start3A_149 : memref<125x128xf32, #tpu.memory_space<vmem>>) target(%dma_start3A_155 : memref<10240x128xf32, #tpu.memory_space<vmem_shared>>) offsets(%dma_start3A_152 : memref<125xi32, #tpu.memory_space<vmem>>) semaphore(%run_scoped3A_145 : memref<!tpu.dma_semaphore, #tpu.memory_space<semaphore_mem>>) {add = true}
        %dma_wait3A_156 = arith.constant 0 : i32
        %dma_wait3A_157 = arith.constant 0 : i32
        %dma_wait3A_158 = tpu.memref_slice %arg7[%run_scoped3A_131, %dma_wait3A_156, %dma_wait3A_157] : memref<2x125x128xf32, #tpu.memory_space<vmem>> -> memref<1x125x128xf32, #tpu.memory_space<vmem>>
        %dma_wait3A_159 = tpu.memref_squeeze %dma_wait3A_158 : memref<1x125x128xf32, #tpu.memory_space<vmem>> -> memref<125x128xf32, #tpu.memory_space<vmem>>
        %dma_wait3A_160 = arith.constant 0 : i32
        %dma_wait3A_161 = tpu.memref_slice %arg6[%add3A_130, %dma_wait3A_160] : memref<16x125xi32, #tpu.memory_space<vmem>> -> memref<1x125xi32, #tpu.memory_space<vmem>>
        %dma_wait3A_162 = tpu.memref_squeeze %dma_wait3A_161 : memref<1x125xi32, #tpu.memory_space<vmem>> -> memref<125xi32, #tpu.memory_space<vmem>>
        %dma_wait3A_163 = arith.constant 0 : i32
        %dma_wait3A_164 = arith.constant 0 : i32
        %dma_wait3A_165 = tpu.memref_slice %arg8[%dma_wait3A_163, %dma_wait3A_164] : memref<10240x128xf32, #tpu.memory_space<vmem_shared>> -> memref<10240x128xf32, #tpu.memory_space<vmem_shared>>
        tpu.wait_indirect_dma semaphore(%run_scoped3A_145 : memref<!tpu.dma_semaphore, #tpu.memory_space<semaphore_mem>>) src(%dma_wait3A_159 : memref<125x128xf32, #tpu.memory_space<vmem>>) dst(%dma_wait3A_165 : memref<10240x128xf32, #tpu.memory_space<vmem_shared>>)
        tpu.yield
      }) : () -> ()
      %add3A_132 = arith.constant 2 : i32
      %add3A_133 = arith.addi %add3A_89, %add3A_132 : i32
      %dma_start3A_134 = arith.constant 1 : i32
      %dma_start3A_135 = arith.constant 0 : i32
      %dma_start3A_136 = arith.constant 0 : i32
      %dma_start3A_137 = tpu.memref_slice %arg7[%dma_start3A_134, %dma_start3A_135, %dma_start3A_136] : memref<2x125x128xf32, #tpu.memory_space<vmem>> -> memref<1x125x128xf32, #tpu.memory_space<vmem>>
      %dma_start3A_138 = tpu.memref_squeeze %dma_start3A_137 : memref<1x125x128xf32, #tpu.memory_space<vmem>> -> memref<125x128xf32, #tpu.memory_space<vmem>>
      %dma_start3A_139 = arith.constant 0 : i32
      %dma_start3A_140 = tpu.memref_slice %arg5[%add3A_133, %dma_start3A_139] : memref<80x125xi32, #tpu.memory_space<vmem>> -> memref<1x125xi32, #tpu.memory_space<vmem>>
      %dma_start3A_141 = tpu.memref_squeeze %dma_start3A_140 : memref<1x125xi32, #tpu.memory_space<vmem>> -> memref<125xi32, #tpu.memory_space<vmem>>
      %dma_start3A_142 = arith.constant 0 : i32
      %dma_start3A_143 = arith.constant 0 : i32
      %dma_start3A_144 = tpu.memref_slice %arg2[%dma_start3A_142, %dma_start3A_143] : memref<10240x128xf32, #tpu.memory_space<hbm>> -> memref<10240x128xf32, #tpu.memory_space<hbm>>
      tpu.enqueue_indirect_dma source(%dma_start3A_144 : memref<10240x128xf32, #tpu.memory_space<hbm>>) target(%dma_start3A_138 : memref<125x128xf32, #tpu.memory_space<vmem>>) offsets(%dma_start3A_141 : memref<125xi32, #tpu.memory_space<vmem>>) semaphore(%arg10 : memref<!tpu.dma_semaphore, #tpu.memory_space<semaphore_mem>>)
    }
    %scan3A_70 = arith.constant 8 : i32
    %mul3A_71 = arith.constant 80 : i32
    %mul3A_72 = arith.muli %add3A, %mul3A_71 : i32
    %add3A_73 = arith.constant 64 : i32
    %add3A_74 = arith.addi %mul3A_72, %add3A_73 : i32
    %run_scoped3A_75 = arith.constant 1 : i32
    "tpu.region"() ({
      %run_scoped3A_83 = tpu.sem_alloc : memref<!tpu.dma_semaphore, #tpu.memory_space<semaphore_mem>>
      %dma_start3A_84 = arith.constant 0 : i32
      %dma_start3A_85 = tpu.memref_slice %arg3[%run_scoped3A_75, %add3A_74, %dma_start3A_84] : memref<2x2560x125xi32, #tpu.memory_space<hbm>> -> memref<1x16x125xi32, #tpu.memory_space<hbm>>
      %dma_start3A_86 = tpu.memref_squeeze %dma_start3A_85 : memref<1x16x125xi32, #tpu.memory_space<hbm>> -> memref<16x125xi32, #tpu.memory_space<hbm>>
      %dma_start3A_87 = arith.constant 0 : i32
      %dma_start3A_88 = tpu.memref_slice %arg3[%run_scoped3A_75, %add3A_74, %dma_start3A_87] : memref<2x2560x125xi32, #tpu.memory_space<hbm>> -> memref<1x16x125xi32, #tpu.memory_space<hbm>>
      %dma_start3A_89 = tpu.memref_squeeze %dma_start3A_88 : memref<1x16x125xi32, #tpu.memory_space<hbm>> -> memref<16x125xi32, #tpu.memory_space<hbm>>
      tpu.enqueue_dma source(%dma_start3A_89 : memref<16x125xi32, #tpu.memory_space<hbm>>) target(%arg6 : memref<16x125xi32, #tpu.memory_space<vmem>>) target_semaphore(%run_scoped3A_83 : memref<!tpu.dma_semaphore, #tpu.memory_space<semaphore_mem>>)
      %dma_wait3A = arith.constant 0 : i32
      %dma_wait3A_90 = tpu.memref_slice %arg3[%run_scoped3A_75, %add3A_74, %dma_wait3A] : memref<2x2560x125xi32, #tpu.memory_space<hbm>> -> memref<1x16x125xi32, #tpu.memory_space<hbm>>
      %dma_wait3A_91 = tpu.memref_squeeze %dma_wait3A_90 : memref<1x16x125xi32, #tpu.memory_space<hbm>> -> memref<16x125xi32, #tpu.memory_space<hbm>>
      %dma_wait3A_92 = arith.constant 0 : i32
      %dma_wait3A_93 = tpu.memref_slice %arg3[%run_scoped3A_75, %add3A_74, %dma_wait3A_92] : memref<2x2560x125xi32, #tpu.memory_space<hbm>> -> memref<1x16x125xi32, #tpu.memory_space<hbm>>
      %dma_wait3A_94 = tpu.memref_squeeze %dma_wait3A_93 : memref<1x16x125xi32, #tpu.memory_space<hbm>> -> memref<16x125xi32, #tpu.memory_space<hbm>>
      tpu.wait_dma2 semaphore(%run_scoped3A_83 : memref<!tpu.dma_semaphore, #tpu.memory_space<semaphore_mem>>) src(%dma_wait3A_94 : memref<16x125xi32, #tpu.memory_space<hbm>>) dst(%arg6 : memref<16x125xi32, #tpu.memory_space<vmem>>)
      tpu.yield
    }) : () -> ()
    %scan3A_76 = arith.constant 0 : i32
    %scan3A_77 = arith.constant 0 : i32
    %scan3A_78 = arith.constant 8 : i32
    %scan3A_79 = arith.addi %scan3A_77, %scan3A_78 : i32
    %scan3A_80 = arith.constant 1 : i32
    scf.for %scan3A_83 = %scan3A_77 to %scan3A_79 step %scan3A_80  : i32 {
      %mul3A_84 = arith.constant 2 : i32
      %mul3A_85 = arith.muli %mul3A_84, %scan3A_83 : i32
      %add3A_86 = arith.constant 64 : i32
      %add3A_87 = arith.addi %add3A_86, %mul3A_85 : i32
      %add3A_88 = arith.constant 1 : i32
      %add3A_89 = arith.addi %add3A_87, %add3A_88 : i32
      %dma_wait3A = arith.constant 0 : i32
      %dma_wait3A_90 = arith.constant 0 : i32
      %dma_wait3A_91 = arith.constant 0 : i32
      %dma_wait3A_92 = tpu.memref_slice %arg7[%dma_wait3A, %dma_wait3A_90, %dma_wait3A_91] : memref<2x125x128xf32, #tpu.memory_space<vmem>> -> memref<1x125x128xf32, #tpu.memory_space<vmem>>
      %dma_wait3A_93 = tpu.memref_squeeze %dma_wait3A_92 : memref<1x125x128xf32, #tpu.memory_space<vmem>> -> memref<125x128xf32, #tpu.memory_space<vmem>>
      %dma_wait3A_94 = arith.constant 0 : i32
      %dma_wait3A_95 = tpu.memref_slice %arg5[%add3A_87, %dma_wait3A_94] : memref<80x125xi32, #tpu.memory_space<vmem>> -> memref<1x125xi32, #tpu.memory_space<vmem>>
      %dma_wait3A_96 = tpu.memref_squeeze %dma_wait3A_95 : memref<1x125xi32, #tpu.memory_space<vmem>> -> memref<125xi32, #tpu.memory_space<vmem>>
      %dma_wait3A_97 = arith.constant 0 : i32
      %dma_wait3A_98 = arith.constant 0 : i32
      %dma_wait3A_99 = tpu.memref_slice %arg2[%dma_wait3A_97, %dma_wait3A_98] : memref<10240x128xf32, #tpu.memory_space<hbm>> -> memref<10240x128xf32, #tpu.memory_space<hbm>>
      tpu.wait_indirect_dma semaphore(%arg9 : memref<!tpu.dma_semaphore, #tpu.memory_space<semaphore_mem>>) src(%dma_wait3A_99 : memref<10240x128xf32, #tpu.memory_space<hbm>>) dst(%dma_wait3A_93 : memref<125x128xf32, #tpu.memory_space<vmem>>)
      %mul3A_100 = arith.constant 2 : i32
      %mul3A_101 = arith.muli %mul3A_100, %scan3A_83 : i32
      %run_scoped3A_102 = arith.constant 0 : i32
      "tpu.region"() ({
        %run_scoped3A_126 = tpu.sem_alloc : memref<!tpu.dma_semaphore, #tpu.memory_space<semaphore_mem>>
        %dma_start3A_127 = arith.constant 0 : i32
        %dma_start3A_128 = arith.constant 0 : i32
        %dma_start3A_129 = tpu.memref_slice %arg7[%run_scoped3A_102, %dma_start3A_127, %dma_start3A_128] : memref<2x125x128xf32, #tpu.memory_space<vmem>> -> memref<1x125x128xf32, #tpu.memory_space<vmem>>
        %dma_start3A_130 = tpu.memref_squeeze %dma_start3A_129 : memref<1x125x128xf32, #tpu.memory_space<vmem>> -> memref<125x128xf32, #tpu.memory_space<vmem>>
        %dma_start3A_131 = arith.constant 0 : i32
        %dma_start3A_132 = tpu.memref_slice %arg6[%mul3A_101, %dma_start3A_131] : memref<16x125xi32, #tpu.memory_space<vmem>> -> memref<1x125xi32, #tpu.memory_space<vmem>>
        %dma_start3A_133 = tpu.memref_squeeze %dma_start3A_132 : memref<1x125xi32, #tpu.memory_space<vmem>> -> memref<125xi32, #tpu.memory_space<vmem>>
        %dma_start3A_134 = arith.constant 0 : i32
        %dma_start3A_135 = arith.constant 0 : i32
        %dma_start3A_136 = tpu.memref_slice %arg8[%dma_start3A_134, %dma_start3A_135] : memref<10240x128xf32, #tpu.memory_space<vmem_shared>> -> memref<10240x128xf32, #tpu.memory_space<vmem_shared>>
        tpu.enqueue_indirect_dma source(%dma_start3A_130 : memref<125x128xf32, #tpu.memory_space<vmem>>) target(%dma_start3A_136 : memref<10240x128xf32, #tpu.memory_space<vmem_shared>>) offsets(%dma_start3A_133 : memref<125xi32, #tpu.memory_space<vmem>>) semaphore(%run_scoped3A_126 : memref<!tpu.dma_semaphore, #tpu.memory_space<semaphore_mem>>) {add = true}
        %dma_wait3A_137 = arith.constant 0 : i32
        %dma_wait3A_138 = arith.constant 0 : i32
        %dma_wait3A_139 = tpu.memref_slice %arg7[%run_scoped3A_102, %dma_wait3A_137, %dma_wait3A_138] : memref<2x125x128xf32, #tpu.memory_space<vmem>> -> memref<1x125x128xf32, #tpu.memory_space<vmem>>
        %dma_wait3A_140 = tpu.memref_squeeze %dma_wait3A_139 : memref<1x125x128xf32, #tpu.memory_space<vmem>> -> memref<125x128xf32, #tpu.memory_space<vmem>>
        %dma_wait3A_141 = arith.constant 0 : i32
        %dma_wait3A_142 = tpu.memref_slice %arg6[%mul3A_101, %dma_wait3A_141] : memref<16x125xi32, #tpu.memory_space<vmem>> -> memref<1x125xi32, #tpu.memory_space<vmem>>
        %dma_wait3A_143 = tpu.memref_squeeze %dma_wait3A_142 : memref<1x125xi32, #tpu.memory_space<vmem>> -> memref<125xi32, #tpu.memory_space<vmem>>
        %dma_wait3A_144 = arith.constant 0 : i32
        %dma_wait3A_145 = arith.constant 0 : i32
        %dma_wait3A_146 = tpu.memref_slice %arg8[%dma_wait3A_144, %dma_wait3A_145] : memref<10240x128xf32, #tpu.memory_space<vmem_shared>> -> memref<10240x128xf32, #tpu.memory_space<vmem_shared>>
        tpu.wait_indirect_dma semaphore(%run_scoped3A_126 : memref<!tpu.dma_semaphore, #tpu.memory_space<semaphore_mem>>) src(%dma_wait3A_140 : memref<125x128xf32, #tpu.memory_space<vmem>>) dst(%dma_wait3A_146 : memref<10240x128xf32, #tpu.memory_space<vmem_shared>>)
        tpu.yield
      }) : () -> ()
      %lt3A = arith.constant 7 : i32
      %lt3A_103 = arith.cmpi slt, %scan3A_83, %lt3A : i32
      %convert_element_type3A = arith.extui %lt3A_103 : i1 to i32
      %cond3A = arith.constant 0 : i32
      %cond3A_104 = arith.cmpi ne, %convert_element_type3A, %cond3A : i32
      scf.if %cond3A_104 {
        %add3A_126 = arith.constant 2 : i32
        %add3A_127 = arith.addi %add3A_87, %add3A_126 : i32
        %dma_start3A_128 = arith.constant 0 : i32
        %dma_start3A_129 = arith.constant 0 : i32
        %dma_start3A_130 = arith.constant 0 : i32
        %dma_start3A_131 = tpu.memref_slice %arg7[%dma_start3A_128, %dma_start3A_129, %dma_start3A_130] : memref<2x125x128xf32, #tpu.memory_space<vmem>> -> memref<1x125x128xf32, #tpu.memory_space<vmem>>
        %dma_start3A_132 = tpu.memref_squeeze %dma_start3A_131 : memref<1x125x128xf32, #tpu.memory_space<vmem>> -> memref<125x128xf32, #tpu.memory_space<vmem>>
        %dma_start3A_133 = arith.constant 0 : i32
        %dma_start3A_134 = tpu.memref_slice %arg5[%add3A_127, %dma_start3A_133] : memref<80x125xi32, #tpu.memory_space<vmem>> -> memref<1x125xi32, #tpu.memory_space<vmem>>
        %dma_start3A_135 = tpu.memref_squeeze %dma_start3A_134 : memref<1x125xi32, #tpu.memory_space<vmem>> -> memref<125xi32, #tpu.memory_space<vmem>>
        %dma_start3A_136 = arith.constant 0 : i32
        %dma_start3A_137 = arith.constant 0 : i32
        %dma_start3A_138 = tpu.memref_slice %arg2[%dma_start3A_136, %dma_start3A_137] : memref<10240x128xf32, #tpu.memory_space<hbm>> -> memref<10240x128xf32, #tpu.memory_space<hbm>>
        tpu.enqueue_indirect_dma source(%dma_start3A_138 : memref<10240x128xf32, #tpu.memory_space<hbm>>) target(%dma_start3A_132 : memref<125x128xf32, #tpu.memory_space<vmem>>) offsets(%dma_start3A_135 : memref<125xi32, #tpu.memory_space<vmem>>) semaphore(%arg9 : memref<!tpu.dma_semaphore, #tpu.memory_space<semaphore_mem>>)
      } else {
      }
      %dma_wait3A_105 = arith.constant 1 : i32
      %dma_wait3A_106 = arith.constant 0 : i32
      %dma_wait3A_107 = arith.constant 0 : i32
      %dma_wait3A_108 = tpu.memref_slice %arg7[%dma_wait3A_105, %dma_wait3A_106, %dma_wait3A_107] : memref<2x125x128xf32, #tpu.memory_space<vmem>> -> memref<1x125x128xf32, #tpu.memory_space<vmem>>
      %dma_wait3A_109 = tpu.memref_squeeze %dma_wait3A_108 : memref<1x125x128xf32, #tpu.memory_space<vmem>> -> memref<125x128xf32, #tpu.memory_space<vmem>>
      %dma_wait3A_110 = arith.constant 0 : i32
      %dma_wait3A_111 = tpu.memref_slice %arg5[%add3A_89, %dma_wait3A_110] : memref<80x125xi32, #tpu.memory_space<vmem>> -> memref<1x125xi32, #tpu.memory_space<vmem>>
      %dma_wait3A_112 = tpu.memref_squeeze %dma_wait3A_111 : memref<1x125xi32, #tpu.memory_space<vmem>> -> memref<125xi32, #tpu.memory_space<vmem>>
      %dma_wait3A_113 = arith.constant 0 : i32
      %dma_wait3A_114 = arith.constant 0 : i32
      %dma_wait3A_115 = tpu.memref_slice %arg2[%dma_wait3A_113, %dma_wait3A_114] : memref<10240x128xf32, #tpu.memory_space<hbm>> -> memref<10240x128xf32, #tpu.memory_space<hbm>>
      tpu.wait_indirect_dma semaphore(%arg10 : memref<!tpu.dma_semaphore, #tpu.memory_space<semaphore_mem>>) src(%dma_wait3A_115 : memref<10240x128xf32, #tpu.memory_space<hbm>>) dst(%dma_wait3A_109 : memref<125x128xf32, #tpu.memory_space<vmem>>)
      %mul3A_116 = arith.constant 2 : i32
      %mul3A_117 = arith.muli %mul3A_116, %scan3A_83 : i32
      %add3A_118 = arith.constant 1 : i32
      %add3A_119 = arith.addi %mul3A_117, %add3A_118 : i32
      %run_scoped3A_120 = arith.constant 1 : i32
      "tpu.region"() ({
        %run_scoped3A_126 = tpu.sem_alloc : memref<!tpu.dma_semaphore, #tpu.memory_space<semaphore_mem>>
        %dma_start3A_127 = arith.constant 0 : i32
        %dma_start3A_128 = arith.constant 0 : i32
        %dma_start3A_129 = tpu.memref_slice %arg7[%run_scoped3A_120, %dma_start3A_127, %dma_start3A_128] : memref<2x125x128xf32, #tpu.memory_space<vmem>> -> memref<1x125x128xf32, #tpu.memory_space<vmem>>
        %dma_start3A_130 = tpu.memref_squeeze %dma_start3A_129 : memref<1x125x128xf32, #tpu.memory_space<vmem>> -> memref<125x128xf32, #tpu.memory_space<vmem>>
        %dma_start3A_131 = arith.constant 0 : i32
        %dma_start3A_132 = tpu.memref_slice %arg6[%add3A_119, %dma_start3A_131] : memref<16x125xi32, #tpu.memory_space<vmem>> -> memref<1x125xi32, #tpu.memory_space<vmem>>
        %dma_start3A_133 = tpu.memref_squeeze %dma_start3A_132 : memref<1x125xi32, #tpu.memory_space<vmem>> -> memref<125xi32, #tpu.memory_space<vmem>>
        %dma_start3A_134 = arith.constant 0 : i32
        %dma_start3A_135 = arith.constant 0 : i32
        %dma_start3A_136 = tpu.memref_slice %arg8[%dma_start3A_134, %dma_start3A_135] : memref<10240x128xf32, #tpu.memory_space<vmem_shared>> -> memref<10240x128xf32, #tpu.memory_space<vmem_shared>>
        tpu.enqueue_indirect_dma source(%dma_start3A_130 : memref<125x128xf32, #tpu.memory_space<vmem>>) target(%dma_start3A_136 : memref<10240x128xf32, #tpu.memory_space<vmem_shared>>) offsets(%dma_start3A_133 : memref<125xi32, #tpu.memory_space<vmem>>) semaphore(%run_scoped3A_126 : memref<!tpu.dma_semaphore, #tpu.memory_space<semaphore_mem>>) {add = true}
        %dma_wait3A_137 = arith.constant 0 : i32
        %dma_wait3A_138 = arith.constant 0 : i32
        %dma_wait3A_139 = tpu.memref_slice %arg7[%run_scoped3A_120, %dma_wait3A_137, %dma_wait3A_138] : memref<2x125x128xf32, #tpu.memory_space<vmem>> -> memref<1x125x128xf32, #tpu.memory_space<vmem>>
        %dma_wait3A_140 = tpu.memref_squeeze %dma_wait3A_139 : memref<1x125x128xf32, #tpu.memory_space<vmem>> -> memref<125x128xf32, #tpu.memory_space<vmem>>
        %dma_wait3A_141 = arith.constant 0 : i32
        %dma_wait3A_142 = tpu.memref_slice %arg6[%add3A_119, %dma_wait3A_141] : memref<16x125xi32, #tpu.memory_space<vmem>> -> memref<1x125xi32, #tpu.memory_space<vmem>>
        %dma_wait3A_143 = tpu.memref_squeeze %dma_wait3A_142 : memref<1x125xi32, #tpu.memory_space<vmem>> -> memref<125xi32, #tpu.memory_space<vmem>>
        %dma_wait3A_144 = arith.constant 0 : i32
        %dma_wait3A_145 = arith.constant 0 : i32
        %dma_wait3A_146 = tpu.memref_slice %arg8[%dma_wait3A_144, %dma_wait3A_145] : memref<10240x128xf32, #tpu.memory_space<vmem_shared>> -> memref<10240x128xf32, #tpu.memory_space<vmem_shared>>
        tpu.wait_indirect_dma semaphore(%run_scoped3A_126 : memref<!tpu.dma_semaphore, #tpu.memory_space<semaphore_mem>>) src(%dma_wait3A_140 : memref<125x128xf32, #tpu.memory_space<vmem>>) dst(%dma_wait3A_146 : memref<10240x128xf32, #tpu.memory_space<vmem_shared>>)
        tpu.yield
      }) : () -> ()
      %lt3A_121 = arith.constant 7 : i32
      %lt3A_122 = arith.cmpi slt, %scan3A_83, %lt3A_121 : i32
      %convert_element_type3A_123 = arith.extui %lt3A_122 : i1 to i32
      %cond3A_124 = arith.constant 0 : i32
      %cond3A_125 = arith.cmpi ne, %convert_element_type3A_123, %cond3A_124 : i32
      scf.if %cond3A_125 {
        %add3A_126 = arith.constant 2 : i32
        %add3A_127 = arith.addi %add3A_89, %add3A_126 : i32
        %dma_start3A_128 = arith.constant 1 : i32
        %dma_start3A_129 = arith.constant 0 : i32
        %dma_start3A_130 = arith.constant 0 : i32
        %dma_start3A_131 = tpu.memref_slice %arg7[%dma_start3A_128, %dma_start3A_129, %dma_start3A_130] : memref<2x125x128xf32, #tpu.memory_space<vmem>> -> memref<1x125x128xf32, #tpu.memory_space<vmem>>
        %dma_start3A_132 = tpu.memref_squeeze %dma_start3A_131 : memref<1x125x128xf32, #tpu.memory_space<vmem>> -> memref<125x128xf32, #tpu.memory_space<vmem>>
        %dma_start3A_133 = arith.constant 0 : i32
        %dma_start3A_134 = tpu.memref_slice %arg5[%add3A_127, %dma_start3A_133] : memref<80x125xi32, #tpu.memory_space<vmem>> -> memref<1x125xi32, #tpu.memory_space<vmem>>
        %dma_start3A_135 = tpu.memref_squeeze %dma_start3A_134 : memref<1x125xi32, #tpu.memory_space<vmem>> -> memref<125xi32, #tpu.memory_space<vmem>>
        %dma_start3A_136 = arith.constant 0 : i32
        %dma_start3A_137 = arith.constant 0 : i32
        %dma_start3A_138 = tpu.memref_slice %arg2[%dma_start3A_136, %dma_start3A_137] : memref<10240x128xf32, #tpu.memory_space<hbm>> -> memref<10240x128xf32, #tpu.memory_space<hbm>>
        tpu.enqueue_indirect_dma source(%dma_start3A_138 : memref<10240x128xf32, #tpu.memory_space<hbm>>) target(%dma_start3A_132 : memref<125x128xf32, #tpu.memory_space<vmem>>) offsets(%dma_start3A_135 : memref<125xi32, #tpu.memory_space<vmem>>) semaphore(%arg10 : memref<!tpu.dma_semaphore, #tpu.memory_space<semaphore_mem>>)
      } else {
      }
    }
    %scan3A_81 = arith.constant 8 : i32
    %barrier3A_82 = arith.constant 0 : index
    tpu.barrier barrier_id(%barrier3A_82)
    "tpu.region"() ({
      %run_scoped3A_83 = tpu.sem_alloc : memref<!tpu.dma_semaphore, #tpu.memory_space<semaphore_mem>>
      %dma_start3A_84 = arith.constant 0 : i32
      %dma_start3A_85 = tpu.memref_slice %arg4[%arg0, %mul3A_2, %dma_start3A_84] : memref<2x10240x128xf32, #tpu.memory_space<hbm>> -> memref<1x640x128xf32, #tpu.memory_space<hbm>>
      %dma_start3A_86 = tpu.memref_squeeze %dma_start3A_85 : memref<1x640x128xf32, #tpu.memory_space<hbm>> -> memref<640x128xf32, #tpu.memory_space<hbm>>
      %dma_start3A_87 = arith.constant 0 : i32
      %dma_start3A_88 = tpu.memref_slice %arg8[%mul3A_2, %dma_start3A_87] : memref<10240x128xf32, #tpu.memory_space<vmem_shared>> -> memref<640x128xf32, #tpu.memory_space<vmem_shared>>
      tpu.enqueue_dma source(%dma_start3A_88 : memref<640x128xf32, #tpu.memory_space<vmem_shared>>) target(%dma_start3A_86 : memref<640x128xf32, #tpu.memory_space<hbm>>) target_semaphore(%run_scoped3A_83 : memref<!tpu.dma_semaphore, #tpu.memory_space<semaphore_mem>>)
      %dma_wait3A = arith.constant 0 : i32
      %dma_wait3A_89 = tpu.memref_slice %arg4[%arg0, %mul3A_2, %dma_wait3A] : memref<2x10240x128xf32, #tpu.memory_space<hbm>> -> memref<1x640x128xf32, #tpu.memory_space<hbm>>
      %dma_wait3A_90 = tpu.memref_squeeze %dma_wait3A_89 : memref<1x640x128xf32, #tpu.memory_space<hbm>> -> memref<640x128xf32, #tpu.memory_space<hbm>>
      %dma_wait3A_91 = arith.constant 0 : i32
      %dma_wait3A_92 = tpu.memref_slice %arg8[%mul3A_2, %dma_wait3A_91] : memref<10240x128xf32, #tpu.memory_space<vmem_shared>> -> memref<640x128xf32, #tpu.memory_space<vmem_shared>>
      tpu.wait_dma2 semaphore(%run_scoped3A_83 : memref<!tpu.dma_semaphore, #tpu.memory_space<semaphore_mem>>) src(%dma_wait3A_92 : memref<640x128xf32, #tpu.memory_space<vmem_shared>>) dst(%dma_wait3A_90 : memref<640x128xf32, #tpu.memory_space<hbm>>)
      tpu.yield
    }) : () -> ()
    return
  }
}

#map = affine_map<(d0, d1) -> (0, 0, 0)>
#map1 = affine_map<(d0, d1) -> (0, 0)>
module attributes {stable_mosaic.version = 14 : i64} {
  func.func @_deg_kernel(%arg0: i32, %arg1: i32, %arg2: memref<2x2560x125xi32, #tpu.memory_space<hbm>>, %arg3: memref<2x10240xf32, #tpu.memory_space<hbm>>, %arg4: memref<80x125xi32, #tpu.memory_space<vmem>>, %arg5: memref<128xf32, #tpu.memory_space<vmem>>, %arg6: memref<640xf32, #tpu.memory_space<vmem>>, %arg7: memref<10240xf32, #tpu.memory_space<vmem_shared>>, %arg8: memref<!tpu.dma_semaphore, #tpu.memory_space<semaphore_mem>>) attributes {dimension_semantics = [#tpu.dimension_semantics<core_parallel>, #tpu.dimension_semantics<subcore_parallel>], iteration_bounds = array<i64: 2, 16>, scalar_prefetch = 0 : i64, scratch_operands = 5 : i64, tpu.core_type = #tpu.core_type<sc_vector_subcore>, window_params = [{transform_indices = #map}, {transform_indices = #map1}]} {
    %mul3A = arith.constant 16 : i32
    %mul3A_0 = arith.muli %arg0, %mul3A : i32
    %add3A = arith.addi %mul3A_0, %arg1 : i32
    %broadcast_in_dim3A = arith.constant 1.000000e+00 : f32
    %broadcast_in_dim3A_1 = vector.broadcast %broadcast_in_dim3A : f32 to vector<16xf32>
    %swap3A = arith.constant 0 : index
    %swap3A_2 = tpu.vector_load %arg5[%swap3A] {strides = array<i32>} : memref<128xf32, #tpu.memory_space<vmem>>, vector<16xf32>,
    %swap3A_3 = vector.shape_cast %swap3A_2 : vector<16xf32> to vector<16xf32>
    %swap3A_4 = vector.shape_cast %broadcast_in_dim3A_1 : vector<16xf32> to vector<16xf32>
    tpu.vector_store %arg5[%swap3A], %swap3A_4 {strides = array<i32>} : memref<128xf32, #tpu.memory_space<vmem>>, vector<16xf32>,
    %broadcast_in_dim3A_5 = arith.constant 1.000000e+00 : f32
    %broadcast_in_dim3A_6 = vector.broadcast %broadcast_in_dim3A_5 : f32 to vector<16xf32>
    %swap3A_7 = arith.constant 16 : index
    %swap3A_8 = tpu.vector_load %arg5[%swap3A_7] {strides = array<i32>} : memref<128xf32, #tpu.memory_space<vmem>>, vector<16xf32>,
    %swap3A_9 = vector.shape_cast %swap3A_8 : vector<16xf32> to vector<16xf32>
    %swap3A_10 = vector.shape_cast %broadcast_in_dim3A_6 : vector<16xf32> to vector<16xf32>
    tpu.vector_store %arg5[%swap3A_7], %swap3A_10 {strides = array<i32>} : memref<128xf32, #tpu.memory_space<vmem>>, vector<16xf32>,
    %broadcast_in_dim3A_11 = arith.constant 1.000000e+00 : f32
    %broadcast_in_dim3A_12 = vector.broadcast %broadcast_in_dim3A_11 : f32 to vector<16xf32>
    %swap3A_13 = arith.constant 32 : index
    %swap3A_14 = tpu.vector_load %arg5[%swap3A_13] {strides = array<i32>} : memref<128xf32, #tpu.memory_space<vmem>>, vector<16xf32>,
    %swap3A_15 = vector.shape_cast %swap3A_14 : vector<16xf32> to vector<16xf32>
    %swap3A_16 = vector.shape_cast %broadcast_in_dim3A_12 : vector<16xf32> to vector<16xf32>
    tpu.vector_store %arg5[%swap3A_13], %swap3A_16 {strides = array<i32>} : memref<128xf32, #tpu.memory_space<vmem>>, vector<16xf32>,
    %broadcast_in_dim3A_17 = arith.constant 1.000000e+00 : f32
    %broadcast_in_dim3A_18 = vector.broadcast %broadcast_in_dim3A_17 : f32 to vector<16xf32>
    %swap3A_19 = arith.constant 48 : index
    %swap3A_20 = tpu.vector_load %arg5[%swap3A_19] {strides = array<i32>} : memref<128xf32, #tpu.memory_space<vmem>>, vector<16xf32>,
    %swap3A_21 = vector.shape_cast %swap3A_20 : vector<16xf32> to vector<16xf32>
    %swap3A_22 = vector.shape_cast %broadcast_in_dim3A_18 : vector<16xf32> to vector<16xf32>
    tpu.vector_store %arg5[%swap3A_19], %swap3A_22 {strides = array<i32>} : memref<128xf32, #tpu.memory_space<vmem>>, vector<16xf32>,
    %broadcast_in_dim3A_23 = arith.constant 1.000000e+00 : f32
    %broadcast_in_dim3A_24 = vector.broadcast %broadcast_in_dim3A_23 : f32 to vector<16xf32>
    %swap3A_25 = arith.constant 64 : index
    %swap3A_26 = tpu.vector_load %arg5[%swap3A_25] {strides = array<i32>} : memref<128xf32, #tpu.memory_space<vmem>>, vector<16xf32>,
    %swap3A_27 = vector.shape_cast %swap3A_26 : vector<16xf32> to vector<16xf32>
    %swap3A_28 = vector.shape_cast %broadcast_in_dim3A_24 : vector<16xf32> to vector<16xf32>
    tpu.vector_store %arg5[%swap3A_25], %swap3A_28 {strides = array<i32>} : memref<128xf32, #tpu.memory_space<vmem>>, vector<16xf32>,
    %broadcast_in_dim3A_29 = arith.constant 1.000000e+00 : f32
    %broadcast_in_dim3A_30 = vector.broadcast %broadcast_in_dim3A_29 : f32 to vector<16xf32>
    %swap3A_31 = arith.constant 80 : index
    %swap3A_32 = tpu.vector_load %arg5[%swap3A_31] {strides = array<i32>} : memref<128xf32, #tpu.memory_space<vmem>>, vector<16xf32>,
    %swap3A_33 = vector.shape_cast %swap3A_32 : vector<16xf32> to vector<16xf32>
    %swap3A_34 = vector.shape_cast %broadcast_in_dim3A_30 : vector<16xf32> to vector<16xf32>
    tpu.vector_store %arg5[%swap3A_31], %swap3A_34 {strides = array<i32>} : memref<128xf32, #tpu.memory_space<vmem>>, vector<16xf32>,
    %broadcast_in_dim3A_35 = arith.constant 1.000000e+00 : f32
    %broadcast_in_dim3A_36 = vector.broadcast %broadcast_in_dim3A_35 : f32 to vector<16xf32>
    %swap3A_37 = arith.constant 96 : index
    %swap3A_38 = tpu.vector_load %arg5[%swap3A_37] {strides = array<i32>} : memref<128xf32, #tpu.memory_space<vmem>>, vector<16xf32>,
    %swap3A_39 = vector.shape_cast %swap3A_38 : vector<16xf32> to vector<16xf32>
    %swap3A_40 = vector.shape_cast %broadcast_in_dim3A_36 : vector<16xf32> to vector<16xf32>
    tpu.vector_store %arg5[%swap3A_37], %swap3A_40 {strides = array<i32>} : memref<128xf32, #tpu.memory_space<vmem>>, vector<16xf32>,
    %broadcast_in_dim3A_41 = arith.constant 1.000000e+00 : f32
    %broadcast_in_dim3A_42 = vector.broadcast %broadcast_in_dim3A_41 : f32 to vector<16xf32>
    %swap3A_43 = arith.constant 112 : index
    %swap3A_44 = tpu.vector_load %arg5[%swap3A_43] {strides = array<i32>} : memref<128xf32, #tpu.memory_space<vmem>>, vector<16xf32>,
    %swap3A_45 = vector.shape_cast %swap3A_44 : vector<16xf32> to vector<16xf32>
    %swap3A_46 = vector.shape_cast %broadcast_in_dim3A_42 : vector<16xf32> to vector<16xf32>
    tpu.vector_store %arg5[%swap3A_43], %swap3A_46 {strides = array<i32>} : memref<128xf32, #tpu.memory_space<vmem>>, vector<16xf32>,
    %broadcast_in_dim3A_47 = arith.constant 0.000000e+00 : f32
    %broadcast_in_dim3A_48 = vector.broadcast %broadcast_in_dim3A_47 : f32 to vector<16xf32>
    %swap3A_49 = arith.constant 0 : index
    %swap3A_50 = tpu.vector_load %arg6[%swap3A_49] {strides = array<i32>} : memref<640xf32, #tpu.memory_space<vmem>>, vector<16xf32>,
    %swap3A_51 = vector.shape_cast %swap3A_50 : vector<16xf32> to vector<16xf32>
    %swap3A_52 = vector.shape_cast %broadcast_in_dim3A_48 : vector<16xf32> to vector<16xf32>
    tpu.vector_store %arg6[%swap3A_49], %swap3A_52 {strides = array<i32>} : memref<640xf32, #tpu.memory_space<vmem>>, vector<16xf32>,
    %broadcast_in_dim3A_53 = arith.constant 0.000000e+00 : f32
    %broadcast_in_dim3A_54 = vector.broadcast %broadcast_in_dim3A_53 : f32 to vector<16xf32>
    %swap3A_55 = arith.constant 16 : index
    %swap3A_56 = tpu.vector_load %arg6[%swap3A_55] {strides = array<i32>} : memref<640xf32, #tpu.memory_space<vmem>>, vector<16xf32>,
    %swap3A_57 = vector.shape_cast %swap3A_56 : vector<16xf32> to vector<16xf32>
    %swap3A_58 = vector.shape_cast %broadcast_in_dim3A_54 : vector<16xf32> to vector<16xf32>
    tpu.vector_store %arg6[%swap3A_55], %swap3A_58 {strides = array<i32>} : memref<640xf32, #tpu.memory_space<vmem>>, vector<16xf32>,
    %broadcast_in_dim3A_59 = arith.constant 0.000000e+00 : f32
    %broadcast_in_dim3A_60 = vector.broadcast %broadcast_in_dim3A_59 : f32 to vector<16xf32>
    %swap3A_61 = arith.constant 32 : index
    %swap3A_62 = tpu.vector_load %arg6[%swap3A_61] {strides = array<i32>} : memref<640xf32, #tpu.memory_space<vmem>>, vector<16xf32>,
    %swap3A_63 = vector.shape_cast %swap3A_62 : vector<16xf32> to vector<16xf32>
    %swap3A_64 = vector.shape_cast %broadcast_in_dim3A_60 : vector<16xf32> to vector<16xf32>
    tpu.vector_store %arg6[%swap3A_61], %swap3A_64 {strides = array<i32>} : memref<640xf32, #tpu.memory_space<vmem>>, vector<16xf32>,
    %broadcast_in_dim3A_65 = arith.constant 0.000000e+00 : f32
    %broadcast_in_dim3A_66 = vector.broadcast %broadcast_in_dim3A_65 : f32 to vector<16xf32>
    %swap3A_67 = arith.constant 48 : index
    %swap3A_68 = tpu.vector_load %arg6[%swap3A_67] {strides = array<i32>} : memref<640xf32, #tpu.memory_space<vmem>>, vector<16xf32>,
    %swap3A_69 = vector.shape_cast %swap3A_68 : vector<16xf32> to vector<16xf32>
    %swap3A_70 = vector.shape_cast %broadcast_in_dim3A_66 : vector<16xf32> to vector<16xf32>
    tpu.vector_store %arg6[%swap3A_67], %swap3A_70 {strides = array<i32>} : memref<640xf32, #tpu.memory_space<vmem>>, vector<16xf32>,
    %broadcast_in_dim3A_71 = arith.constant 0.000000e+00 : f32
    %broadcast_in_dim3A_72 = vector.broadcast %broadcast_in_dim3A_71 : f32 to vector<16xf32>
    %swap3A_73 = arith.constant 64 : index
    %swap3A_74 = tpu.vector_load %arg6[%swap3A_73] {strides = array<i32>} : memref<640xf32, #tpu.memory_space<vmem>>, vector<16xf32>,
    %swap3A_75 = vector.shape_cast %swap3A_74 : vector<16xf32> to vector<16xf32>
    %swap3A_76 = vector.shape_cast %broadcast_in_dim3A_72 : vector<16xf32> to vector<16xf32>
    tpu.vector_store %arg6[%swap3A_73], %swap3A_76 {strides = array<i32>} : memref<640xf32, #tpu.memory_space<vmem>>, vector<16xf32>,
    %broadcast_in_dim3A_77 = arith.constant 0.000000e+00 : f32
    %broadcast_in_dim3A_78 = vector.broadcast %broadcast_in_dim3A_77 : f32 to vector<16xf32>
    %swap3A_79 = arith.constant 80 : index
    %swap3A_80 = tpu.vector_load %arg6[%swap3A_79] {strides = array<i32>} : memref<640xf32, #tpu.memory_space<vmem>>, vector<16xf32>,
    %swap3A_81 = vector.shape_cast %swap3A_80 : vector<16xf32> to vector<16xf32>
    %swap3A_82 = vector.shape_cast %broadcast_in_dim3A_78 : vector<16xf32> to vector<16xf32>
    tpu.vector_store %arg6[%swap3A_79], %swap3A_82 {strides = array<i32>} : memref<640xf32, #tpu.memory_space<vmem>>, vector<16xf32>,
    %broadcast_in_dim3A_83 = arith.constant 0.000000e+00 : f32
    %broadcast_in_dim3A_84 = vector.broadcast %broadcast_in_dim3A_83 : f32 to vector<16xf32>
    %swap3A_85 = arith.constant 96 : index
    %swap3A_86 = tpu.vector_load %arg6[%swap3A_85] {strides = array<i32>} : memref<640xf32, #tpu.memory_space<vmem>>, vector<16xf32>,
    %swap3A_87 = vector.shape_cast %swap3A_86 : vector<16xf32> to vector<16xf32>
    %swap3A_88 = vector.shape_cast %broadcast_in_dim3A_84 : vector<16xf32> to vector<16xf32>
    tpu.vector_store %arg6[%swap3A_85], %swap3A_88 {strides = array<i32>} : memref<640xf32, #tpu.memory_space<vmem>>, vector<16xf32>,
    %broadcast_in_dim3A_89 = arith.constant 0.000000e+00 : f32
    %broadcast_in_dim3A_90 = vector.broadcast %broadcast_in_dim3A_89 : f32 to vector<16xf32>
    %swap3A_91 = arith.constant 112 : index
    %swap3A_92 = tpu.vector_load %arg6[%swap3A_91] {strides = array<i32>} : memref<640xf32, #tpu.memory_space<vmem>>, vector<16xf32>,
    %swap3A_93 = vector.shape_cast %swap3A_92 : vector<16xf32> to vector<16xf32>
    %swap3A_94 = vector.shape_cast %broadcast_in_dim3A_90 : vector<16xf32> to vector<16xf32>
    tpu.vector_store %arg6[%swap3A_91], %swap3A_94 {strides = array<i32>} : memref<640xf32, #tpu.memory_space<vmem>>, vector<16xf32>,
    %broadcast_in_dim3A_95 = arith.constant 0.000000e+00 : f32
    %broadcast_in_dim3A_96 = vector.broadcast %broadcast_in_dim3A_95 : f32 to vector<16xf32>
    %swap3A_97 = arith.constant 128 : index
    %swap3A_98 = tpu.vector_load %arg6[%swap3A_97] {strides = array<i32>} : memref<640xf32, #tpu.memory_space<vmem>>, vector<16xf32>,
    %swap3A_99 = vector.shape_cast %swap3A_98 : vector<16xf32> to vector<16xf32>
    %swap3A_100 = vector.shape_cast %broadcast_in_dim3A_96 : vector<16xf32> to vector<16xf32>
    tpu.vector_store %arg6[%swap3A_97], %swap3A_100 {strides = array<i32>} : memref<640xf32, #tpu.memory_space<vmem>>, vector<16xf32>,
    %broadcast_in_dim3A_101 = arith.constant 0.000000e+00 : f32
    %broadcast_in_dim3A_102 = vector.broadcast %broadcast_in_dim3A_101 : f32 to vector<16xf32>
    %swap3A_103 = arith.constant 144 : index
    %swap3A_104 = tpu.vector_load %arg6[%swap3A_103] {strides = array<i32>} : memref<640xf32, #tpu.memory_space<vmem>>, vector<16xf32>,
    %swap3A_105 = vector.shape_cast %swap3A_104 : vector<16xf32> to vector<16xf32>
    %swap3A_106 = vector.shape_cast %broadcast_in_dim3A_102 : vector<16xf32> to vector<16xf32>
    tpu.vector_store %arg6[%swap3A_103], %swap3A_106 {strides = array<i32>} : memref<640xf32, #tpu.memory_space<vmem>>, vector<16xf32>,
    %broadcast_in_dim3A_107 = arith.constant 0.000000e+00 : f32
    %broadcast_in_dim3A_108 = vector.broadcast %broadcast_in_dim3A_107 : f32 to vector<16xf32>
    %swap3A_109 = arith.constant 160 : index
    %swap3A_110 = tpu.vector_load %arg6[%swap3A_109] {strides = array<i32>} : memref<640xf32, #tpu.memory_space<vmem>>, vector<16xf32>,
    %swap3A_111 = vector.shape_cast %swap3A_110 : vector<16xf32> to vector<16xf32>
    %swap3A_112 = vector.shape_cast %broadcast_in_dim3A_108 : vector<16xf32> to vector<16xf32>
    tpu.vector_store %arg6[%swap3A_109], %swap3A_112 {strides = array<i32>} : memref<640xf32, #tpu.memory_space<vmem>>, vector<16xf32>,
    %broadcast_in_dim3A_113 = arith.constant 0.000000e+00 : f32
    %broadcast_in_dim3A_114 = vector.broadcast %broadcast_in_dim3A_113 : f32 to vector<16xf32>
    %swap3A_115 = arith.constant 176 : index
    %swap3A_116 = tpu.vector_load %arg6[%swap3A_115] {strides = array<i32>} : memref<640xf32, #tpu.memory_space<vmem>>, vector<16xf32>,
    %swap3A_117 = vector.shape_cast %swap3A_116 : vector<16xf32> to vector<16xf32>
    %swap3A_118 = vector.shape_cast %broadcast_in_dim3A_114 : vector<16xf32> to vector<16xf32>
    tpu.vector_store %arg6[%swap3A_115], %swap3A_118 {strides = array<i32>} : memref<640xf32, #tpu.memory_space<vmem>>, vector<16xf32>,
    %broadcast_in_dim3A_119 = arith.constant 0.000000e+00 : f32
    %broadcast_in_dim3A_120 = vector.broadcast %broadcast_in_dim3A_119 : f32 to vector<16xf32>
    %swap3A_121 = arith.constant 192 : index
    %swap3A_122 = tpu.vector_load %arg6[%swap3A_121] {strides = array<i32>} : memref<640xf32, #tpu.memory_space<vmem>>, vector<16xf32>,
    %swap3A_123 = vector.shape_cast %swap3A_122 : vector<16xf32> to vector<16xf32>
    %swap3A_124 = vector.shape_cast %broadcast_in_dim3A_120 : vector<16xf32> to vector<16xf32>
    tpu.vector_store %arg6[%swap3A_121], %swap3A_124 {strides = array<i32>} : memref<640xf32, #tpu.memory_space<vmem>>, vector<16xf32>,
    %broadcast_in_dim3A_125 = arith.constant 0.000000e+00 : f32
    %broadcast_in_dim3A_126 = vector.broadcast %broadcast_in_dim3A_125 : f32 to vector<16xf32>
    %swap3A_127 = arith.constant 208 : index
    %swap3A_128 = tpu.vector_load %arg6[%swap3A_127] {strides = array<i32>} : memref<640xf32, #tpu.memory_space<vmem>>, vector<16xf32>,
    %swap3A_129 = vector.shape_cast %swap3A_128 : vector<16xf32> to vector<16xf32>
    %swap3A_130 = vector.shape_cast %broadcast_in_dim3A_126 : vector<16xf32> to vector<16xf32>
    tpu.vector_store %arg6[%swap3A_127], %swap3A_130 {strides = array<i32>} : memref<640xf32, #tpu.memory_space<vmem>>, vector<16xf32>,
    %broadcast_in_dim3A_131 = arith.constant 0.000000e+00 : f32
    %broadcast_in_dim3A_132 = vector.broadcast %broadcast_in_dim3A_131 : f32 to vector<16xf32>
    %swap3A_133 = arith.constant 224 : index
    %swap3A_134 = tpu.vector_load %arg6[%swap3A_133] {strides = array<i32>} : memref<640xf32, #tpu.memory_space<vmem>>, vector<16xf32>,
    %swap3A_135 = vector.shape_cast %swap3A_134 : vector<16xf32> to vector<16xf32>
    %swap3A_136 = vector.shape_cast %broadcast_in_dim3A_132 : vector<16xf32> to vector<16xf32>
    tpu.vector_store %arg6[%swap3A_133], %swap3A_136 {strides = array<i32>} : memref<640xf32, #tpu.memory_space<vmem>>, vector<16xf32>,
    %broadcast_in_dim3A_137 = arith.constant 0.000000e+00 : f32
    %broadcast_in_dim3A_138 = vector.broadcast %broadcast_in_dim3A_137 : f32 to vector<16xf32>
    %swap3A_139 = arith.constant 240 : index
    %swap3A_140 = tpu.vector_load %arg6[%swap3A_139] {strides = array<i32>} : memref<640xf32, #tpu.memory_space<vmem>>, vector<16xf32>,
    %swap3A_141 = vector.shape_cast %swap3A_140 : vector<16xf32> to vector<16xf32>
    %swap3A_142 = vector.shape_cast %broadcast_in_dim3A_138 : vector<16xf32> to vector<16xf32>
    tpu.vector_store %arg6[%swap3A_139], %swap3A_142 {strides = array<i32>} : memref<640xf32, #tpu.memory_space<vmem>>, vector<16xf32>,
    %broadcast_in_dim3A_143 = arith.constant 0.000000e+00 : f32
    %broadcast_in_dim3A_144 = vector.broadcast %broadcast_in_dim3A_143 : f32 to vector<16xf32>
    %swap3A_145 = arith.constant 256 : index
    %swap3A_146 = tpu.vector_load %arg6[%swap3A_145] {strides = array<i32>} : memref<640xf32, #tpu.memory_space<vmem>>, vector<16xf32>,
    %swap3A_147 = vector.shape_cast %swap3A_146 : vector<16xf32> to vector<16xf32>
    %swap3A_148 = vector.shape_cast %broadcast_in_dim3A_144 : vector<16xf32> to vector<16xf32>
    tpu.vector_store %arg6[%swap3A_145], %swap3A_148 {strides = array<i32>} : memref<640xf32, #tpu.memory_space<vmem>>, vector<16xf32>,
    %broadcast_in_dim3A_149 = arith.constant 0.000000e+00 : f32
    %broadcast_in_dim3A_150 = vector.broadcast %broadcast_in_dim3A_149 : f32 to vector<16xf32>
    %swap3A_151 = arith.constant 272 : index
    %swap3A_152 = tpu.vector_load %arg6[%swap3A_151] {strides = array<i32>} : memref<640xf32, #tpu.memory_space<vmem>>, vector<16xf32>,
    %swap3A_153 = vector.shape_cast %swap3A_152 : vector<16xf32> to vector<16xf32>
    %swap3A_154 = vector.shape_cast %broadcast_in_dim3A_150 : vector<16xf32> to vector<16xf32>
    tpu.vector_store %arg6[%swap3A_151], %swap3A_154 {strides = array<i32>} : memref<640xf32, #tpu.memory_space<vmem>>, vector<16xf32>,
    %broadcast_in_dim3A_155 = arith.constant 0.000000e+00 : f32
    %broadcast_in_dim3A_156 = vector.broadcast %broadcast_in_dim3A_155 : f32 to vector<16xf32>
    %swap3A_157 = arith.constant 288 : index
    %swap3A_158 = tpu.vector_load %arg6[%swap3A_157] {strides = array<i32>} : memref<640xf32, #tpu.memory_space<vmem>>, vector<16xf32>,
    %swap3A_159 = vector.shape_cast %swap3A_158 : vector<16xf32> to vector<16xf32>
    %swap3A_160 = vector.shape_cast %broadcast_in_dim3A_156 : vector<16xf32> to vector<16xf32>
    tpu.vector_store %arg6[%swap3A_157], %swap3A_160 {strides = array<i32>} : memref<640xf32, #tpu.memory_space<vmem>>, vector<16xf32>,
    %broadcast_in_dim3A_161 = arith.constant 0.000000e+00 : f32
    %broadcast_in_dim3A_162 = vector.broadcast %broadcast_in_dim3A_161 : f32 to vector<16xf32>
    %swap3A_163 = arith.constant 304 : index
    %swap3A_164 = tpu.vector_load %arg6[%swap3A_163] {strides = array<i32>} : memref<640xf32, #tpu.memory_space<vmem>>, vector<16xf32>,
    %swap3A_165 = vector.shape_cast %swap3A_164 : vector<16xf32> to vector<16xf32>
    %swap3A_166 = vector.shape_cast %broadcast_in_dim3A_162 : vector<16xf32> to vector<16xf32>
    tpu.vector_store %arg6[%swap3A_163], %swap3A_166 {strides = array<i32>} : memref<640xf32, #tpu.memory_space<vmem>>, vector<16xf32>,
    %broadcast_in_dim3A_167 = arith.constant 0.000000e+00 : f32
    %broadcast_in_dim3A_168 = vector.broadcast %broadcast_in_dim3A_167 : f32 to vector<16xf32>
    %swap3A_169 = arith.constant 320 : index
    %swap3A_170 = tpu.vector_load %arg6[%swap3A_169] {strides = array<i32>} : memref<640xf32, #tpu.memory_space<vmem>>, vector<16xf32>,
    %swap3A_171 = vector.shape_cast %swap3A_170 : vector<16xf32> to vector<16xf32>
    %swap3A_172 = vector.shape_cast %broadcast_in_dim3A_168 : vector<16xf32> to vector<16xf32>
    tpu.vector_store %arg6[%swap3A_169], %swap3A_172 {strides = array<i32>} : memref<640xf32, #tpu.memory_space<vmem>>, vector<16xf32>,
    %broadcast_in_dim3A_173 = arith.constant 0.000000e+00 : f32
    %broadcast_in_dim3A_174 = vector.broadcast %broadcast_in_dim3A_173 : f32 to vector<16xf32>
    %swap3A_175 = arith.constant 336 : index
    %swap3A_176 = tpu.vector_load %arg6[%swap3A_175] {strides = array<i32>} : memref<640xf32, #tpu.memory_space<vmem>>, vector<16xf32>,
    %swap3A_177 = vector.shape_cast %swap3A_176 : vector<16xf32> to vector<16xf32>
    %swap3A_178 = vector.shape_cast %broadcast_in_dim3A_174 : vector<16xf32> to vector<16xf32>
    tpu.vector_store %arg6[%swap3A_175], %swap3A_178 {strides = array<i32>} : memref<640xf32, #tpu.memory_space<vmem>>, vector<16xf32>,
    %broadcast_in_dim3A_179 = arith.constant 0.000000e+00 : f32
    %broadcast_in_dim3A_180 = vector.broadcast %broadcast_in_dim3A_179 : f32 to vector<16xf32>
    %swap3A_181 = arith.constant 352 : index
    %swap3A_182 = tpu.vector_load %arg6[%swap3A_181] {strides = array<i32>} : memref<640xf32, #tpu.memory_space<vmem>>, vector<16xf32>,
    %swap3A_183 = vector.shape_cast %swap3A_182 : vector<16xf32> to vector<16xf32>
    %swap3A_184 = vector.shape_cast %broadcast_in_dim3A_180 : vector<16xf32> to vector<16xf32>
    tpu.vector_store %arg6[%swap3A_181], %swap3A_184 {strides = array<i32>} : memref<640xf32, #tpu.memory_space<vmem>>, vector<16xf32>,
    %broadcast_in_dim3A_185 = arith.constant 0.000000e+00 : f32
    %broadcast_in_dim3A_186 = vector.broadcast %broadcast_in_dim3A_185 : f32 to vector<16xf32>
    %swap3A_187 = arith.constant 368 : index
    %swap3A_188 = tpu.vector_load %arg6[%swap3A_187] {strides = array<i32>} : memref<640xf32, #tpu.memory_space<vmem>>, vector<16xf32>,
    %swap3A_189 = vector.shape_cast %swap3A_188 : vector<16xf32> to vector<16xf32>
    %swap3A_190 = vector.shape_cast %broadcast_in_dim3A_186 : vector<16xf32> to vector<16xf32>
    tpu.vector_store %arg6[%swap3A_187], %swap3A_190 {strides = array<i32>} : memref<640xf32, #tpu.memory_space<vmem>>, vector<16xf32>,
    %broadcast_in_dim3A_191 = arith.constant 0.000000e+00 : f32
    %broadcast_in_dim3A_192 = vector.broadcast %broadcast_in_dim3A_191 : f32 to vector<16xf32>
    %swap3A_193 = arith.constant 384 : index
    %swap3A_194 = tpu.vector_load %arg6[%swap3A_193] {strides = array<i32>} : memref<640xf32, #tpu.memory_space<vmem>>, vector<16xf32>,
    %swap3A_195 = vector.shape_cast %swap3A_194 : vector<16xf32> to vector<16xf32>
    %swap3A_196 = vector.shape_cast %broadcast_in_dim3A_192 : vector<16xf32> to vector<16xf32>
    tpu.vector_store %arg6[%swap3A_193], %swap3A_196 {strides = array<i32>} : memref<640xf32, #tpu.memory_space<vmem>>, vector<16xf32>,
    %broadcast_in_dim3A_197 = arith.constant 0.000000e+00 : f32
    %broadcast_in_dim3A_198 = vector.broadcast %broadcast_in_dim3A_197 : f32 to vector<16xf32>
    %swap3A_199 = arith.constant 400 : index
    %swap3A_200 = tpu.vector_load %arg6[%swap3A_199] {strides = array<i32>} : memref<640xf32, #tpu.memory_space<vmem>>, vector<16xf32>,
    %swap3A_201 = vector.shape_cast %swap3A_200 : vector<16xf32> to vector<16xf32>
    %swap3A_202 = vector.shape_cast %broadcast_in_dim3A_198 : vector<16xf32> to vector<16xf32>
    tpu.vector_store %arg6[%swap3A_199], %swap3A_202 {strides = array<i32>} : memref<640xf32, #tpu.memory_space<vmem>>, vector<16xf32>,
    %broadcast_in_dim3A_203 = arith.constant 0.000000e+00 : f32
    %broadcast_in_dim3A_204 = vector.broadcast %broadcast_in_dim3A_203 : f32 to vector<16xf32>
    %swap3A_205 = arith.constant 416 : index
    %swap3A_206 = tpu.vector_load %arg6[%swap3A_205] {strides = array<i32>} : memref<640xf32, #tpu.memory_space<vmem>>, vector<16xf32>,
    %swap3A_207 = vector.shape_cast %swap3A_206 : vector<16xf32> to vector<16xf32>
    %swap3A_208 = vector.shape_cast %broadcast_in_dim3A_204 : vector<16xf32> to vector<16xf32>
    tpu.vector_store %arg6[%swap3A_205], %swap3A_208 {strides = array<i32>} : memref<640xf32, #tpu.memory_space<vmem>>, vector<16xf32>,
    %broadcast_in_dim3A_209 = arith.constant 0.000000e+00 : f32
    %broadcast_in_dim3A_210 = vector.broadcast %broadcast_in_dim3A_209 : f32 to vector<16xf32>
    %swap3A_211 = arith.constant 432 : index
    %swap3A_212 = tpu.vector_load %arg6[%swap3A_211] {strides = array<i32>} : memref<640xf32, #tpu.memory_space<vmem>>, vector<16xf32>,
    %swap3A_213 = vector.shape_cast %swap3A_212 : vector<16xf32> to vector<16xf32>
    %swap3A_214 = vector.shape_cast %broadcast_in_dim3A_210 : vector<16xf32> to vector<16xf32>
    tpu.vector_store %arg6[%swap3A_211], %swap3A_214 {strides = array<i32>} : memref<640xf32, #tpu.memory_space<vmem>>, vector<16xf32>,
    %broadcast_in_dim3A_215 = arith.constant 0.000000e+00 : f32
    %broadcast_in_dim3A_216 = vector.broadcast %broadcast_in_dim3A_215 : f32 to vector<16xf32>
    %swap3A_217 = arith.constant 448 : index
    %swap3A_218 = tpu.vector_load %arg6[%swap3A_217] {strides = array<i32>} : memref<640xf32, #tpu.memory_space<vmem>>, vector<16xf32>,
    %swap3A_219 = vector.shape_cast %swap3A_218 : vector<16xf32> to vector<16xf32>
    %swap3A_220 = vector.shape_cast %broadcast_in_dim3A_216 : vector<16xf32> to vector<16xf32>
    tpu.vector_store %arg6[%swap3A_217], %swap3A_220 {strides = array<i32>} : memref<640xf32, #tpu.memory_space<vmem>>, vector<16xf32>,
    %broadcast_in_dim3A_221 = arith.constant 0.000000e+00 : f32
    %broadcast_in_dim3A_222 = vector.broadcast %broadcast_in_dim3A_221 : f32 to vector<16xf32>
    %swap3A_223 = arith.constant 464 : index
    %swap3A_224 = tpu.vector_load %arg6[%swap3A_223] {strides = array<i32>} : memref<640xf32, #tpu.memory_space<vmem>>, vector<16xf32>,
    %swap3A_225 = vector.shape_cast %swap3A_224 : vector<16xf32> to vector<16xf32>
    %swap3A_226 = vector.shape_cast %broadcast_in_dim3A_222 : vector<16xf32> to vector<16xf32>
    tpu.vector_store %arg6[%swap3A_223], %swap3A_226 {strides = array<i32>} : memref<640xf32, #tpu.memory_space<vmem>>, vector<16xf32>,
    %broadcast_in_dim3A_227 = arith.constant 0.000000e+00 : f32
    %broadcast_in_dim3A_228 = vector.broadcast %broadcast_in_dim3A_227 : f32 to vector<16xf32>
    %swap3A_229 = arith.constant 480 : index
    %swap3A_230 = tpu.vector_load %arg6[%swap3A_229] {strides = array<i32>} : memref<640xf32, #tpu.memory_space<vmem>>, vector<16xf32>,
    %swap3A_231 = vector.shape_cast %swap3A_230 : vector<16xf32> to vector<16xf32>
    %swap3A_232 = vector.shape_cast %broadcast_in_dim3A_228 : vector<16xf32> to vector<16xf32>
    tpu.vector_store %arg6[%swap3A_229], %swap3A_232 {strides = array<i32>} : memref<640xf32, #tpu.memory_space<vmem>>, vector<16xf32>,
    %broadcast_in_dim3A_233 = arith.constant 0.000000e+00 : f32
    %broadcast_in_dim3A_234 = vector.broadcast %broadcast_in_dim3A_233 : f32 to vector<16xf32>
    %swap3A_235 = arith.constant 496 : index
    %swap3A_236 = tpu.vector_load %arg6[%swap3A_235] {strides = array<i32>} : memref<640xf32, #tpu.memory_space<vmem>>, vector<16xf32>,
    %swap3A_237 = vector.shape_cast %swap3A_236 : vector<16xf32> to vector<16xf32>
    %swap3A_238 = vector.shape_cast %broadcast_in_dim3A_234 : vector<16xf32> to vector<16xf32>
    tpu.vector_store %arg6[%swap3A_235], %swap3A_238 {strides = array<i32>} : memref<640xf32, #tpu.memory_space<vmem>>, vector<16xf32>,
    %broadcast_in_dim3A_239 = arith.constant 0.000000e+00 : f32
    %broadcast_in_dim3A_240 = vector.broadcast %broadcast_in_dim3A_239 : f32 to vector<16xf32>
    %swap3A_241 = arith.constant 512 : index
    %swap3A_242 = tpu.vector_load %arg6[%swap3A_241] {strides = array<i32>} : memref<640xf32, #tpu.memory_space<vmem>>, vector<16xf32>,
    %swap3A_243 = vector.shape_cast %swap3A_242 : vector<16xf32> to vector<16xf32>
    %swap3A_244 = vector.shape_cast %broadcast_in_dim3A_240 : vector<16xf32> to vector<16xf32>
    tpu.vector_store %arg6[%swap3A_241], %swap3A_244 {strides = array<i32>} : memref<640xf32, #tpu.memory_space<vmem>>, vector<16xf32>,
    %broadcast_in_dim3A_245 = arith.constant 0.000000e+00 : f32
    %broadcast_in_dim3A_246 = vector.broadcast %broadcast_in_dim3A_245 : f32 to vector<16xf32>
    %swap3A_247 = arith.constant 528 : index
    %swap3A_248 = tpu.vector_load %arg6[%swap3A_247] {strides = array<i32>} : memref<640xf32, #tpu.memory_space<vmem>>, vector<16xf32>,
    %swap3A_249 = vector.shape_cast %swap3A_248 : vector<16xf32> to vector<16xf32>
    %swap3A_250 = vector.shape_cast %broadcast_in_dim3A_246 : vector<16xf32> to vector<16xf32>
    tpu.vector_store %arg6[%swap3A_247], %swap3A_250 {strides = array<i32>} : memref<640xf32, #tpu.memory_space<vmem>>, vector<16xf32>,
    %broadcast_in_dim3A_251 = arith.constant 0.000000e+00 : f32
    %broadcast_in_dim3A_252 = vector.broadcast %broadcast_in_dim3A_251 : f32 to vector<16xf32>
    %swap3A_253 = arith.constant 544 : index
    %swap3A_254 = tpu.vector_load %arg6[%swap3A_253] {strides = array<i32>} : memref<640xf32, #tpu.memory_space<vmem>>, vector<16xf32>,
    %swap3A_255 = vector.shape_cast %swap3A_254 : vector<16xf32> to vector<16xf32>
    %swap3A_256 = vector.shape_cast %broadcast_in_dim3A_252 : vector<16xf32> to vector<16xf32>
    tpu.vector_store %arg6[%swap3A_253], %swap3A_256 {strides = array<i32>} : memref<640xf32, #tpu.memory_space<vmem>>, vector<16xf32>,
    %broadcast_in_dim3A_257 = arith.constant 0.000000e+00 : f32
    %broadcast_in_dim3A_258 = vector.broadcast %broadcast_in_dim3A_257 : f32 to vector<16xf32>
    %swap3A_259 = arith.constant 560 : index
    %swap3A_260 = tpu.vector_load %arg6[%swap3A_259] {strides = array<i32>} : memref<640xf32, #tpu.memory_space<vmem>>, vector<16xf32>,
    %swap3A_261 = vector.shape_cast %swap3A_260 : vector<16xf32> to vector<16xf32>
    %swap3A_262 = vector.shape_cast %broadcast_in_dim3A_258 : vector<16xf32> to vector<16xf32>
    tpu.vector_store %arg6[%swap3A_259], %swap3A_262 {strides = array<i32>} : memref<640xf32, #tpu.memory_space<vmem>>, vector<16xf32>,
    %broadcast_in_dim3A_263 = arith.constant 0.000000e+00 : f32
    %broadcast_in_dim3A_264 = vector.broadcast %broadcast_in_dim3A_263 : f32 to vector<16xf32>
    %swap3A_265 = arith.constant 576 : index
    %swap3A_266 = tpu.vector_load %arg6[%swap3A_265] {strides = array<i32>} : memref<640xf32, #tpu.memory_space<vmem>>, vector<16xf32>,
    %swap3A_267 = vector.shape_cast %swap3A_266 : vector<16xf32> to vector<16xf32>
    %swap3A_268 = vector.shape_cast %broadcast_in_dim3A_264 : vector<16xf32> to vector<16xf32>
    tpu.vector_store %arg6[%swap3A_265], %swap3A_268 {strides = array<i32>} : memref<640xf32, #tpu.memory_space<vmem>>, vector<16xf32>,
    %broadcast_in_dim3A_269 = arith.constant 0.000000e+00 : f32
    %broadcast_in_dim3A_270 = vector.broadcast %broadcast_in_dim3A_269 : f32 to vector<16xf32>
    %swap3A_271 = arith.constant 592 : index
    %swap3A_272 = tpu.vector_load %arg6[%swap3A_271] {strides = array<i32>} : memref<640xf32, #tpu.memory_space<vmem>>, vector<16xf32>,
    %swap3A_273 = vector.shape_cast %swap3A_272 : vector<16xf32> to vector<16xf32>
    %swap3A_274 = vector.shape_cast %broadcast_in_dim3A_270 : vector<16xf32> to vector<16xf32>
    tpu.vector_store %arg6[%swap3A_271], %swap3A_274 {strides = array<i32>} : memref<640xf32, #tpu.memory_space<vmem>>, vector<16xf32>,
    %broadcast_in_dim3A_275 = arith.constant 0.000000e+00 : f32
    %broadcast_in_dim3A_276 = vector.broadcast %broadcast_in_dim3A_275 : f32 to vector<16xf32>
    %swap3A_277 = arith.constant 608 : index
    %swap3A_278 = tpu.vector_load %arg6[%swap3A_277] {strides = array<i32>} : memref<640xf32, #tpu.memory_space<vmem>>, vector<16xf32>,
    %swap3A_279 = vector.shape_cast %swap3A_278 : vector<16xf32> to vector<16xf32>
    %swap3A_280 = vector.shape_cast %broadcast_in_dim3A_276 : vector<16xf32> to vector<16xf32>
    tpu.vector_store %arg6[%swap3A_277], %swap3A_280 {strides = array<i32>} : memref<640xf32, #tpu.memory_space<vmem>>, vector<16xf32>,
    %broadcast_in_dim3A_281 = arith.constant 0.000000e+00 : f32
    %broadcast_in_dim3A_282 = vector.broadcast %broadcast_in_dim3A_281 : f32 to vector<16xf32>
    %swap3A_283 = arith.constant 624 : index
    %swap3A_284 = tpu.vector_load %arg6[%swap3A_283] {strides = array<i32>} : memref<640xf32, #tpu.memory_space<vmem>>, vector<16xf32>,
    %swap3A_285 = vector.shape_cast %swap3A_284 : vector<16xf32> to vector<16xf32>
    %swap3A_286 = vector.shape_cast %broadcast_in_dim3A_282 : vector<16xf32> to vector<16xf32>
    tpu.vector_store %arg6[%swap3A_283], %swap3A_286 {strides = array<i32>} : memref<640xf32, #tpu.memory_space<vmem>>, vector<16xf32>,
    %mul3A_287 = arith.constant 80 : i32
    %mul3A_288 = arith.muli %add3A, %mul3A_287 : i32
    %run_scoped3A = arith.constant 1 : i32
    "tpu.region"() ({
      %run_scoped3A_307 = tpu.sem_alloc : memref<!tpu.dma_semaphore, #tpu.memory_space<semaphore_mem>>
      %dma_start3A = arith.constant 0 : i32
      %dma_start3A_308 = tpu.memref_slice %arg2[%run_scoped3A, %mul3A_288, %dma_start3A] : memref<2x2560x125xi32, #tpu.memory_space<hbm>> -> memref<1x80x125xi32, #tpu.memory_space<hbm>>
      %dma_start3A_309 = tpu.memref_squeeze %dma_start3A_308 : memref<1x80x125xi32, #tpu.memory_space<hbm>> -> memref<80x125xi32, #tpu.memory_space<hbm>>
      %dma_start3A_310 = arith.constant 0 : i32
      %dma_start3A_311 = tpu.memref_slice %arg2[%run_scoped3A, %mul3A_288, %dma_start3A_310] : memref<2x2560x125xi32, #tpu.memory_space<hbm>> -> memref<1x80x125xi32, #tpu.memory_space<hbm>>
      %dma_start3A_312 = tpu.memref_squeeze %dma_start3A_311 : memref<1x80x125xi32, #tpu.memory_space<hbm>> -> memref<80x125xi32, #tpu.memory_space<hbm>>
      tpu.enqueue_dma source(%dma_start3A_312 : memref<80x125xi32, #tpu.memory_space<hbm>>) target(%arg4 : memref<80x125xi32, #tpu.memory_space<vmem>>) target_semaphore(%run_scoped3A_307 : memref<!tpu.dma_semaphore, #tpu.memory_space<semaphore_mem>>)
      %dma_wait3A = arith.constant 0 : i32
      %dma_wait3A_313 = tpu.memref_slice %arg2[%run_scoped3A, %mul3A_288, %dma_wait3A] : memref<2x2560x125xi32, #tpu.memory_space<hbm>> -> memref<1x80x125xi32, #tpu.memory_space<hbm>>
      %dma_wait3A_314 = tpu.memref_squeeze %dma_wait3A_313 : memref<1x80x125xi32, #tpu.memory_space<hbm>> -> memref<80x125xi32, #tpu.memory_space<hbm>>
      %dma_wait3A_315 = arith.constant 0 : i32
      %dma_wait3A_316 = tpu.memref_slice %arg2[%run_scoped3A, %mul3A_288, %dma_wait3A_315] : memref<2x2560x125xi32, #tpu.memory_space<hbm>> -> memref<1x80x125xi32, #tpu.memory_space<hbm>>
      %dma_wait3A_317 = tpu.memref_squeeze %dma_wait3A_316 : memref<1x80x125xi32, #tpu.memory_space<hbm>> -> memref<80x125xi32, #tpu.memory_space<hbm>>
      tpu.wait_dma2 semaphore(%run_scoped3A_307 : memref<!tpu.dma_semaphore, #tpu.memory_space<semaphore_mem>>) src(%dma_wait3A_317 : memref<80x125xi32, #tpu.memory_space<hbm>>) dst(%arg4 : memref<80x125xi32, #tpu.memory_space<vmem>>)
      tpu.yield
    }) : () -> ()
    %mul3A_289 = arith.constant 640 : i32
    %mul3A_290 = arith.muli %arg1, %mul3A_289 : i32
    "tpu.region"() ({
      %run_scoped3A_307 = tpu.sem_alloc : memref<!tpu.dma_semaphore, #tpu.memory_space<semaphore_mem>>
      %dma_start3A = tpu.memref_slice %arg7[%mul3A_290] : memref<10240xf32, #tpu.memory_space<vmem_shared>> -> memref<640xf32, #tpu.memory_space<vmem_shared>>
      %dma_start3A_308 = tpu.memref_slice %arg7[%mul3A_290] : memref<10240xf32, #tpu.memory_space<vmem_shared>> -> memref<640xf32, #tpu.memory_space<vmem_shared>>
      tpu.enqueue_dma source(%arg6 : memref<640xf32, #tpu.memory_space<vmem>>) target(%dma_start3A_308 : memref<640xf32, #tpu.memory_space<vmem_shared>>) target_semaphore(%run_scoped3A_307 : memref<!tpu.dma_semaphore, #tpu.memory_space<semaphore_mem>>)
      %dma_wait3A = tpu.memref_slice %arg7[%mul3A_290] : memref<10240xf32, #tpu.memory_space<vmem_shared>> -> memref<640xf32, #tpu.memory_space<vmem_shared>>
      %dma_wait3A_309 = tpu.memref_slice %arg7[%mul3A_290] : memref<10240xf32, #tpu.memory_space<vmem_shared>> -> memref<640xf32, #tpu.memory_space<vmem_shared>>
      tpu.wait_dma2 semaphore(%run_scoped3A_307 : memref<!tpu.dma_semaphore, #tpu.memory_space<semaphore_mem>>) src(%arg6 : memref<640xf32, #tpu.memory_space<vmem>>) dst(%dma_wait3A_309 : memref<640xf32, #tpu.memory_space<vmem_shared>>)
      tpu.yield
    }) : () -> ()
    %barrier3A = arith.constant 0 : index
    tpu.barrier barrier_id(%barrier3A)
    %scan3A = arith.constant 0 : i32
    %scan3A_291 = arith.constant 0 : i32
    %scan3A_292 = arith.constant 80 : i32
    %scan3A_293 = arith.addi %scan3A_291, %scan3A_292 : i32
    %scan3A_294 = arith.constant 1 : i32
    scf.for %scan3A_307 = %scan3A_291 to %scan3A_293 step %scan3A_294  : i32 {
      %dma_start3A = arith.constant 0 : i32
      %dma_start3A_308 = tpu.memref_slice %arg5[%dma_start3A] : memref<128xf32, #tpu.memory_space<vmem>> -> memref<125xf32, #tpu.memory_space<vmem>>
      %dma_start3A_309 = arith.constant 0 : i32
      %dma_start3A_310 = tpu.memref_slice %arg4[%scan3A_307, %dma_start3A_309] : memref<80x125xi32, #tpu.memory_space<vmem>> -> memref<1x125xi32, #tpu.memory_space<vmem>>
      %dma_start3A_311 = tpu.memref_squeeze %dma_start3A_310 : memref<1x125xi32, #tpu.memory_space<vmem>> -> memref<125xi32, #tpu.memory_space<vmem>>
      %dma_start3A_312 = arith.constant 0 : i32
      %dma_start3A_313 = tpu.memref_slice %arg7[%dma_start3A_312] : memref<10240xf32, #tpu.memory_space<vmem_shared>> -> memref<10240xf32, #tpu.memory_space<vmem_shared>>
      tpu.enqueue_indirect_dma source(%dma_start3A_308 : memref<125xf32, #tpu.memory_space<vmem>>) target(%dma_start3A_313 : memref<10240xf32, #tpu.memory_space<vmem_shared>>) offsets(%dma_start3A_311 : memref<125xi32, #tpu.memory_space<vmem>>) semaphore(%arg8 : memref<!tpu.dma_semaphore, #tpu.memory_space<semaphore_mem>>) {add = true}
    }
    %scan3A_295 = arith.constant 80 : i32
    %scan3A_296 = arith.constant 0 : i32
    %scan3A_297 = arith.constant 0 : i32
    %scan3A_298 = arith.constant 80 : i32
    %scan3A_299 = arith.addi %scan3A_297, %scan3A_298 : i32
    %scan3A_300 = arith.constant 1 : i32
    scf.for %scan3A_307 = %scan3A_297 to %scan3A_299 step %scan3A_300  : i32 {
      %dma_wait3A = arith.constant 0 : i32
      %dma_wait3A_308 = arith.constant 0 : i32
      %dma_wait3A_309 = tpu.memref_slice %arg5[%dma_wait3A_308] : memref<128xf32, #tpu.memory_space<vmem>> -> memref<125xf32, #tpu.memory_space<vmem>>
      %dma_wait3A_310 = arith.constant 0 : i32
      %dma_wait3A_311 = tpu.memref_slice %arg4[%dma_wait3A, %dma_wait3A_310] : memref<80x125xi32, #tpu.memory_space<vmem>> -> memref<1x125xi32, #tpu.memory_space<vmem>>
      %dma_wait3A_312 = tpu.memref_squeeze %dma_wait3A_311 : memref<1x125xi32, #tpu.memory_space<vmem>> -> memref<125xi32, #tpu.memory_space<vmem>>
      %dma_wait3A_313 = arith.constant 0 : i32
      %dma_wait3A_314 = tpu.memref_slice %arg7[%dma_wait3A_313] : memref<10240xf32, #tpu.memory_space<vmem_shared>> -> memref<10240xf32, #tpu.memory_space<vmem_shared>>
      tpu.wait_indirect_dma semaphore(%arg8 : memref<!tpu.dma_semaphore, #tpu.memory_space<semaphore_mem>>) src(%dma_wait3A_309 : memref<125xf32, #tpu.memory_space<vmem>>) dst(%dma_wait3A_314 : memref<10240xf32, #tpu.memory_space<vmem_shared>>)
    }
    %scan3A_301 = arith.constant 80 : i32
    %barrier3A_302 = arith.constant 0 : index
    tpu.barrier barrier_id(%barrier3A_302)
    %mul3A_303 = arith.constant 640 : i32
    %mul3A_304 = arith.muli %arg1, %mul3A_303 : i32
    %mul3A_305 = arith.constant 640 : i32
    %mul3A_306 = arith.muli %arg1, %mul3A_305 : i32
    "tpu.region"() ({
      %run_scoped3A_307 = tpu.sem_alloc : memref<!tpu.dma_semaphore, #tpu.memory_space<semaphore_mem>>
      %dma_start3A = tpu.memref_slice %arg3[%arg0, %mul3A_306] : memref<2x10240xf32, #tpu.memory_space<hbm>> -> memref<1x640xf32, #tpu.memory_space<hbm>>
      %dma_start3A_308 = tpu.memref_squeeze %dma_start3A : memref<1x640xf32, #tpu.memory_space<hbm>> -> memref<640xf32, #tpu.memory_space<hbm>>
      %dma_start3A_309 = tpu.memref_slice %arg7[%mul3A_304] : memref<10240xf32, #tpu.memory_space<vmem_shared>> -> memref<640xf32, #tpu.memory_space<vmem_shared>>
      tpu.enqueue_dma source(%dma_start3A_309 : memref<640xf32, #tpu.memory_space<vmem_shared>>) target(%dma_start3A_308 : memref<640xf32, #tpu.memory_space<hbm>>) target_semaphore(%run_scoped3A_307 : memref<!tpu.dma_semaphore, #tpu.memory_space<semaphore_mem>>)
      %dma_wait3A = tpu.memref_slice %arg3[%arg0, %mul3A_306] : memref<2x10240xf32, #tpu.memory_space<hbm>> -> memref<1x640xf32, #tpu.memory_space<hbm>>
      %dma_wait3A_310 = tpu.memref_squeeze %dma_wait3A : memref<1x640xf32, #tpu.memory_space<hbm>> -> memref<640xf32, #tpu.memory_space<hbm>>
      %dma_wait3A_311 = tpu.memref_slice %arg7[%mul3A_304] : memref<10240xf32, #tpu.memory_space<vmem_shared>> -> memref<640xf32, #tpu.memory_space<vmem_shared>>
      tpu.wait_dma2 semaphore(%run_scoped3A_307 : memref<!tpu.dma_semaphore, #tpu.memory_space<semaphore_mem>>) src(%dma_wait3A_311 : memref<640xf32, #tpu.memory_space<vmem_shared>>) dst(%dma_wait3A_310 : memref<640xf32, #tpu.memory_space<hbm>>)
      tpu.yield
    }) : () -> ()
    return
  }
}

module attributes {stable_mosaic.version = 14 : i64} {
  func.func @_epilogue_body(%arg0: i32, %arg1: memref<2x10240x128xf32, #tpu.memory_space<vmem>>, %arg2: memref<10240x128xf32, #tpu.memory_space<vmem>>, %arg3: memref<2x10240x1xf32, #tpu.memory_space<vmem>>, %arg4: memref<10240x128xf32, #tpu.memory_space<vmem>>, %arg5: memref<1x128xf32, #tpu.memory_space<vmem>>, %arg6: memref<1x128xf32, #tpu.memory_space<vmem>>, %arg7: memref<1x128xf32, #tpu.memory_space<vmem>>, %arg8: memref<1x128xf32, #tpu.memory_space<vmem>>, %arg9: memref<1x128xf32, #tpu.memory_space<vmem>>, %arg10: memref<10240x128xf32, #tpu.memory_space<vmem>>) attributes {dimension_semantics = [#tpu.dimension_semantics<arbitrary>], iteration_bounds = array<i64: 1>, scalar_prefetch = 0 : i64, scratch_operands = 0 : i64, tpu.core_type = #tpu.core_type<tc>, window_params = [{transform_indices = @transform_0, window_bounds = array<i64: 2, 10240, 128>}, {transform_indices = @transform_1, window_bounds = array<i64: 10240, 128>}, {transform_indices = @transform_2, window_bounds = array<i64: 2, 10240, 1>}, {transform_indices = @transform_3, window_bounds = array<i64: 10240, 128>}, {pipeline_mode = #tpu.pipeline_mode<synchronous>, transform_indices = @transform_4, window_bounds = array<i64: 1, 128>}, {pipeline_mode = #tpu.pipeline_mode<synchronous>, transform_indices = @transform_5, window_bounds = array<i64: 1, 128>}, {pipeline_mode = #tpu.pipeline_mode<synchronous>, transform_indices = @transform_6, window_bounds = array<i64: 1, 128>}, {pipeline_mode = #tpu.pipeline_mode<synchronous>, transform_indices = @transform_7, window_bounds = array<i64: 1, 128>}, {pipeline_mode = #tpu.pipeline_mode<synchronous>, transform_indices = @transform_8, window_bounds = array<i64: 1, 128>}, {transform_indices = @transform_9, window_bounds = array<i64: 10240, 128>}]} {
    %get3A = arith.constant 0 : index
    %get3A_0 = arith.constant 0 : index
    %get3A_1 = arith.constant 0 : index
    %get3A_2 = vector.load %arg3[%get3A, %get3A_0, %get3A_1] : memref<2x10240x1xf32, #tpu.memory_space<vmem>>, vector<1x10240x1xf32>
    %get3A_3 = vector.shape_cast %get3A_2 : vector<1x10240x1xf32> to vector<10240x1xf32>
    %get3A_4 = arith.constant 1 : index
    %get3A_5 = arith.constant 0 : index
    %get3A_6 = arith.constant 0 : index
    %get3A_7 = vector.load %arg3[%get3A_4, %get3A_5, %get3A_6] : memref<2x10240x1xf32, #tpu.memory_space<vmem>>, vector<1x10240x1xf32>
    %get3A_8 = vector.shape_cast %get3A_7 : vector<1x10240x1xf32> to vector<10240x1xf32>
    %add3A = arith.addf %get3A_3, %get3A_8 : vector<10240x1xf32>
    %add3A_9 = arith.constant 1.000000e+00 : f32
    %add3A_10 = vector.broadcast %add3A_9 : f32 to vector<10240x1xf32>
    %add3A_11 = arith.addf %add3A, %add3A_10 : vector<10240x1xf32>
    %rsqrt3A = math.rsqrt %add3A_11 : vector<10240x1xf32>
    %get3A_12 = arith.constant 0 : index
    %get3A_13 = arith.constant 0 : index
    %get3A_14 = arith.constant 0 : index
    %get3A_15 = vector.load %arg1[%get3A_12, %get3A_13, %get3A_14] : memref<2x10240x128xf32, #tpu.memory_space<vmem>>, vector<1x10240x128xf32>
    %get3A_16 = vector.shape_cast %get3A_15 : vector<1x10240x128xf32> to vector<10240x128xf32>
    %get3A_17 = arith.constant 1 : index
    %get3A_18 = arith.constant 0 : index
    %get3A_19 = arith.constant 0 : index
    %get3A_20 = vector.load %arg1[%get3A_17, %get3A_18, %get3A_19] : memref<2x10240x128xf32, #tpu.memory_space<vmem>>, vector<1x10240x128xf32>
    %get3A_21 = vector.shape_cast %get3A_20 : vector<1x10240x128xf32> to vector<10240x128xf32>
    %add3A_22 = arith.addf %get3A_16, %get3A_21 : vector<10240x128xf32>
    %get3A_23 = arith.constant 0 : index
    %get3A_24 = arith.constant 0 : index
    %get3A_25 = vector.load %arg2[%get3A_23, %get3A_24] : memref<10240x128xf32, #tpu.memory_space<vmem>>, vector<10240x128xf32>
    %sub3A = arith.subf %add3A_22, %get3A_25 : vector<10240x128xf32>
    %mul3A = vector.broadcast %rsqrt3A : vector<10240x1xf32> to vector<10240x128xf32>
    %mul3A_26 = arith.mulf %sub3A, %mul3A : vector<10240x128xf32>
    %get3A_27 = arith.constant 0 : index
    %get3A_28 = arith.constant 0 : index
    %get3A_29 = vector.load %arg5[%get3A_27, %get3A_28] : memref<1x128xf32, #tpu.memory_space<vmem>>, vector<1x128xf32>
    %add3A_30 = vector.broadcast %get3A_29 : vector<1x128xf32> to vector<10240x128xf32>
    %add3A_31 = arith.addf %mul3A_26, %add3A_30 : vector<10240x128xf32>
    %get3A_32 = arith.constant 0 : index
    %get3A_33 = arith.constant 0 : index
    %get3A_34 = vector.load %arg9[%get3A_32, %get3A_33] : memref<1x128xf32, #tpu.memory_space<vmem>>, vector<1x128xf32>
    %add3A_35 = arith.constant 9.99999974E-6 : f32
    %add3A_36 = vector.broadcast %add3A_35 : f32 to vector<1x128xf32>
    %add3A_37 = arith.addf %get3A_34, %add3A_36 : vector<1x128xf32>
    %rsqrt3A_38 = math.rsqrt %add3A_37 : vector<1x128xf32>
    %get3A_39 = arith.constant 0 : index
    %get3A_40 = arith.constant 0 : index
    %get3A_41 = vector.load %arg8[%get3A_39, %get3A_40] : memref<1x128xf32, #tpu.memory_space<vmem>>, vector<1x128xf32>
    %sub3A_42 = vector.broadcast %get3A_41 : vector<1x128xf32> to vector<10240x128xf32>
    %sub3A_43 = arith.subf %add3A_31, %sub3A_42 : vector<10240x128xf32>
    %mul3A_44 = vector.broadcast %rsqrt3A_38 : vector<1x128xf32> to vector<10240x128xf32>
    %mul3A_45 = arith.mulf %sub3A_43, %mul3A_44 : vector<10240x128xf32>
    %get3A_46 = arith.constant 0 : index
    %get3A_47 = arith.constant 0 : index
    %get3A_48 = vector.load %arg6[%get3A_46, %get3A_47] : memref<1x128xf32, #tpu.memory_space<vmem>>, vector<1x128xf32>
    %mul3A_49 = vector.broadcast %get3A_48 : vector<1x128xf32> to vector<10240x128xf32>
    %mul3A_50 = arith.mulf %mul3A_45, %mul3A_49 : vector<10240x128xf32>
    %get3A_51 = arith.constant 0 : index
    %get3A_52 = arith.constant 0 : index
    %get3A_53 = vector.load %arg7[%get3A_51, %get3A_52] : memref<1x128xf32, #tpu.memory_space<vmem>>, vector<1x128xf32>
    %add3A_54 = vector.broadcast %get3A_53 : vector<1x128xf32> to vector<10240x128xf32>
    %add3A_55 = arith.addf %mul3A_50, %add3A_54 : vector<10240x128xf32>
    %max3A = arith.constant 0.000000e+00 : f32
    %max3A_56 = vector.broadcast %max3A : f32 to vector<10240x128xf32>
    %max3A_57 = arith.maximumf %add3A_55, %max3A_56 : vector<10240x128xf32>
    %get3A_58 = arith.constant 0 : index
    %get3A_59 = arith.constant 0 : index
    %get3A_60 = vector.load %arg4[%get3A_58, %get3A_59] : memref<10240x128xf32, #tpu.memory_space<vmem>>, vector<10240x128xf32>
    %add3A_61 = arith.addf %max3A_57, %get3A_60 : vector<10240x128xf32>
    %swap3A = arith.constant 0 : index
    %swap3A_62 = arith.constant 0 : index
    %swap3A_63 = vector.load %arg10[%swap3A, %swap3A_62] : memref<10240x128xf32, #tpu.memory_space<vmem>>, vector<10240x128xf32>
    tpu.vector_store %arg10[%swap3A, %swap3A_62], %add3A_61 {strides = array<i32>} : memref<10240x128xf32, #tpu.memory_space<vmem>>, vector<10240x128xf32>,
    return
  }
  func.func @transform_0(%arg0: i32) -> (i32, i32, i32) {
    %c0_i32 = arith.constant 0 : i32
    %c0_i32_0 = arith.constant 0 : i32
    %c0_i32_1 = arith.constant 0 : i32
    return %c0_i32, %arg0, %c0_i32_0 : i32, i32, i32
  }
  func.func @transform_1(%arg0: i32) -> (i32, i32) {
    %c0_i32 = arith.constant 0 : i32
    %c0_i32_0 = arith.constant 0 : i32
    return %arg0, %c0_i32 : i32, i32
  }
  func.func @transform_2(%arg0: i32) -> (i32, i32, i32) {
    %c0_i32 = arith.constant 0 : i32
    %c0_i32_0 = arith.constant 0 : i32
    %c0_i32_1 = arith.constant 0 : i32
    return %c0_i32, %arg0, %c0_i32_0 : i32, i32, i32
  }
  func.func @transform_3(%arg0: i32) -> (i32, i32) {
    %c0_i32 = arith.constant 0 : i32
    %c0_i32_0 = arith.constant 0 : i32
    return %arg0, %c0_i32 : i32, i32
  }
  func.func @transform_4(%arg0: i32) -> (i32, i32) {
    %c0_i32 = arith.constant 0 : i32
    %c0_i32_0 = arith.constant 0 : i32
    %c0_i32_1 = arith.constant 0 : i32
    return %c0_i32, %c0_i32_0 : i32, i32
  }
  func.func @transform_5(%arg0: i32) -> (i32, i32) {
    %c0_i32 = arith.constant 0 : i32
    %c0_i32_0 = arith.constant 0 : i32
    %c0_i32_1 = arith.constant 0 : i32
    return %c0_i32, %c0_i32_0 : i32, i32
  }
  func.func @transform_6(%arg0: i32) -> (i32, i32) {
    %c0_i32 = arith.constant 0 : i32
    %c0_i32_0 = arith.constant 0 : i32
    %c0_i32_1 = arith.constant 0 : i32
    return %c0_i32, %c0_i32_0 : i32, i32
  }
  func.func @transform_7(%arg0: i32) -> (i32, i32) {
    %c0_i32 = arith.constant 0 : i32
    %c0_i32_0 = arith.constant 0 : i32
    %c0_i32_1 = arith.constant 0 : i32
    return %c0_i32, %c0_i32_0 : i32, i32
  }
  func.func @transform_8(%arg0: i32) -> (i32, i32) {
    %c0_i32 = arith.constant 0 : i32
    %c0_i32_0 = arith.constant 0 : i32
    %c0_i32_1 = arith.constant 0 : i32
    return %c0_i32, %c0_i32_0 : i32, i32
  }
  func.func @transform_9(%arg0: i32) -> (i32, i32) {
    %c0_i32 = arith.constant 0 : i32
    %c0_i32_0 = arith.constant 0 : i32
    return %arg0, %c0_i32 : i32, i32
  }
}

module attributes {stable_mosaic.version = 14 : i64} {
  func.func @_prescale_body(%arg0: i32, %arg1: memref<10240x128xf32, #tpu.memory_space<vmem>>, %arg2: memref<128x128xf32, #tpu.memory_space<vmem>>, %arg3: memref<2x10240x1xf32, #tpu.memory_space<vmem>>, %arg4: memref<10240x128xf32, #tpu.memory_space<vmem>>) attributes {dimension_semantics = [#tpu.dimension_semantics<arbitrary>], iteration_bounds = array<i64: 1>, scalar_prefetch = 0 : i64, scratch_operands = 0 : i64, tpu.core_type = #tpu.core_type<tc>, window_params = [{transform_indices = @transform_0, window_bounds = array<i64: 10240, 128>}, {pipeline_mode = #tpu.pipeline_mode<synchronous>, transform_indices = @transform_1, window_bounds = array<i64: 128, 128>}, {transform_indices = @transform_2, window_bounds = array<i64: 2, 10240, 1>}, {transform_indices = @transform_3, window_bounds = array<i64: 10240, 128>}]} {
    %get3A = arith.constant 0 : index
    %get3A_0 = arith.constant 0 : index
    %get3A_1 = vector.load %arg1[%get3A, %get3A_0] : memref<10240x128xf32, #tpu.memory_space<vmem>>, vector<10240x128xf32>
    %get3A_2 = arith.constant 0 : index
    %get3A_3 = arith.constant 0 : index
    %get3A_4 = vector.load %arg2[%get3A_2, %get3A_3] : memref<128x128xf32, #tpu.memory_space<vmem>>, vector<128x128xf32>
    %dot_general3A = arith.constant dense<0.000000e+00> : vector<10240x128xf32>
    %dot_general3A_5 = tpu.matmul %get3A_1, %get3A_4, %dot_general3A {dimension_numbers = #tpu.dot_dimension_numbers<[1], [0], [0], [1], [0, 0, 1, 1], [], []>, transpose_lhs_hint = false} : vector<10240x128xf32>, vector<128x128xf32>, vector<10240x128xf32> -> vector<10240x128xf32>
    %get3A_6 = arith.constant 0 : index
    %get3A_7 = arith.constant 0 : index
    %get3A_8 = arith.constant 0 : index
    %get3A_9 = vector.load %arg3[%get3A_6, %get3A_7, %get3A_8] : memref<2x10240x1xf32, #tpu.memory_space<vmem>>, vector<1x10240x1xf32>
    %get3A_10 = vector.shape_cast %get3A_9 : vector<1x10240x1xf32> to vector<10240x1xf32>
    %get3A_11 = arith.constant 1 : index
    %get3A_12 = arith.constant 0 : index
    %get3A_13 = arith.constant 0 : index
    %get3A_14 = vector.load %arg3[%get3A_11, %get3A_12, %get3A_13] : memref<2x10240x1xf32, #tpu.memory_space<vmem>>, vector<1x10240x1xf32>
    %get3A_15 = vector.shape_cast %get3A_14 : vector<1x10240x1xf32> to vector<10240x1xf32>
    %add3A = arith.addf %get3A_10, %get3A_15 : vector<10240x1xf32>
    %add3A_16 = arith.constant 1.000000e+00 : f32
    %add3A_17 = vector.broadcast %add3A_16 : f32 to vector<10240x1xf32>
    %add3A_18 = arith.addf %add3A, %add3A_17 : vector<10240x1xf32>
    %rsqrt3A = math.rsqrt %add3A_18 : vector<10240x1xf32>
    %mul3A = vector.broadcast %rsqrt3A : vector<10240x1xf32> to vector<10240x128xf32>
    %mul3A_19 = arith.mulf %dot_general3A_5, %mul3A : vector<10240x128xf32>
    %swap3A = arith.constant 0 : index
    %swap3A_20 = arith.constant 0 : index
    %swap3A_21 = vector.load %arg4[%swap3A, %swap3A_20] : memref<10240x128xf32, #tpu.memory_space<vmem>>, vector<10240x128xf32>
    tpu.vector_store %arg4[%swap3A, %swap3A_20], %mul3A_19 {strides = array<i32>} : memref<10240x128xf32, #tpu.memory_space<vmem>>, vector<10240x128xf32>,
    return
  }
  func.func @transform_0(%arg0: i32) -> (i32, i32) {
    %c0_i32 = arith.constant 0 : i32
    %c0_i32_0 = arith.constant 0 : i32
    return %arg0, %c0_i32 : i32, i32
  }
  func.func @transform_1(%arg0: i32) -> (i32, i32) {
    %c0_i32 = arith.constant 0 : i32
    %c0_i32_0 = arith.constant 0 : i32
    %c0_i32_1 = arith.constant 0 : i32
    return %c0_i32, %c0_i32_0 : i32, i32
  }
  func.func @transform_2(%arg0: i32) -> (i32, i32, i32) {
    %c0_i32 = arith.constant 0 : i32
    %c0_i32_0 = arith.constant 0 : i32
    %c0_i32_1 = arith.constant 0 : i32
    return %c0_i32, %arg0, %c0_i32_0 : i32, i32, i32
  }
  func.func @transform_3(%arg0: i32) -> (i32, i32) {
    %c0_i32 = arith.constant 0 : i32
    %c0_i32_0 = arith.constant 0 : i32
    return %arg0, %c0_i32 : i32, i32
  }
}

</mosaic_0001>

<sc_bundles>
// kernel: kernel.6.cloned.1.call-start
scs
__scs_entry_jumppad:
0x0: {  	(pc) =	sbr.rel $0x88, $3  }
0x1: {  	(tag) =	ssettag $0x0;
	lr =	simm.s32 $0x1  }
0x2: {  	[smem:$0x3F99] =	sst lr;
	_ =	strace $0xD0000000  }
0x3: {  	_ = 	snop  }
0x4: {  	_ = 	snop  }
0x5: {  	_ = 	snop  }
0x6: {  	_ = 	snop  }
0x7: {  	_ = 	snop  }
__scs_overlays_trampoline_lowered:
0x8: {  	[smem:$0x3FA8] =	sst s0  }
0x9: {  	[smem:$0x3FA9] =	sst s1  }
0xa: {  	[smem:$0x3FAA] =	sst s2  }
0xb: {  	[smem:$0x3FAB] =	sst s3  }
0xc: {  	[smem:$0x3FAC] =	sst s4  }
0xd: {  	[smem:$0x3FAD] =	sst s5  }
0xe: {  	[smem:$0x3FAE] =	sst s6  }
0xf: {  	[smem:$0x3FAF] =	sst s7  }
0x10: {  	[smem:$0x3FB0] =	sst s8  }
0x11: {  	[smem:$0x3FB1] =	sst s9;
	s0 =	simm.s32 @!p0 $0x0  }
0x12: {  	s1 =	sld [smem:$0x3F97];
	s0 =	simm.s32 @p0 $0x1  }
0x13: {  	[smem:$0x3FB2] =	sst s0;
	s0 =	simm.s32 @!p1 $0x0  }
0x14: {  	s2 =	sld [smem:$0x3F96];
	s0 =	simm.s32 @p1 $0x1  }
0x15: {  	[smem:$0x3FB3] =	sst s0;
	s0 =	simm.s32 @!p2 $0x0  }
0x16: {  	s3 =	sld [smem:$0x3FDB];
	s0 =	simm.s32 @p2 $0x1  }
0x17: {  	s4 =	simm.s32 $0x1BF5;
	[smem:$0x3FB5] =	sst s0  }
0x18: {  	s0 =	sld [smem:$0x3F98];
	_ =	swait.ge [sflag:s4], $0x0  }
0x19: {  	s7 =	sld [smem:$0x3F99]  }
0x1a: {  	s8 =	sadd.s32 $0xFFFFE003, lr  }
0x1b: {  	s9 =	sadd.s32 $0xFFFFFEF7, lr;
	s5 =	simm.s32 $0xFFFFFFFF;
	p2 =	slt.u32 s8, $0xFFFFF086  }
0x1c: {  	p1 =	slt.u32 s9, $0xF7A;
	s5 =	simm.s32 @!p2 $0x0  }
0x1d: {  	s5 =	simm.s32 @p1 $0x1;
	p0 =	seq.s32 s7, s2  }
0x1e: {  	s7 =	smul.u32 @!p0 $0xF7A, s2;
	p2 =	seq.s32 @!p0 s5, $0x0  }
0x1f: {  	s9 =	smul.u32 $0xF7A, s1;
	s8 =	simm.s32 @!p0 $0x1BF5;
	p2 =	por !p2, p0  }
0x20: {  	[sflag:s8] =	ssyncset.s32 @!p0 $0xFFFFF086;
	s6 =	sadd.s32 @!p0 s3, s7;
	s7 =	simm.s32 @!p0 $0x108  }
0x21: {  	s3 =	sadd.s32 s3, s9;
	s6 =	sadd.s32 @!p0 $0x88, s6;
	s7 =	simm.s32 @p2 $0x1082  }
0x22: {  	[simem:s7], [sflag:s8] =	dma.local @!p0 [hbm:s6], $0xF7A  }
0x23: {  	s9 =	sor.u32 $0xD0000000, s2;
	s6 =	simm.s32 $0x108;
	_ =	swait.ge @!p0 [sflag:s8], $0x0  }
0x24: {  	s3 =	sadd.s32 $0x88, s3;
	s6 =	simm.s32 @!p1 $0x1082;
	[sflag:s4] =	ssyncset.s32 $0xFFFFF086  }
0x25: {  	[simem:s6], [sflag:s4] =	dma.local [hbm:s3], $0xF7A  }
0x26: {  	[smem:$0x3F99] =	sst s1;
	(tag) =	ssettag s2;
	_ =	strace s9  }
0x27: {  	s1 =	sld [smem:$0x3FA9]  }
0x28: {  	s2 =	sld [smem:$0x3FAA]  }
0x29: {  	s4 =	sld [smem:$0x3FAC]  }
0x2a: {  	p0 =	seq.s32 s5, $0x0;
	s5 =	sld [smem:$0x3FAD]  }
0x2b: {  	s6 =	sld [smem:$0x3FAE]  }
0x2c: {  	s7 =	sld [smem:$0x3FAF]  }
0x2d: {  	s3 =	simm.s32 $0x108;
	s8 =	sld [smem:$0x3FB0]  }
0x2e: {  	s3 =	simm.s32 @!p0 $0x1082;
	s9 =	sld [smem:$0x3FB1]  }
0x2f: {  	lr =	sadd.s32 s0, s3;
	s0 =	sld [smem:$0x3FA8]  }
0x30: {  	s3 =	sld [smem:$0x3FAB]  }
0x31: {  	[smem:$0x3FB4] =	sst s10  }
0x32: {  	s10 =	sld [smem:$0x3FB2];
	_ =	sdelay $0x3  }
0x33: {  	p0 =	seq.s32 s10, $0x1;
	s10 =	sld [smem:$0x3FB4];
	_ =	sdelay $0x3  }
0x34: {  	[smem:$0x3FB4] =	sst s10  }
0x35: {  	s10 =	sld [smem:$0x3FB3];
	_ =	sdelay $0x3  }
0x36: {  	p1 =	seq.s32 s10, $0x1;
	s10 =	sld [smem:$0x3FB4];
	_ =	sdelay $0x3  }
0x37: {  	[smem:$0x3FB4] =	sst s10  }
0x38: {  	s10 =	sld [smem:$0x3FB5]  }
0x39: {  	_ = 	snop;
	(pc) =	sbr.ind lr, $3  }
0x3a: {  	_ = 	snop  }
0x3b: {  	_ = 	snop  }
0x3c: {  	p2 =	seq.s32 s10, $0x1;
	s10 =	sld [smem:$0x3FB4]  }
0x3d: {  	_ =	shalt  }
0x3e: {  	_ =	shalt  }
0x3f: {  	_ =	shalt  }
0x40: {  	_ =	shalt  }
0x41: {  	_ =	shalt  }
0x42: {  	_ =	shalt  }
0x43: {  	_ =	shalt  }
0x44: {  	_ =	shalt  }
0x45: {  	_ =	shalt  }
0x46: {  	_ =	shalt  }
0x47: {  	_ =	shalt  }
0x48: {  	_ =	shalt  }
0x49: {  	_ =	shalt  }
0x4a: {  	_ =	shalt  }
0x4b: {  	_ =	shalt  }
0x4c: {  	_ =	shalt  }
0x4d: {  	_ =	shalt  }
0x4e: {  	_ =	shalt  }
0x4f: {  	_ =	shalt  }
0x50: {  	_ =	shalt  }
0x51: {  	_ =	shalt  }
0x52: {  	_ =	shalt  }
0x53: {  	_ =	shalt  }
0x54: {  	_ =	shalt  }
0x55: {  	_ =	shalt  }
0x56: {  	_ =	shalt  }
0x57: {  	_ =	shalt  }
0x58: {  	_ =	shalt  }
0x59: {  	_ =	shalt  }
0x5a: {  	_ =	shalt  }
0x5b: {  	_ =	shalt  }
0x5c: {  	_ =	shalt  }
0x5d: {  	_ =	shalt  }
0x5e: {  	_ =	shalt  }
0x5f: {  	_ =	shalt  }
0x60: {  	_ =	shalt  }
0x61: {  	_ =	shalt  }
0x62: {  	_ =	shalt  }
0x63: {  	_ =	shalt  }
0x64: {  	_ =	shalt  }
0x65: {  	_ =	shalt  }
0x66: {  	_ =	shalt  }
0x67: {  	_ =	shalt  }
0x68: {  	_ =	shalt  }
0x69: {  	_ =	shalt  }
0x6a: {  	_ =	shalt  }
0x6b: {  	_ =	shalt  }
0x6c: {  	_ =	shalt  }
0x6d: {  	_ =	shalt  }
0x6e: {  	_ =	shalt  }
0x6f: {  	_ =	shalt  }
0x70: {  	_ =	shalt  }
0x71: {  	_ =	shalt  }
0x72: {  	_ =	shalt  }
0x73: {  	_ =	shalt  }
0x74: {  	_ =	shalt  }
0x75: {  	_ =	shalt  }
0x76: {  	_ =	shalt  }
0x77: {  	_ =	shalt  }
0x78: {  	_ =	shalt  }
0x79: {  	_ =	shalt  }
0x7a: {  	_ =	shalt  }
0x7b: {  	_ =	shalt  }
0x7c: {  	_ =	shalt  }
0x7d: {  	_ =	shalt  }
0x7e: {  	_ =	shalt  }
0x7f: {  	_ =	shalt  }
0x80: {  	_ =	shalt  }
0x81: {  	_ =	shalt  }
0x82: {  	_ =	shalt  }
0x83: {  	_ =	shalt  }
0x84: {  	_ =	shalt  }
0x85: {  	_ =	shalt  }
0x86: {  	_ =	shalt  }
0x87: {  	_ =	shalt  }
.Lfunc_end0:
.L_simem_size_0:
called_computation_lowered:
.L_overlay_start_0:
0x88: {  	s2 =	sld [smem:$0x3FD9]  }
0x89: {  	s3 =	sld [smem:$0x3FFE];
	_ =	sdelay $0x1  }
0x8a: {  	s1 =	srdreg.scid  }
0x8b: {  	s0 =	sand.u32 $0x1, s1  }
0x8c: {  	s17 =	sshll.u32 s0, $0xA;
	s2 =	sadd.s32 s3, s2  }
0x8d: {  	s2 =	sadd.s32 s2, s17  }
0x8e: {  	[smem:$0x3FC0] =	sst s2  }
0x8f: {  	_ = 	snop  }
0x90: {  	s2 =	sld [smem:$0x3FD0];
	(tm) =	ssettm $0x1  }
0x91: {  	s18 =	sld [smem:$0x3FFB];
	_ =	sdelay $0x3  }
0x92: {  	_ =	strace s18  }
0x93: {  	s3 =	sld [smem:$0x3FFC];
	_ =	sdelay $0x3  }
0x94: {  	_ =	strace s3  }
0x95: {  	s3 =	sld [smem:$0x3FFD];
	_ =	sdelay $0x3  }
0x96: {  	_ =	strace s3  }
0x97: {  	_ =	strace $0x8FFFFFFF  }
0x98: {  	s19 =	sld [smem:$0x3FDB];
	_ =	sdelay $0x1  }
0x99: {  	s4 =	simm.s32 $_scs_section_size  }
0x9a: {  	s5 =	simm.s32 $_size__tile_overlayer_lowered;
	s6 =	simm.s32 $_tile_overlayer_lowered  }
0x9b: {  	s22 =	simm.s32 $0x1BFF;
	s21 =	sshll.u32 s6, $0x1;
	s3 =	sadd.s32 s4, s19  }
0x9c: {  	s7 =	simm.s32 $0x0;
	s20 =	sshll.u32 s5, $0x1;
	s5 =	sadd.s32 s21, s3  }
0x9d: {  	[timem:s7], [sflag:s22] =	dma.local [hbm:s5], s20  }
0x9e: {  	_ =	swait.ge [sflag:s22], s20  }
0x9f: {  	s4 =	ssub.s32 $0x0, s20;
	[sflag:s22] =	ssyncset.done $0x0  }
0xa0: {  	[sflag:s22] =	ssyncadd.s32 s4;
	_ =	sdelay $0x1  }
0xa1: {  	s23 =	simm.s32 $0x1B8B  }
0xa2: {  	_ =	swait.ge [sflag:s23], $0x1  }
0xa3: {  	[sflag:s23] =	ssyncset.done $0x0  }
0xa4: {  	s25 =	simm.s32 $0x1B8E;
	s24 =	sld [smem:$0x3FFE];
	[sflag:s23] =	ssyncadd.s32 $0xFFFFFFFF  }
0xa5: {  	s26 =	simm.s32 $execute0_lowered;
	[smem:$0x3FD2] =	sst s25  }
0xa6: {  	s5 =	sshll.u32 s26, $0x1;
	_ =	strace $0x80000046;
	[dreg:$0x1] =	wrdreg $0xFFFFFFFF  }
0xa7: {  	s28 =	simm.s32 $_size_execute0_lowered;
	s3 =	sadd.s32 s3, s5;
	[dreg:$0x0] =	wrdreg $0x0  }
0xa8: {  	s5 =	sshll.u32 s28, $0x1;
	[dreg:$0x2] =	wrdreg s3  }
0xa9: {  	[dreg:$0x3] =	wrdreg s5  }
0xaa: {  	[dreg:$0x4] =	wrdreg $0xC0  }
0xab: {  	_ =	task [dreg:s7], $0x5FFFF  }
0xac: {  	[dreg:$0x1] =	wrdreg $0xFFFFFFFF  }
0xad: {  	[dreg:$0x0] =	wrdreg $0x60  }
0xae: {  	[dreg:$0x2] =	wrdreg s2  }
0xaf: {  	[dreg:$0x3] =	wrdreg s24  }
0xb0: {  	[dreg:$0x4] =	wrdreg $0x2B000  }
0xb1: {  	[dreg:$0x5] =	wrdreg $0x9  }
0xb2: {  	_ =	task.clear_ibuf [dreg:s7], $0x6FFFF;
	_ =	strace $0x90000046  }
0xb3: {  	s29 =	simm.s32 $0x9;
	_ =	strace $0x80000048  }
0xb4: {  	_ =	swait.ge [sflag:s29], $0x1  }
0xb5: {  	[sflag:s29] =	ssyncadd.s32 $0xFFFFFFFF  }
0xb6: {  	_ =	strace $0x90000048  }
0xb7: {  	_ =	sfence  }
0xb8: {  	s30 =	sld [smem:$0x0];
	_ =	sdelay $0x2  }
0xb9: {  	s31 =	sshll.u32 s1, $0xD;
	s1 =	sshrl.u32 s1, $0x2  }
0xba: {  	s3 =	sand.u32 $0x4000, s31;
	s1 =	sadd.s32 s1, s30  }
0xbb: {  	s0 =	sor.u32 s3, s0;
	s1 =	sshll.u32 s1, $0x11  }
0xbc: {  	s0 =	sor.u32 s1, s0  }
0xbd: {  	s0 =	sadd.s32 $0x8F2B, s0  }
0xbe: {  	[sflag:s0] =	ssyncadd.remote.s32 $0x1  }
0xbf: {  	_ =	sfence.sel $0xFFFF  }
0xc0: {  	[dreg:$0x0] =	wrdreg $0xFFFFFFFF;
	(pc) =	sbr.abs _section_cstart, $3  }
0xc1: {  	[dreg:$0x1] =	wrdreg $0xFFFFFFFF  }
0xc2: {  	_ =	task.clear_ibuf [dreg:s7], $0x2FFFF;
	_ =	strace $0x9FFFFFFF  }
0xc3: {  	(tm) =	ssettm $0x7FFFFFFF  }
tec
execute0_lowered:
.L_overlay_start_1:
0x0: {  	(tag) =	ssettag $0x1  }
0x1: {  	s4 =	rddreg [dreg:$0x0]  }
0x2: {  	s5 =	rddreg [dreg:$0x1]  }
0x3: {  	s2 =	rddreg [dreg:$0x2];
	s3 =	srdreg.scid  }
0x4: {  	s0 =	rddreg [dreg:$0x3];
	s1 =	stileid.u32;
	s11 =	simm.s32 $0x2800  }
0x5: {  	s12 =	simm.s32 $0x1;
	s15 =	simm.s32 $0x20;
	s16 =	simm.s32 $0x10  }
0x6: {  	s17 =	simm.s32 $0x0;
	s6 =	sand.u32 $0x1, s3;
	s7 =	smul.u32 $0x500, s1  }
0x7: {  	s3 =	simm.s32 $0x0;
	s29 =	smul.u32 $0xA00, s1;
	s13 =	sshll.u32 s1, $0x6  }
0x8: {  	s8 =	sshll.u32 s6, $0x4;
	[smem:$0x7FF] =	sst s3;
	s9 =	sshll.u32 s6, $0x7  }
0x9: {  	s6 =	ssub.s32 $0x2, s6;
	s13 =	sor.u32 $0x1C02, s13;
	s8 =	sor.u32 s1, s8  }
0xa: {  	_ =	strace $0x80000047;
	s7 =	sor.u32 s9, s7;
	s30 =	sshrl.u32 s6, $0x1  }
0xb: {  	s31 =	sshrl.u32 s29, $0x2;
	s8 =	smul.u32 $0x2800, s8;
	s7 =	sshrl.u32 s7, $0x3  }
0xc: {  	s9 =	simm.s32 $0x2880;
	s10 =	ssub.s32 s6, s30;
	s7 =	sadd.s32 s7, s5  }
0xd: {  	s5 =	sadd.s32 s31, s2;
	s8 =	sshrl.u32 s8, $0x3;
	s6 =	sadd.s32 $0x2200, s7  }
0xe: {  	s7 =	smax.u32 s10, $0x1;
	s10 =	simm.s32 $0x7D;
	s4 =	sadd.s32 s4, s8  }
0xf: {  	v0 =	vimm.f32 $1.000000000e+00;
	v1 =	vimm.f32 $0.0e+00;
	s14 =	sshrl.u32 s5, $0x3;
	s8 =	simm.s32 $0x2;
	s4 =	sadd.s32 $0xA000, s4  }
.LBB2_1:
0x10: {  	[tilespmem:$0x2800] =	vst v0  }
0x11: {  	[tilespmem:$0x2810] =	vst v0  }
0x12: {  	[tilespmem:$0x2820] =	vst v0  }
0x13: {  	[tilespmem:$0x2830] =	vst v0  }
0x14: {  	[tilespmem:$0x2840] =	vst v0  }
0x15: {  	[tilespmem:$0x2850] =	vst v0  }
0x16: {  	[tilespmem:$0x2860] =	vst v0  }
0x17: {  	[tilespmem:$0x2870] =	vst v0  }
0x18: {  	[tilespmem:$0x2880] =	vst v1  }
0x19: {  	[tilespmem:$0x2890] =	vst v1  }
0x1a: {  	[tilespmem:$0x28A0] =	vst v1  }
0x1b: {  	[tilespmem:$0x28B0] =	vst v1  }
0x1c: {  	[tilespmem:$0x28C0] =	vst v1  }
0x1d: {  	[tilespmem:$0x28D0] =	vst v1  }
0x1e: {  	[tilespmem:$0x28E0] =	vst v1  }
0x1f: {  	[tilespmem:$0x28F0] =	vst v1  }
0x20: {  	[tilespmem:$0x2900] =	vst v1  }
0x21: {  	[tilespmem:$0x2910] =	vst v1  }
0x22: {  	[tilespmem:$0x2920] =	vst v1  }
0x23: {  	[tilespmem:$0x2930] =	vst v1  }
0x24: {  	[tilespmem:$0x2940] =	vst v1  }
0x25: {  	[tilespmem:$0x2950] =	vst v1  }
0x26: {  	[tilespmem:$0x2960] =	vst v1  }
0x27: {  	[tilespmem:$0x2970] =	vst v1  }
0x28: {  	[tilespmem:$0x2980] =	vst v1  }
0x29: {  	[tilespmem:$0x2990] =	vst v1  }
0x2a: {  	[tilespmem:$0x29A0] =	vst v1  }
0x2b: {  	[tilespmem:$0x29B0] =	vst v1  }
0x2c: {  	[tilespmem:$0x29C0] =	vst v1  }
0x2d: {  	[tilespmem:$0x29D0] =	vst v1  }
0x2e: {  	[tilespmem:$0x29E0] =	vst v1  }
0x2f: {  	[tilespmem:$0x29F0] =	vst v1  }
0x30: {  	[tilespmem:$0x2A00] =	vst v1  }
0x31: {  	[tilespmem:$0x2A10] =	vst v1  }
0x32: {  	[tilespmem:$0x2A20] =	vst v1  }
0x33: {  	[tilespmem:$0x2A30] =	vst v1  }
0x34: {  	[tilespmem:$0x2A40] =	vst v1  }
0x35: {  	[tilespmem:$0x2A50] =	vst v1  }
0x36: {  	[tilespmem:$0x2A60] =	vst v1  }
0x37: {  	[tilespmem:$0x2A70] =	vst v1  }
0x38: {  	[tilespmem:$0x2A80] =	vst v1  }
0x39: {  	[tilespmem:$0x2A90] =	vst v1  }
0x3a: {  	[tilespmem:$0x2AA0] =	vst v1  }
0x3b: {  	[tilespmem:$0x2AB0] =	vst v1  }
0x3c: {  	[tilespmem:$0x2AC0] =	vst v1  }
0x3d: {  	[tilespmem:$0x2AD0] =	vst v1  }
0x3e: {  	[tilespmem:$0x2AE0] =	vst v1  }
0x3f: {  	[tilespmem:$0x2AF0] =	vst v1  }
0x40: {  	[tilespmem:s3], [sflag:$0x2] =	stream.linear.gather [hbm4b:s4+s3], $0x2800, $0x38;
	[tilespmem:$0x2D80] =	vst v63  }
0x41: {  	_ =	swait.ge [sflag:s8], $0x2800  }
0x42: {  	[sflag:s8] =	ssyncset.done $0x0  }
0x43: {  	[sflag:s8] =	ssyncadd.s32 $0xFFFFD800  }
0x44: {  	[spmem:s5] =	stream.linear.scatter [tilespmem:s9], [sflag:$0x2], $0x280, $0x38;
	[tilespmem:$0x2D80] =	vst v63  }
0x45: {  	_ =	swait.ge [sflag:s8], $0x280  }
0x46: {  	[sflag:s8] =	ssyncset.done $0x0  }
0x47: {  	[sflag:s8] =	ssyncadd.s32 $0xFFFFFD80  }
0x48: {  	s18 =	simm.s32 $0x0;
	[bflag:$0x0] =	sbarrier.arrive $0xFFFF  }
.LBB2_2:
0x49: {  	p0 =	sne.s32 s18, $0x9E00  }
.Ltmp0:
0x4a: {  	_ = 	snop;
	(pc) =	sbr.rel @p0 .LBB2_2-.Ltmp0, $3  }
0x4b: {  	_ =	sdelay $0x1  }
0x4c: {  	s19 =	sshra.s32 s18, $0x2;
	s18 =	sadd.s32 $0x200, s18  }
0x4d: {  	[spmem:s2] =	stream.indirect.scatter.add.f32 [tilespmem:s11], [sflag:$0x1], $0x1, s19, s10, $0xb8;
	[tilespmem:$0x2D80] =	vst v63  }
0x4e: {  	_ =	swait.ge [sflag:s12], $0x7D  }
0x4f: {  	s18 =	simm.s32 $0x4F;
	[sflag:s12] =	ssyncset.done $0x0  }
.LBB2_4:
0x50: {  	p0 =	sne.s32 s18, $0x1;
	s18 =	sadd.s32 $0xFFFFFFFF, s18;
	[sflag:s12] =	ssyncadd.s32 $0xFFFFFF83  }
.Ltmp1:
0x51: {  	(pc) =	sbr.rel @p0 .LBB2_4-.Ltmp1, $3  }
0x52: {  	_ =	sdelay $0x1  }
0x53: {  	_ =	swait.ge [sflag:s12], $0x7D  }
0x54: {  	[sflag:s12] =	ssyncset.done $0x0  }
0x55: {  	s17 =	sadd.s32 $0x1, s17  }
0x56: {  	[sflag:s12] =	ssyncadd.s32 $0xFFFFFF83;
	p0 =	sne.s32 s17, s7  }
.Ltmp2:
0x57: {  	[bflag:$0x0] =	sbarrier.arrive $0xFFFF;
	(pc) =	sbr.rel @p0 .LBB2_1-.Ltmp2, $4  }
0x58: {  	[hbm:s6@s15], [sflag:s13] =	dma.strided [spmem:s14@s16], $0x50, s12, $0x10   }
0x59: {  	_ =	swait.ge [sflag:s8], $0x50  }
0x5a: {  	[sflag:s8] =	ssyncset.done $0x0  }
0x5b: {  	[sflag:s8] =	ssyncadd.s32 $0xFFFFFFB0  }
0x5c: {  	_ =	sfence.sel $0x180000  }
0x5d: {  	[bflag:$0x0] =	sbarrier.arrive $0xFFFF  }
0x5e: {  	p0 =	sne.s32 s1, $0x0;
	_ =	strace $0x90000047  }
0x5f: {  	s0 =	sadd.s32 @!p0 $0x100000, s0;
	[bflag:$0x2] =	sbarrier.arrive $0xFFFF  }
0x60: {  	[sflag:s0] =	ssyncadd.tile.s32 @!p0 $0x1;
	_ =	shalt  }
.Lfunc_end2:
_tile_overlayer_lowered:
.L_overlay_start_2:
0x61: {  	(tag) =	ssettag $0x2  }
0x62: {  	s0 =	rddreg [dreg:$0x0];
	s2 =	stileid.u32  }
0x63: {  	s1 =	rddreg [dreg:$0x1];
	p0 =	sne.s32 s2, $0x0  }
0x64: {  	s3 =	rddreg [dreg:$0x2];
	[bflag:$0x3] =	sbarrier.arrive $0xFFFF;
	s2 =	simm.s32 @!p0 $0x1C02  }
0x65: {  	[timem:s3], [sflag:s2] =	dma.local @!p0 [hbm:s0], s1  }
0x66: {  	s0 =	simm.s32 @!p0 $0x2  }
0x67: {  	_ =	swait.ge @!p0 [sflag:s0], s1  }
0x68: {  	s1 =	ssub.s32 @!p0 $0x0, s1;
	[sflag:s0] =	ssyncset.done @!p0 $0x0  }
0x69: {  	[sflag:s0] =	ssyncadd.s32 @!p0 s1  }
0x6a: {  	[bflag:$0x3] =	sbarrier.arrive $0xFFFF  }
0x6b: {  	_ =	shalt  }

// kernel: kernel.9.cloned.1.call-start
scs
__scs_entry_jumppad:
0x0: {  	(pc) =	sbr.rel $0x88, $3  }
0x1: {  	(tag) =	ssettag $0x0;
	lr =	simm.s32 $0x1  }
0x2: {  	[smem:$0x3F99] =	sst lr;
	_ =	strace $0xD0000000  }
0x3: {  	_ = 	snop  }
0x4: {  	_ = 	snop  }
0x5: {  	_ = 	snop  }
0x6: {  	_ = 	snop  }
0x7: {  	_ = 	snop  }
__scs_overlays_trampoline_lowered:
0x8: {  	[smem:$0x3FA8] =	sst s0  }
0x9: {  	[smem:$0x3FA9] =	sst s1  }
0xa: {  	[smem:$0x3FAA] =	sst s2  }
0xb: {  	[smem:$0x3FAB] =	sst s3  }
0xc: {  	[smem:$0x3FAC] =	sst s4  }
0xd: {  	[smem:$0x3FAD] =	sst s5  }
0xe: {  	[smem:$0x3FAE] =	sst s6  }
0xf: {  	[smem:$0x3FAF] =	sst s7  }
0x10: {  	[smem:$0x3FB0] =	sst s8  }
0x11: {  	[smem:$0x3FB1] =	sst s9;
	s0 =	simm.s32 @!p0 $0x0  }
0x12: {  	s1 =	sld [smem:$0x3F97];
	s0 =	simm.s32 @p0 $0x1  }
0x13: {  	[smem:$0x3FB2] =	sst s0;
	s0 =	simm.s32 @!p1 $0x0  }
0x14: {  	s2 =	sld [smem:$0x3F96];
	s0 =	simm.s32 @p1 $0x1  }
0x15: {  	[smem:$0x3FB3] =	sst s0;
	s0 =	simm.s32 @!p2 $0x0  }
0x16: {  	s3 =	sld [smem:$0x3FDB];
	s0 =	simm.s32 @p2 $0x1  }
0x17: {  	s4 =	simm.s32 $0x1BF5;
	[smem:$0x3FB5] =	sst s0  }
0x18: {  	s0 =	sld [smem:$0x3F98];
	_ =	swait.ge [sflag:s4], $0x0  }
0x19: {  	s7 =	sld [smem:$0x3F99]  }
0x1a: {  	s8 =	sadd.s32 $0xFFFFE003, lr  }
0x1b: {  	s9 =	sadd.s32 $0xFFFFFEF7, lr;
	s5 =	simm.s32 $0xFFFFFFFF;
	p2 =	slt.u32 s8, $0xFFFFF086  }
0x1c: {  	p1 =	slt.u32 s9, $0xF7A;
	s5 =	simm.s32 @!p2 $0x0  }
0x1d: {  	s5 =	simm.s32 @p1 $0x1;
	p0 =	seq.s32 s7, s2  }
0x1e: {  	s7 =	smul.u32 @!p0 $0xF7A, s2;
	p2 =	seq.s32 @!p0 s5, $0x0  }
0x1f: {  	s9 =	smul.u32 $0xF7A, s1;
	s8 =	simm.s32 @!p0 $0x1BF5;
	p2 =	por !p2, p0  }
0x20: {  	[sflag:s8] =	ssyncset.s32 @!p0 $0xFFFFF086;
	s6 =	sadd.s32 @!p0 s3, s7;
	s7 =	simm.s32 @!p0 $0x108  }
0x21: {  	s3 =	sadd.s32 s3, s9;
	s6 =	sadd.s32 @!p0 $0x88, s6;
	s7 =	simm.s32 @p2 $0x1082  }
0x22: {  	[simem:s7], [sflag:s8] =	dma.local @!p0 [hbm:s6], $0xF7A  }
0x23: {  	s9 =	sor.u32 $0xD0000000, s2;
	s6 =	simm.s32 $0x108;
	_ =	swait.ge @!p0 [sflag:s8], $0x0  }
0x24: {  	s3 =	sadd.s32 $0x88, s3;
	s6 =	simm.s32 @!p1 $0x1082;
	[sflag:s4] =	ssyncset.s32 $0xFFFFF086  }
0x25: {  	[simem:s6], [sflag:s4] =	dma.local [hbm:s3], $0xF7A  }
0x26: {  	[smem:$0x3F99] =	sst s1;
	(tag) =	ssettag s2;
	_ =	strace s9  }
0x27: {  	s1 =	sld [smem:$0x3FA9]  }
0x28: {  	s2 =	sld [smem:$0x3FAA]  }
0x29: {  	s4 =	sld [smem:$0x3FAC]  }
0x2a: {  	p0 =	seq.s32 s5, $0x0;
	s5 =	sld [smem:$0x3FAD]  }
0x2b: {  	s6 =	sld [smem:$0x3FAE]  }
0x2c: {  	s7 =	sld [smem:$0x3FAF]  }
0x2d: {  	s3 =	simm.s32 $0x108;
	s8 =	sld [smem:$0x3FB0]  }
0x2e: {  	s3 =	simm.s32 @!p0 $0x1082;
	s9 =	sld [smem:$0x3FB1]  }
0x2f: {  	lr =	sadd.s32 s0, s3;
	s0 =	sld [smem:$0x3FA8]  }
0x30: {  	s3 =	sld [smem:$0x3FAB]  }
0x31: {  	[smem:$0x3FB4] =	sst s10  }
0x32: {  	s10 =	sld [smem:$0x3FB2];
	_ =	sdelay $0x3  }
0x33: {  	p0 =	seq.s32 s10, $0x1;
	s10 =	sld [smem:$0x3FB4];
	_ =	sdelay $0x3  }
0x34: {  	[smem:$0x3FB4] =	sst s10  }
0x35: {  	s10 =	sld [smem:$0x3FB3];
	_ =	sdelay $0x3  }
0x36: {  	p1 =	seq.s32 s10, $0x1;
	s10 =	sld [smem:$0x3FB4];
	_ =	sdelay $0x3  }
0x37: {  	[smem:$0x3FB4] =	sst s10  }
0x38: {  	s10 =	sld [smem:$0x3FB5]  }
0x39: {  	_ = 	snop;
	(pc) =	sbr.ind lr, $3  }
0x3a: {  	_ = 	snop  }
0x3b: {  	_ = 	snop  }
0x3c: {  	p2 =	seq.s32 s10, $0x1;
	s10 =	sld [smem:$0x3FB4]  }
0x3d: {  	_ =	shalt  }
0x3e: {  	_ =	shalt  }
0x3f: {  	_ =	shalt  }
0x40: {  	_ =	shalt  }
0x41: {  	_ =	shalt  }
0x42: {  	_ =	shalt  }
0x43: {  	_ =	shalt  }
0x44: {  	_ =	shalt  }
0x45: {  	_ =	shalt  }
0x46: {  	_ =	shalt  }
0x47: {  	_ =	shalt  }
0x48: {  	_ =	shalt  }
0x49: {  	_ =	shalt  }
0x4a: {  	_ =	shalt  }
0x4b: {  	_ =	shalt  }
0x4c: {  	_ =	shalt  }
0x4d: {  	_ =	shalt  }
0x4e: {  	_ =	shalt  }
0x4f: {  	_ =	shalt  }
0x50: {  	_ =	shalt  }
0x51: {  	_ =	shalt  }
0x52: {  	_ =	shalt  }
0x53: {  	_ =	shalt  }
0x54: {  	_ =	shalt  }
0x55: {  	_ =	shalt  }
0x56: {  	_ =	shalt  }
0x57: {  	_ =	shalt  }
0x58: {  	_ =	shalt  }
0x59: {  	_ =	shalt  }
0x5a: {  	_ =	shalt  }
0x5b: {  	_ =	shalt  }
0x5c: {  	_ =	shalt  }
0x5d: {  	_ =	shalt  }
0x5e: {  	_ =	shalt  }
0x5f: {  	_ =	shalt  }
0x60: {  	_ =	shalt  }
0x61: {  	_ =	shalt  }
0x62: {  	_ =	shalt  }
0x63: {  	_ =	shalt  }
0x64: {  	_ =	shalt  }
0x65: {  	_ =	shalt  }
0x66: {  	_ =	shalt  }
0x67: {  	_ =	shalt  }
0x68: {  	_ =	shalt  }
0x69: {  	_ =	shalt  }
0x6a: {  	_ =	shalt  }
0x6b: {  	_ =	shalt  }
0x6c: {  	_ =	shalt  }
0x6d: {  	_ =	shalt  }
0x6e: {  	_ =	shalt  }
0x6f: {  	_ =	shalt  }
0x70: {  	_ =	shalt  }
0x71: {  	_ =	shalt  }
0x72: {  	_ =	shalt  }
0x73: {  	_ =	shalt  }
0x74: {  	_ =	shalt  }
0x75: {  	_ =	shalt  }
0x76: {  	_ =	shalt  }
0x77: {  	_ =	shalt  }
0x78: {  	_ =	shalt  }
0x79: {  	_ =	shalt  }
0x7a: {  	_ =	shalt  }
0x7b: {  	_ =	shalt  }
0x7c: {  	_ =	shalt  }
0x7d: {  	_ =	shalt  }
0x7e: {  	_ =	shalt  }
0x7f: {  	_ =	shalt  }
0x80: {  	_ =	shalt  }
0x81: {  	_ =	shalt  }
0x82: {  	_ =	shalt  }
0x83: {  	_ =	shalt  }
0x84: {  	_ =	shalt  }
0x85: {  	_ =	shalt  }
0x86: {  	_ =	shalt  }
0x87: {  	_ =	shalt  }
.Lfunc_end0:
.L_simem_size_0:
called_computation.1_lowered:
.L_overlay_start_0:
0x88: {  	s2 =	sld [smem:$0x3FD9]  }
0x89: {  	s3 =	sld [smem:$0x3FFE];
	_ =	sdelay $0x1  }
0x8a: {  	s1 =	srdreg.scid  }
0x8b: {  	s0 =	sand.u32 $0x1, s1  }
0x8c: {  	s17 =	sshll.u32 s0, $0xA;
	s2 =	sadd.s32 s3, s2  }
0x8d: {  	s2 =	sadd.s32 s2, s17  }
0x8e: {  	[smem:$0x3FC0] =	sst s2  }
0x8f: {  	_ = 	snop  }
0x90: {  	s2 =	sld [smem:$0x3FD0];
	(tm) =	ssettm $0x1  }
0x91: {  	s18 =	sld [smem:$0x3FFB];
	_ =	sdelay $0x3  }
0x92: {  	_ =	strace s18  }
0x93: {  	s3 =	sld [smem:$0x3FFC];
	_ =	sdelay $0x3  }
0x94: {  	_ =	strace s3  }
0x95: {  	s3 =	sld [smem:$0x3FFD];
	_ =	sdelay $0x3  }
0x96: {  	_ =	strace s3  }
0x97: {  	_ =	strace $0x8FFFFFFF  }
0x98: {  	s19 =	sld [smem:$0x3FDB];
	_ =	sdelay $0x1  }
0x99: {  	s4 =	simm.s32 $_scs_section_size  }
0x9a: {  	s5 =	simm.s32 $_size__tile_overlayer_lowered;
	s6 =	simm.s32 $_tile_overlayer_lowered  }
0x9b: {  	s22 =	simm.s32 $0x1BFF;
	s21 =	sshll.u32 s6, $0x1;
	s3 =	sadd.s32 s4, s19  }
0x9c: {  	s7 =	simm.s32 $0x0;
	s20 =	sshll.u32 s5, $0x1;
	s5 =	sadd.s32 s21, s3  }
0x9d: {  	[timem:s7], [sflag:s22] =	dma.local [hbm:s5], s20  }
0x9e: {  	_ =	swait.ge [sflag:s22], s20  }
0x9f: {  	s4 =	ssub.s32 $0x0, s20;
	[sflag:s22] =	ssyncset.done $0x0  }
0xa0: {  	[sflag:s22] =	ssyncadd.s32 s4;
	_ =	sdelay $0x1  }
0xa1: {  	s23 =	simm.s32 $0x1B8B  }
0xa2: {  	_ =	swait.ge [sflag:s23], $0x1  }
0xa3: {  	[sflag:s23] =	ssyncset.done $0x0  }
0xa4: {  	s25 =	simm.s32 $0x1B8E;
	s24 =	sld [smem:$0x3FFE];
	[sflag:s23] =	ssyncadd.s32 $0xFFFFFFFF  }
0xa5: {  	s26 =	simm.s32 $execute0_lowered;
	[smem:$0x3FD2] =	sst s25  }
0xa6: {  	s5 =	sshll.u32 s26, $0x1;
	_ =	strace $0x80000049;
	[dreg:$0x1] =	wrdreg $0xFFFFFFFF  }
0xa7: {  	s28 =	simm.s32 $_size_execute0_lowered;
	s3 =	sadd.s32 s3, s5;
	[dreg:$0x0] =	wrdreg $0x0  }
0xa8: {  	s5 =	sshll.u32 s28, $0x1;
	[dreg:$0x2] =	wrdreg s3  }
0xa9: {  	[dreg:$0x3] =	wrdreg s5  }
0xaa: {  	[dreg:$0x4] =	wrdreg $0xC0  }
0xab: {  	_ =	task [dreg:s7], $0x5FFFF  }
0xac: {  	[dreg:$0x1] =	wrdreg $0xFFFFFFFF  }
0xad: {  	[dreg:$0x0] =	wrdreg $0x60  }
0xae: {  	[dreg:$0x2] =	wrdreg s24  }
0xaf: {  	[dreg:$0x3] =	wrdreg s2  }
0xb0: {  	[dreg:$0x4] =	wrdreg $0xB0000  }
0xb1: {  	[dreg:$0x5] =	wrdreg $0x9  }
0xb2: {  	_ =	task.clear_ibuf [dreg:s7], $0x6FFFF;
	_ =	strace $0x90000049  }
0xb3: {  	s29 =	simm.s32 $0x9;
	_ =	strace $0x8000004B  }
0xb4: {  	_ =	swait.ge [sflag:s29], $0x1  }
0xb5: {  	[sflag:s29] =	ssyncadd.s32 $0xFFFFFFFF  }
0xb6: {  	_ =	strace $0x9000004B  }
0xb7: {  	_ =	sfence  }
0xb8: {  	s30 =	sld [smem:$0x0];
	_ =	sdelay $0x2  }
0xb9: {  	s31 =	sshll.u32 s1, $0xD;
	s1 =	sshrl.u32 s1, $0x2  }
0xba: {  	s3 =	sand.u32 $0x4000, s31;
	s1 =	sadd.s32 s1, s30  }
0xbb: {  	s0 =	sor.u32 s3, s0;
	s1 =	sshll.u32 s1, $0x11  }
0xbc: {  	s0 =	sor.u32 s1, s0  }
0xbd: {  	s0 =	sadd.s32 $0x8F2B, s0  }
0xbe: {  	[sflag:s0] =	ssyncadd.remote.s32 $0x1  }
0xbf: {  	_ =	sfence.sel $0xFFFF  }
0xc0: {  	[dreg:$0x0] =	wrdreg $0xFFFFFFFF;
	(pc) =	sbr.abs _section_cstart, $3  }
0xc1: {  	[dreg:$0x1] =	wrdreg $0xFFFFFFFF  }
0xc2: {  	_ =	task.clear_ibuf [dreg:s7], $0x2FFFF;
	_ =	strace $0x9FFFFFFF  }
0xc3: {  	(tm) =	ssettm $0x7FFFFFFF  }
tec
execute0_lowered:
.L_overlay_start_1:
0x0: {  	(tag) =	ssettag $0x1  }
0x1: {  	s0 =	srdreg.scid  }
0x2: {  	s6 =	rddreg [dreg:$0x0];
	s1 =	sand.u32 $0x1, s0  }
0x3: {  	s5 =	rddreg [dreg:$0x1];
	s0 =	stileid.u32;
	s3 =	sshll.u32 s1, $0x4  }
0x4: {  	s2 =	rddreg [dreg:$0x2];
	s4 =	sor.u32 s0, s3;
	s3 =	simm.s32 $0x0  }
0x5: {  	s10 =	simm.s32 $0x180;
	[smem:$0x7FF] =	sst s3  }
0x6: {  	s11 =	simm.s32 $0x200;
	_ =	strace $0x8000004A;
	[dreg:$0xd] =	wrdreg s10  }
0x7: {  	s12 =	simm.s32 $0x280;
	[dreg:$0xe] =	wrdreg s11  }
0x8: {  	s13 =	simm.s32 $0x300;
	[dreg:$0xf] =	wrdreg s12  }
0x9: {  	s14 =	simm.s32 $0x380;
	[dreg:$0x10] =	wrdreg s13  }
0xa: {  	s15 =	simm.s32 $0x400;
	[dreg:$0x11] =	wrdreg s14  }
0xb: {  	s16 =	simm.s32 $0x480;
	s17 =	simm.s32 $0x500;
	[dreg:$0x12] =	wrdreg s15  }
0xc: {  	s18 =	simm.s32 $0x580;
	s7 =	smul.u32 $0x14000, s0;
	[dreg:$0x13] =	wrdreg s16  }
0xd: {  	s19 =	simm.s32 $0x600;
	s22 =	smul.u32 $0x140000, s1;
	[dreg:$0x14] =	wrdreg s17  }
0xe: {  	s20 =	simm.s32 $0x680;
	s8 =	smul.u32 $0x2800, s4;
	[dreg:$0x15] =	wrdreg s18  }
0xf: {  	s4 =	sadd.s32 $0x52200, s6;
	s9 =	sshrl.u32 s7, $0x3;
	[dreg:$0x16] =	wrdreg s19  }
0x10: {  	s7 =	sadd.s32 s7, s22;
	s22 =	simm.s32 $0x780;
	[dreg:$0x17] =	wrdreg s20  }
0x11: {  	s21 =	sadd.s32 s4, s9;
	[dreg:$0x19] =	wrdreg s22  }
0x12: {  	s9 =	simm.s32 $0x100;
	[dreg:$0x4] =	wrdreg s21  }
0x13: {  	s10 =	simm.s32 $0xC00;
	[dreg:$0xc] =	wrdreg s9  }
0x14: {  	s11 =	simm.s32 $0xC80;
	[smem:$0x7C7] =	sst s10  }
0x15: {  	s12 =	simm.s32 $0xD00;
	[smem:$0x7C8] =	sst s11  }
0x16: {  	s13 =	simm.s32 $0xD80;
	[smem:$0x7C9] =	sst s12  }
0x17: {  	s14 =	simm.s32 $0xE00;
	[smem:$0x7CA] =	sst s13  }
0x18: {  	s15 =	simm.s32 $0xE80;
	[smem:$0x7CB] =	sst s14  }
0x19: {  	s16 =	simm.s32 $0xF00;
	[smem:$0x7CC] =	sst s15  }
0x1a: {  	s17 =	simm.s32 $0xF80;
	[smem:$0x7CD] =	sst s16  }
0x1b: {  	s18 =	simm.s32 $0x1000;
	[smem:$0x7CE] =	sst s17  }
0x1c: {  	s19 =	simm.s32 $0x1080;
	[smem:$0x7CF] =	sst s18  }
0x1d: {  	s20 =	simm.s32 $0x1100;
	[smem:$0x7D0] =	sst s19  }
0x1e: {  	s22 =	simm.s32 $0x1200;
	[smem:$0x7D1] =	sst s20  }
0x1f: {  	s7 =	sshrl.u32 s7, $0x3;
	s21 =	simm.s32 $0x700;
	[smem:$0x7D3] =	sst s22  }
0x20: {  	s6 =	sadd.s32 s7, s6;
	s7 =	simm.s32 $0xA80;
	[dreg:$0x18] =	wrdreg s21  }
0x21: {  	s9 =	simm.s32 $0xB80;
	[dreg:$0x1f] =	wrdreg s7  }
0x22: {  	s10 =	simm.s32 $0x1680;
	[smem:$0x7C6] =	sst s9  }
0x23: {  	s11 =	simm.s32 $0x1700;
	[smem:$0x7DC] =	sst s10  }
0x24: {  	s12 =	simm.s32 $0x1780;
	[smem:$0x7DD] =	sst s11  }
0x25: {  	s13 =	simm.s32 $0x1800;
	[smem:$0x7DE] =	sst s12  }
0x26: {  	s14 =	simm.s32 $0x1880;
	[smem:$0x7DF] =	sst s13  }
0x27: {  	s15 =	simm.s32 $0x1900;
	[smem:$0x7E0] =	sst s14  }
0x28: {  	s16 =	simm.s32 $0x1980;
	[smem:$0x7E1] =	sst s15  }
0x29: {  	s17 =	simm.s32 $0x1A00;
	[smem:$0x7E2] =	sst s16  }
0x2a: {  	s18 =	simm.s32 $0x1A80;
	[smem:$0x7E3] =	sst s17  }
0x2b: {  	s19 =	simm.s32 $0x1B00;
	[smem:$0x7E4] =	sst s18  }
0x2c: {  	s20 =	simm.s32 $0x1B80;
	[smem:$0x7E5] =	sst s19  }
0x2d: {  	s22 =	simm.s32 $0x1C80;
	[smem:$0x7E6] =	sst s20  }
0x2e: {  	s8 =	sshrl.u32 s8, $0x3;
	s6 =	sadd.s32 $0x7A200, s6;
	[smem:$0x7E8] =	sst s22  }
0x2f: {  	s5 =	sadd.s32 s5, s8;
	s8 =	simm.s32 $0x80;
	[dreg:$0xa] =	wrdreg s6  }
0x30: {  	s21 =	simm.s32 $0x1180;
	[dreg:$0xb] =	wrdreg s8  }
0x31: {  	s7 =	simm.s32 $0x1500;
	[smem:$0x7D2] =	sst s21  }
0x32: {  	s9 =	simm.s32 $0x1600;
	[smem:$0x7D9] =	sst s7  }
0x33: {  	s10 =	simm.s32 $0x2100;
	[smem:$0x7DB] =	sst s9  }
0x34: {  	s11 =	simm.s32 $0x2180;
	[smem:$0x7F1] =	sst s10  }
0x35: {  	s12 =	simm.s32 $0x2200;
	[smem:$0x7F2] =	sst s11  }
0x36: {  	s13 =	simm.s32 $0x2280;
	[smem:$0x7F3] =	sst s12  }
0x37: {  	s14 =	simm.s32 $0x2300;
	[smem:$0x7F4] =	sst s13  }
0x38: {  	s15 =	simm.s32 $0x2380;
	[smem:$0x7F5] =	sst s14  }
0x39: {  	s16 =	simm.s32 $0x2400;
	[smem:$0x7F6] =	sst s15  }
0x3a: {  	s17 =	simm.s32 $0x2480;
	[smem:$0x7F7] =	sst s16  }
0x3b: {  	s18 =	simm.s32 $0x2500;
	[smem:$0x7F8] =	sst s17  }
0x3c: {  	s19 =	simm.s32 $0x2580;
	[smem:$0x7F9] =	sst s18  }
0x3d: {  	s20 =	simm.s32 $0x2600;
	[smem:$0x7FA] =	sst s19  }
0x3e: {  	s22 =	simm.s32 $0x2700;
	[smem:$0x7FB] =	sst s20  }
0x3f: {  	s23 =	sadd.s32 $0xA000, s5;
	[smem:$0x7FD] =	sst s22  }
0x40: {  	[tilespmem:s3], [sflag:$0x3] =	stream.linear.gather [hbm4b:s5+s3], $0x2800, $0x38;
	[tilespmem:$0x1F000] =	vst v63  }
0x41: {  	s24 =	sadd.s32 $0xA100, s5;
	[dreg:$0x5] =	wrdreg s23  }
0x42: {  	s25 =	sadd.s32 $0xA200, s5;
	[dreg:$0x6] =	wrdreg s24  }
0x43: {  	s26 =	sadd.s32 $0xA300, s5;
	[dreg:$0x7] =	wrdreg s25  }
0x44: {  	s31 =	sadd.s32 $0xA400, s5;
	[dreg:$0x8] =	wrdreg s26  }
0x45: {  	s8 =	simm.s32 $0xB00;
	[dreg:$0x9] =	wrdreg s31  }
0x46: {  	s21 =	simm.s32 $0x1C00;
	[smem:$0x7C5] =	sst s8  }
0x47: {  	s7 =	simm.s32 $0x1F80;
	[smem:$0x7E7] =	sst s21  }
0x48: {  	s9 =	simm.s32 $0x2080;
	[smem:$0x7EE] =	sst s7  }
0x49: {  	s23 =	simm.s32 $0x800;
	[smem:$0x7F0] =	sst s9  }
0x4a: {  	s24 =	simm.s32 $0x880;
	[dreg:$0x1a] =	wrdreg s23  }
0x4b: {  	s25 =	simm.s32 $0x900;
	[dreg:$0x1b] =	wrdreg s24  }
0x4c: {  	s26 =	simm.s32 $0x980;
	[dreg:$0x1c] =	wrdreg s25  }
0x4d: {  	s31 =	simm.s32 $0xA00;
	[dreg:$0x1d] =	wrdreg s26  }
0x4e: {  	s8 =	simm.s32 $0x1580;
	[dreg:$0x1e] =	wrdreg s31  }
0x4f: {  	s21 =	simm.s32 $0x2680;
	[smem:$0x7DA] =	sst s8  }
0x50: {  	s23 =	simm.s32 $0x1280;
	[smem:$0x7FC] =	sst s21  }
0x51: {  	s24 =	simm.s32 $0x1300;
	[smem:$0x7D4] =	sst s23  }
0x52: {  	s25 =	simm.s32 $0x1380;
	[smem:$0x7D5] =	sst s24  }
0x53: {  	s26 =	simm.s32 $0x1400;
	[smem:$0x7D6] =	sst s25  }
0x54: {  	s31 =	simm.s32 $0x1480;
	[smem:$0x7D7] =	sst s26  }
0x55: {  	s8 =	simm.s32 $0x2000;
	[smem:$0x7D8] =	sst s31  }
0x56: {  	s23 =	simm.s32 $0x1D00;
	[smem:$0x7EF] =	sst s8  }
0x57: {  	s24 =	simm.s32 $0x1D80;
	[smem:$0x7E9] =	sst s23  }
0x58: {  	s25 =	simm.s32 $0x1E00;
	[smem:$0x7EA] =	sst s24  }
0x59: {  	s26 =	simm.s32 $0x1E80;
	[smem:$0x7EB] =	sst s25  }
0x5a: {  	s31 =	simm.s32 $0x1F00;
	[smem:$0x7EC] =	sst s26;
	s23 =	smul.u32 $0x50000, s0  }
0x5b: {  	s6 =	simm.s32 $0x3;
	[smem:$0x7ED] =	sst s31  }
0x5c: {  	s26 =	sshll.u32 s0, $0x6;
	_ =	swait.ge [sflag:s6], $0x2800;
	s24 =	sshrl.u32 s23, $0x2  }
0x5d: {  	s7 =	sor.u32 $0x1C03, s26;
	[sflag:s6] =	ssyncset.done $0x0;
	s8 =	sadd.s32 s24, s2  }
0x5e: {  	s25 =	rddreg [dreg:$0x4];
	[sflag:s6] =	ssyncadd.s32 $0xFFFFD800;
	s8 =	sshrl.u32 s8, $0x3  }
0x5f: {  	[spmem:s8], [sflag:s7] =	dma.local [hbm:s25], $0x2800  }
0x60: {  	_ =	swait.ge [sflag:s6], $0x2800  }
0x61: {  	[sflag:s6] =	ssyncset.done $0x0  }
0x62: {  	[sflag:s6] =	ssyncadd.s32 $0xFFFFD800  }
0x63: {  	s10 =	simm.s32 $0x3000;
	s9 =	simm.s32 $0x7D;
	[bflag:$0x0] =	sbarrier.arrive $0xFFFF  }
0x64: {  	[tilespmem:s10], [sflag:$0x1] =	stream.indirect.gather [hbm4b:s4+s9], $0x80, s3, s9, $0xb8;
	[tilespmem:$0x1F000] =	vst v63  }
0x65: {  	s11 =	simm.s32 $0x7000;
	s12 =	rddreg [dreg:$0xb]  }
0x66: {  	[tilespmem:s11], [sflag:$0x2] =	stream.indirect.gather [hbm4b:s4+s9], $0x80, s12, s9, $0xb8;
	[tilespmem:$0x1F000] =	vst v63  }
0x67: {  	s13 =	rddreg [dreg:$0x5];
	s12 =	simm.s32 $0x2800  }
0x68: {  	[tilespmem:s12], [sflag:$0x3] =	stream.linear.gather [hbm4b:s13+s3], $0x800, $0x38;
	[tilespmem:$0x1F000] =	vst v63  }
0x69: {  	_ =	swait.ge [sflag:s6], $0x800  }
0x6a: {  	[sflag:s6] =	ssyncset.done $0x0  }
0x6b: {  	s13 =	simm.s32 $0x1;
	[sflag:s6] =	ssyncadd.s32 $0xFFFFF800  }
0x6c: {  	_ =	swait.ge [sflag:s13], $0x3E80  }
0x6d: {  	[sflag:s13] =	ssyncset.done $0x0  }
0x6e: {  	[sflag:s13] =	ssyncadd.s32 $0xFFFFC180  }
0x6f: {  	[spmem:s2] =	stream.indirect.scatter.add.f32 [tilespmem:s10], [sflag:$0x3], $0x80, s12, s9, $0xb8;
	[tilespmem:$0x1F000] =	vst v63  }
0x70: {  	_ =	swait.ge [sflag:s6], $0x3E80  }
0x71: {  	[sflag:s6] =	ssyncset.done $0x0  }
0x72: {  	s14 =	simm.s32 $0x2;
	s15 =	rddreg [dreg:$0xc];
	[sflag:s6] =	ssyncadd.s32 $0xFFFFC180  }
0x73: {  	[tilespmem:s10], [sflag:$0x1] =	stream.indirect.gather [hbm4b:s4+s9], $0x80, s15, s9, $0xb8;
	[tilespmem:$0x1F000] =	vst v63  }
0x74: {  	_ =	swait.ge [sflag:s14], $0x3E80  }
0x75: {  	[sflag:s14] =	ssyncset.done $0x0  }
0x76: {  	s15 =	simm.s32 $0x2880;
	[sflag:s14] =	ssyncadd.s32 $0xFFFFC180  }
0x77: {  	[spmem:s2] =	stream.indirect.scatter.add.f32 [tilespmem:s11], [sflag:$0x3], $0x80, s15, s9, $0xb8;
	[tilespmem:$0x1F000] =	vst v63  }
0x78: {  	_ =	swait.ge [sflag:s6], $0x3E80  }
0x79: {  	[sflag:s6] =	ssyncset.done $0x0  }
0x7a: {  	s16 =	rddreg [dreg:$0xd];
	[sflag:s6] =	ssyncadd.s32 $0xFFFFC180  }
0x7b: {  	[tilespmem:s11], [sflag:$0x2] =	stream.indirect.gather [hbm4b:s4+s9], $0x80, s16, s9, $0xb8;
	[tilespmem:$0x1F000] =	vst v63  }
0x7c: {  	_ =	swait.ge [sflag:s13], $0x3E80  }
0x7d: {  	[sflag:s13] =	ssyncset.done $0x0  }
0x7e: {  	s16 =	simm.s32 $0x2900;
	[sflag:s13] =	ssyncadd.s32 $0xFFFFC180  }
0x7f: {  	[spmem:s2] =	stream.indirect.scatter.add.f32 [tilespmem:s10], [sflag:$0x3], $0x80, s16, s9, $0xb8;
	[tilespmem:$0x1F000] =	vst v63  }
0x80: {  	_ =	swait.ge [sflag:s6], $0x3E80  }
0x81: {  	[sflag:s6] =	ssyncset.done $0x0  }
0x82: {  	s17 =	rddreg [dreg:$0xe];
	[sflag:s6] =	ssyncadd.s32 $0xFFFFC180  }
0x83: {  	[tilespmem:s10], [sflag:$0x1] =	stream.indirect.gather [hbm4b:s4+s9], $0x80, s17, s9, $0xb8;
	[tilespmem:$0x1F000] =	vst v63  }
0x84: {  	_ =	swait.ge [sflag:s14], $0x3E80  }
0x85: {  	[sflag:s14] =	ssyncset.done $0x0  }
0x86: {  	s17 =	simm.s32 $0x2980;
	[sflag:s14] =	ssyncadd.s32 $0xFFFFC180  }
0x87: {  	[spmem:s2] =	stream.indirect.scatter.add.f32 [tilespmem:s11], [sflag:$0x3], $0x80, s17, s9, $0xb8;
	[tilespmem:$0x1F000] =	vst v63  }
0x88: {  	_ =	swait.ge [sflag:s6], $0x3E80  }
0x89: {  	[sflag:s6] =	ssyncset.done $0x0  }
0x8a: {  	s18 =	rddreg [dreg:$0xf];
	[sflag:s6] =	ssyncadd.s32 $0xFFFFC180  }
0x8b: {  	[tilespmem:s11], [sflag:$0x2] =	stream.indirect.gather [hbm4b:s4+s9], $0x80, s18, s9, $0xb8;
	[tilespmem:$0x1F000] =	vst v63  }
0x8c: {  	_ =	swait.ge [sflag:s13], $0x3E80  }
0x8d: {  	[sflag:s13] =	ssyncset.done $0x0  }
0x8e: {  	s18 =	simm.s32 $0x2A00;
	[sflag:s13] =	ssyncadd.s32 $0xFFFFC180  }
0x8f: {  	[spmem:s2] =	stream.indirect.scatter.add.f32 [tilespmem:s10], [sflag:$0x3], $0x80, s18, s9, $0xb8;
	[tilespmem:$0x1F000] =	vst v63  }
0x90: {  	_ =	swait.ge [sflag:s6], $0x3E80  }
0x91: {  	[sflag:s6] =	ssyncset.done $0x0  }
0x92: {  	s19 =	rddreg [dreg:$0x10];
	[sflag:s6] =	ssyncadd.s32 $0xFFFFC180  }
0x93: {  	[tilespmem:s10], [sflag:$0x1] =	stream.indirect.gather [hbm4b:s4+s9], $0x80, s19, s9, $0xb8;
	[tilespmem:$0x1F000] =	vst v63  }
0x94: {  	_ =	swait.ge [sflag:s14], $0x3E80  }
0x95: {  	[sflag:s14] =	ssyncset.done $0x0  }
0x96: {  	s19 =	simm.s32 $0x2A80;
	[sflag:s14] =	ssyncadd.s32 $0xFFFFC180  }
0x97: {  	[spmem:s2] =	stream.indirect.scatter.add.f32 [tilespmem:s11], [sflag:$0x3], $0x80, s19, s9, $0xb8;
	[tilespmem:$0x1F000] =	vst v63  }
0x98: {  	_ =	swait.ge [sflag:s6], $0x3E80  }
0x99: {  	[sflag:s6] =	ssyncset.done $0x0  }
0x9a: {  	s20 =	rddreg [dreg:$0x11];
	[sflag:s6] =	ssyncadd.s32 $0xFFFFC180  }
0x9b: {  	[tilespmem:s11], [sflag:$0x2] =	stream.indirect.gather [hbm4b:s4+s9], $0x80, s20, s9, $0xb8;
	[tilespmem:$0x1F000] =	vst v63  }
0x9c: {  	_ =	swait.ge [sflag:s13], $0x3E80  }
0x9d: {  	[sflag:s13] =	ssyncset.done $0x0  }
0x9e: {  	s20 =	simm.s32 $0x2B00;
	[sflag:s13] =	ssyncadd.s32 $0xFFFFC180  }
0x9f: {  	[spmem:s2] =	stream.indirect.scatter.add.f32 [tilespmem:s10], [sflag:$0x3], $0x80, s20, s9, $0xb8;
	[tilespmem:$0x1F000] =	vst v63  }
0xa0: {  	_ =	swait.ge [sflag:s6], $0x3E80  }
0xa1: {  	[sflag:s6] =	ssyncset.done $0x0  }
0xa2: {  	s21 =	rddreg [dreg:$0x12];
	[sflag:s6] =	ssyncadd.s32 $0xFFFFC180  }
0xa3: {  	[tilespmem:s10], [sflag:$0x1] =	stream.indirect.gather [hbm4b:s4+s9], $0x80, s21, s9, $0xb8;
	[tilespmem:$0x1F000] =	vst v63  }
0xa4: {  	_ =	swait.ge [sflag:s14], $0x3E80  }
0xa5: {  	[sflag:s14] =	ssyncset.done $0x0  }
0xa6: {  	s21 =	simm.s32 $0x2B80;
	[sflag:s14] =	ssyncadd.s32 $0xFFFFC180  }
0xa7: {  	[spmem:s2] =	stream.indirect.scatter.add.f32 [tilespmem:s11], [sflag:$0x3], $0x80, s21, s9, $0xb8;
	[tilespmem:$0x1F000] =	vst v63  }
0xa8: {  	_ =	swait.ge [sflag:s6], $0x3E80  }
0xa9: {  	[sflag:s6] =	ssyncset.done $0x0  }
0xaa: {  	s22 =	rddreg [dreg:$0x13];
	[sflag:s6] =	ssyncadd.s32 $0xFFFFC180  }
0xab: {  	[tilespmem:s11], [sflag:$0x2] =	stream.indirect.gather [hbm4b:s4+s9], $0x80, s22, s9, $0xb8;
	[tilespmem:$0x1F000] =	vst v63  }
0xac: {  	_ =	swait.ge [sflag:s13], $0x3E80  }
0xad: {  	[sflag:s13] =	ssyncset.done $0x0  }
0xae: {  	s22 =	simm.s32 $0x2C00;
	[sflag:s13] =	ssyncadd.s32 $0xFFFFC180  }
0xaf: {  	[spmem:s2] =	stream.indirect.scatter.add.f32 [tilespmem:s10], [sflag:$0x3], $0x80, s22, s9, $0xb8;
	[tilespmem:$0x1F000] =	vst v63  }
0xb0: {  	_ =	swait.ge [sflag:s6], $0x3E80  }
0xb1: {  	[sflag:s6] =	ssyncset.done $0x0  }
0xb2: {  	s23 =	rddreg [dreg:$0x14];
	[sflag:s6] =	ssyncadd.s32 $0xFFFFC180  }
0xb3: {  	[tilespmem:s10], [sflag:$0x1] =	stream.indirect.gather [hbm4b:s4+s9], $0x80, s23, s9, $0xb8;
	[tilespmem:$0x1F000] =	vst v63  }
0xb4: {  	_ =	swait.ge [sflag:s14], $0x3E80  }
0xb5: {  	[sflag:s14] =	ssyncset.done $0x0  }
0xb6: {  	s23 =	simm.s32 $0x2C80;
	[sflag:s14] =	ssyncadd.s32 $0xFFFFC180  }
0xb7: {  	[spmem:s2] =	stream.indirect.scatter.add.f32 [tilespmem:s11], [sflag:$0x3], $0x80, s23, s9, $0xb8;
	[tilespmem:$0x1F000] =	vst v63  }
0xb8: {  	_ =	swait.ge [sflag:s6], $0x3E80  }
0xb9: {  	[sflag:s6] =	ssyncset.done $0x0  }
0xba: {  	s24 =	rddreg [dreg:$0x15];
	[sflag:s6] =	ssyncadd.s32 $0xFFFFC180  }
0xbb: {  	[tilespmem:s11], [sflag:$0x2] =	stream.indirect.gather [hbm4b:s4+s9], $0x80, s24, s9, $0xb8;
	[tilespmem:$0x1F000] =	vst v63  }
0xbc: {  	_ =	swait.ge [sflag:s13], $0x3E80  }
0xbd: {  	[sflag:s13] =	ssyncset.done $0x0  }
0xbe: {  	s24 =	simm.s32 $0x2D00;
	[sflag:s13] =	ssyncadd.s32 $0xFFFFC180  }
0xbf: {  	[spmem:s2] =	stream.indirect.scatter.add.f32 [tilespmem:s10], [sflag:$0x3], $0x80, s24, s9, $0xb8;
	[tilespmem:$0x1F000] =	vst v63  }
0xc0: {  	_ =	swait.ge [sflag:s6], $0x3E80  }
0xc1: {  	[sflag:s6] =	ssyncset.done $0x0  }
0xc2: {  	s25 =	rddreg [dreg:$0x16];
	[sflag:s6] =	ssyncadd.s32 $0xFFFFC180  }
0xc3: {  	[tilespmem:s10], [sflag:$0x1] =	stream.indirect.gather [hbm4b:s4+s9], $0x80, s25, s9, $0xb8;
	[tilespmem:$0x1F000] =	vst v63  }
0xc4: {  	_ =	swait.ge [sflag:s14], $0x3E80  }
0xc5: {  	[sflag:s14] =	ssyncset.done $0x0  }
0xc6: {  	s25 =	simm.s32 $0x2D80;
	[sflag:s14] =	ssyncadd.s32 $0xFFFFC180  }
0xc7: {  	[spmem:s2] =	stream.indirect.scatter.add.f32 [tilespmem:s11], [sflag:$0x3], $0x80, s25, s9, $0xb8;
	[tilespmem:$0x1F000] =	vst v63  }
0xc8: {  	_ =	swait.ge [sflag:s6], $0x3E80  }
0xc9: {  	[sflag:s6] =	ssyncset.done $0x0  }
0xca: {  	s26 =	rddreg [dreg:$0x17];
	[sflag:s6] =	ssyncadd.s32 $0xFFFFC180  }
0xcb: {  	[tilespmem:s11], [sflag:$0x2] =	stream.indirect.gather [hbm4b:s4+s9], $0x80, s26, s9, $0xb8;
	[tilespmem:$0x1F000] =	vst v63  }
0xcc: {  	_ =	swait.ge [sflag:s13], $0x3E80  }
0xcd: {  	[sflag:s13] =	ssyncset.done $0x0  }
0xce: {  	s26 =	simm.s32 $0x2E00;
	[sflag:s13] =	ssyncadd.s32 $0xFFFFC180  }
0xcf: {  	[spmem:s2] =	stream.indirect.scatter.add.f32 [tilespmem:s10], [sflag:$0x3], $0x80, s26, s9, $0xb8;
	[tilespmem:$0x1F000] =	vst v63  }
0xd0: {  	_ =	swait.ge [sflag:s6], $0x3E80  }
0xd1: {  	[sflag:s6] =	ssyncset.done $0x0  }
0xd2: {  	s28 =	rddreg [dreg:$0x18];
	[sflag:s6] =	ssyncadd.s32 $0xFFFFC180  }
0xd3: {  	[tilespmem:s10], [sflag:$0x1] =	stream.indirect.gather [hbm4b:s4+s9], $0x80, s28, s9, $0xb8;
	[tilespmem:$0x1F000] =	vst v63  }
0xd4: {  	_ =	swait.ge [sflag:s14], $0x3E80  }
0xd5: {  	[sflag:s14] =	ssyncset.done $0x0  }
0xd6: {  	s28 =	simm.s32 $0x2E80;
	[sflag:s14] =	ssyncadd.s32 $0xFFFFC180  }
0xd7: {  	[spmem:s2] =	stream.indirect.scatter.add.f32 [tilespmem:s11], [sflag:$0x3], $0x80, s28, s9, $0xb8;
	[tilespmem:$0x1F000] =	vst v63  }
0xd8: {  	_ =	swait.ge [sflag:s6], $0x3E80  }
0xd9: {  	[sflag:s6] =	ssyncset.done $0x0  }
0xda: {  	s29 =	rddreg [dreg:$0x19];
	[sflag:s6] =	ssyncadd.s32 $0xFFFFC180  }
0xdb: {  	[tilespmem:s11], [sflag:$0x2] =	stream.indirect.gather [hbm4b:s4+s9], $0x80, s29, s9, $0xb8;
	[tilespmem:$0x1F000] =	vst v63  }
0xdc: {  	_ =	swait.ge [sflag:s13], $0x3E80  }
0xdd: {  	[sflag:s13] =	ssyncset.done $0x0  }
0xde: {  	s29 =	simm.s32 $0x2F00;
	[sflag:s13] =	ssyncadd.s32 $0xFFFFC180  }
0xdf: {  	[spmem:s2] =	stream.indirect.scatter.add.f32 [tilespmem:s10], [sflag:$0x3], $0x80, s29, s9, $0xb8;
	[tilespmem:$0x1F000] =	vst v63  }
0xe0: {  	_ =	swait.ge [sflag:s6], $0x3E80  }
0xe1: {  	[sflag:s6] =	ssyncset.done $0x0  }
0xe2: {  	s30 =	rddreg [dreg:$0x1a];
	[sflag:s6] =	ssyncadd.s32 $0xFFFFC180  }
0xe3: {  	[tilespmem:s10], [sflag:$0x1] =	stream.indirect.gather [hbm4b:s4+s9], $0x80, s30, s9, $0xb8;
	[tilespmem:$0x1F000] =	vst v63  }
0xe4: {  	_ =	swait.ge [sflag:s14], $0x3E80  }
0xe5: {  	[sflag:s14] =	ssyncset.done $0x0  }
0xe6: {  	s30 =	simm.s32 $0x2F80;
	[sflag:s14] =	ssyncadd.s32 $0xFFFFC180  }
0xe7: {  	[spmem:s2] =	stream.indirect.scatter.add.f32 [tilespmem:s11], [sflag:$0x3], $0x80, s30, s9, $0xb8;
	[tilespmem:$0x1F000] =	vst v63  }
0xe8: {  	_ =	swait.ge [sflag:s6], $0x3E80  }
0xe9: {  	[sflag:s6] =	ssyncset.done $0x0  }
0xea: {  	s31 =	rddreg [dreg:$0x1b];
	[sflag:s6] =	ssyncadd.s32 $0xFFFFC180  }
0xeb: {  	[tilespmem:s11], [sflag:$0x2] =	stream.indirect.gather [hbm4b:s4+s9], $0x80, s31, s9, $0xb8;
	[tilespmem:$0x1F000] =	vst v63  }
0xec: {  	s0 =	rddreg [dreg:$0x6]  }
0xed: {  	[tilespmem:s12], [sflag:$0x3] =	stream.linear.gather [hbm4b:s0+s3], $0x800, $0x38;
	[tilespmem:$0x1F000] =	vst v63  }
0xee: {  	_ =	swait.ge [sflag:s6], $0x800  }
0xef: {  	[sflag:s6] =	ssyncset.done $0x0  }
0xf0: {  	[sflag:s6] =	ssyncadd.s32 $0xFFFFF800  }
0xf1: {  	_ =	swait.ge [sflag:s13], $0x3E80  }
0xf2: {  	[sflag:s13] =	ssyncset.done $0x0  }
0xf3: {  	[sflag:s13] =	ssyncadd.s32 $0xFFFFC180  }
0xf4: {  	[spmem:s2] =	stream.indirect.scatter.add.f32 [tilespmem:s10], [sflag:$0x3], $0x80, s12, s9, $0xb8;
	[tilespmem:$0x1F000] =	vst v63  }
0xf5: {  	_ =	swait.ge [sflag:s6], $0x3E80  }
0xf6: {  	[sflag:s6] =	ssyncset.done $0x0  }
0xf7: {  	s31 =	rddreg [dreg:$0x1c];
	[sflag:s6] =	ssyncadd.s32 $0xFFFFC180  }
0xf8: {  	[tilespmem:s10], [sflag:$0x1] =	stream.indirect.gather [hbm4b:s4+s9], $0x80, s31, s9, $0xb8;
	[tilespmem:$0x1F000] =	vst v63  }
0xf9: {  	_ =	swait.ge [sflag:s14], $0x3E80  }
0xfa: {  	[sflag:s14] =	ssyncset.done $0x0  }
0xfb: {  	[sflag:s14] =	ssyncadd.s32 $0xFFFFC180  }
0xfc: {  	[spmem:s2] =	stream.indirect.scatter.add.f32 [tilespmem:s11], [sflag:$0x3], $0x80, s15, s9, $0xb8;
	[tilespmem:$0x1F000] =	vst v63  }
0xfd: {  	_ =	swait.ge [sflag:s6], $0x3E80  }
0xfe: {  	[sflag:s6] =	ssyncset.done $0x0  }
0xff: {  	s31 =	rddreg [dreg:$0x1d];
	[sflag:s6] =	ssyncadd.s32 $0xFFFFC180  }
0x100: {  	[tilespmem:s11], [sflag:$0x2] =	stream.indirect.gather [hbm4b:s4+s9], $0x80, s31, s9, $0xb8;
	[tilespmem:$0x1F000] =	vst v63  }
0x101: {  	_ =	swait.ge [sflag:s13], $0x3E80  }
0x102: {  	[sflag:s13] =	ssyncset.done $0x0  }
0x103: {  	[sflag:s13] =	ssyncadd.s32 $0xFFFFC180  }
0x104: {  	[spmem:s2] =	stream.indirect.scatter.add.f32 [tilespmem:s10], [sflag:$0x3], $0x80, s16, s9, $0xb8;
	[tilespmem:$0x1F000] =	vst v63  }
0x105: {  	_ =	swait.ge [sflag:s6], $0x3E80  }
0x106: {  	[sflag:s6] =	ssyncset.done $0x0  }
0x107: {  	s31 =	rddreg [dreg:$0x1e];
	[sflag:s6] =	ssyncadd.s32 $0xFFFFC180  }
0x108: {  	[tilespmem:s10], [sflag:$0x1] =	stream.indirect.gather [hbm4b:s4+s9], $0x80, s31, s9, $0xb8;
	[tilespmem:$0x1F000] =	vst v63  }
0x109: {  	_ =	swait.ge [sflag:s14], $0x3E80  }
0x10a: {  	[sflag:s14] =	ssyncset.done $0x0  }
0x10b: {  	[sflag:s14] =	ssyncadd.s32 $0xFFFFC180  }
0x10c: {  	[spmem:s2] =	stream.indirect.scatter.add.f32 [tilespmem:s11], [sflag:$0x3], $0x80, s17, s9, $0xb8;
	[tilespmem:$0x1F000] =	vst v63  }
0x10d: {  	_ =	swait.ge [sflag:s6], $0x3E80  }
0x10e: {  	[sflag:s6] =	ssyncset.done $0x0  }
0x10f: {  	s31 =	rddreg [dreg:$0x1f];
	[sflag:s6] =	ssyncadd.s32 $0xFFFFC180  }
0x110: {  	[tilespmem:s11], [sflag:$0x2] =	stream.indirect.gather [hbm4b:s4+s9], $0x80, s31, s9, $0xb8;
	[tilespmem:$0x1F000] =	vst v63  }
0x111: {  	_ =	swait.ge [sflag:s13], $0x3E80  }
0x112: {  	[sflag:s13] =	ssyncset.done $0x0  }
0x113: {  	[sflag:s13] =	ssyncadd.s32 $0xFFFFC180  }
0x114: {  	[spmem:s2] =	stream.indirect.scatter.add.f32 [tilespmem:s10], [sflag:$0x3], $0x80, s18, s9, $0xb8;
	[tilespmem:$0x1F000] =	vst v63  }
0x115: {  	_ =	swait.ge [sflag:s6], $0x3E80  }
0x116: {  	s31 =	sld [smem:$0x7C5]  }
0x117: {  	[sflag:s6] =	ssyncset.done $0x0  }
0x118: {  	[sflag:s6] =	ssyncadd.s32 $0xFFFFC180  }
0x119: {  	[tilespmem:s10], [sflag:$0x1] =	stream.indirect.gather [hbm4b:s4+s9], $0x80, s31, s9, $0xb8;
	[tilespmem:$0x1F000] =	vst v63  }
0x11a: {  	_ =	swait.ge [sflag:s14], $0x3E80  }
0x11b: {  	[sflag:s14] =	ssyncset.done $0x0  }
0x11c: {  	[sflag:s14] =	ssyncadd.s32 $0xFFFFC180  }
0x11d: {  	[spmem:s2] =	stream.indirect.scatter.add.f32 [tilespmem:s11], [sflag:$0x3], $0x80, s19, s9, $0xb8;
	[tilespmem:$0x1F000] =	vst v63  }
0x11e: {  	_ =	swait.ge [sflag:s6], $0x3E80  }
0x11f: {  	s31 =	sld [smem:$0x7C6]  }
0x120: {  	[sflag:s6] =	ssyncset.done $0x0  }
0x121: {  	[sflag:s6] =	ssyncadd.s32 $0xFFFFC180  }
0x122: {  	[tilespmem:s11], [sflag:$0x2] =	stream.indirect.gather [hbm4b:s4+s9], $0x80, s31, s9, $0xb8;
	[tilespmem:$0x1F000] =	vst v63  }
0x123: {  	_ =	swait.ge [sflag:s13], $0x3E80  }
0x124: {  	[sflag:s13] =	ssyncset.done $0x0  }
0x125: {  	[sflag:s13] =	ssyncadd.s32 $0xFFFFC180  }
0x126: {  	[spmem:s2] =	stream.indirect.scatter.add.f32 [tilespmem:s10], [sflag:$0x3], $0x80, s20, s9, $0xb8;
	[tilespmem:$0x1F000] =	vst v63  }
0x127: {  	_ =	swait.ge [sflag:s6], $0x3E80  }
0x128: {  	s31 =	sld [smem:$0x7C7]  }
0x129: {  	[sflag:s6] =	ssyncset.done $0x0  }
0x12a: {  	[sflag:s6] =	ssyncadd.s32 $0xFFFFC180  }
0x12b: {  	[tilespmem:s10], [sflag:$0x1] =	stream.indirect.gather [hbm4b:s4+s9], $0x80, s31, s9, $0xb8;
	[tilespmem:$0x1F000] =	vst v63  }
0x12c: {  	_ =	swait.ge [sflag:s14], $0x3E80  }
0x12d: {  	[sflag:s14] =	ssyncset.done $0x0  }
0x12e: {  	[sflag:s14] =	ssyncadd.s32 $0xFFFFC180  }
0x12f: {  	[spmem:s2] =	stream.indirect.scatter.add.f32 [tilespmem:s11], [sflag:$0x3], $0x80, s21, s9, $0xb8;
	[tilespmem:$0x1F000] =	vst v63  }
0x130: {  	_ =	swait.ge [sflag:s6], $0x3E80  }
0x131: {  	s31 =	sld [smem:$0x7C8]  }
0x132: {  	[sflag:s6] =	ssyncset.done $0x0  }
0x133: {  	[sflag:s6] =	ssyncadd.s32 $0xFFFFC180  }
0x134: {  	[tilespmem:s11], [sflag:$0x2] =	stream.indirect.gather [hbm4b:s4+s9], $0x80, s31, s9, $0xb8;
	[tilespmem:$0x1F000] =	vst v63  }
0x135: {  	_ =	swait.ge [sflag:s13], $0x3E80  }
0x136: {  	[sflag:s13] =	ssyncset.done $0x0  }
0x137: {  	[sflag:s13] =	ssyncadd.s32 $0xFFFFC180  }
0x138: {  	[spmem:s2] =	stream.indirect.scatter.add.f32 [tilespmem:s10], [sflag:$0x3], $0x80, s22, s9, $0xb8;
	[tilespmem:$0x1F000] =	vst v63  }
0x139: {  	_ =	swait.ge [sflag:s6], $0x3E80  }
0x13a: {  	s31 =	sld [smem:$0x7C9]  }
0x13b: {  	[sflag:s6] =	ssyncset.done $0x0  }
0x13c: {  	[sflag:s6] =	ssyncadd.s32 $0xFFFFC180  }
0x13d: {  	[tilespmem:s10], [sflag:$0x1] =	stream.indirect.gather [hbm4b:s4+s9], $0x80, s31, s9, $0xb8;
	[tilespmem:$0x1F000] =	vst v63  }
0x13e: {  	_ =	swait.ge [sflag:s14], $0x3E80  }
0x13f: {  	[sflag:s14] =	ssyncset.done $0x0  }
0x140: {  	[sflag:s14] =	ssyncadd.s32 $0xFFFFC180  }
0x141: {  	[spmem:s2] =	stream.indirect.scatter.add.f32 [tilespmem:s11], [sflag:$0x3], $0x80, s23, s9, $0xb8;
	[tilespmem:$0x1F000] =	vst v63  }
0x142: {  	_ =	swait.ge [sflag:s6], $0x3E80  }
0x143: {  	s31 =	sld [smem:$0x7CA]  }
0x144: {  	[sflag:s6] =	ssyncset.done $0x0  }
0x145: {  	[sflag:s6] =	ssyncadd.s32 $0xFFFFC180  }
0x146: {  	[tilespmem:s11], [sflag:$0x2] =	stream.indirect.gather [hbm4b:s4+s9], $0x80, s31, s9, $0xb8;
	[tilespmem:$0x1F000] =	vst v63  }
0x147: {  	_ =	swait.ge [sflag:s13], $0x3E80  }
0x148: {  	[sflag:s13] =	ssyncset.done $0x0  }
0x149: {  	[sflag:s13] =	ssyncadd.s32 $0xFFFFC180  }
0x14a: {  	[spmem:s2] =	stream.indirect.scatter.add.f32 [tilespmem:s10], [sflag:$0x3], $0x80, s24, s9, $0xb8;
	[tilespmem:$0x1F000] =	vst v63  }
0x14b: {  	_ =	swait.ge [sflag:s6], $0x3E80  }
0x14c: {  	s31 =	sld [smem:$0x7CB]  }
0x14d: {  	[sflag:s6] =	ssyncset.done $0x0  }
0x14e: {  	[sflag:s6] =	ssyncadd.s32 $0xFFFFC180  }
0x14f: {  	[tilespmem:s10], [sflag:$0x1] =	stream.indirect.gather [hbm4b:s4+s9], $0x80, s31, s9, $0xb8;
	[tilespmem:$0x1F000] =	vst v63  }
0x150: {  	_ =	swait.ge [sflag:s14], $0x3E80  }
0x151: {  	[sflag:s14] =	ssyncset.done $0x0  }
0x152: {  	[sflag:s14] =	ssyncadd.s32 $0xFFFFC180  }
0x153: {  	[spmem:s2] =	stream.indirect.scatter.add.f32 [tilespmem:s11], [sflag:$0x3], $0x80, s25, s9, $0xb8;
	[tilespmem:$0x1F000] =	vst v63  }
0x154: {  	_ =	swait.ge [sflag:s6], $0x3E80  }
0x155: {  	s31 =	sld [smem:$0x7CC]  }
0x156: {  	[sflag:s6] =	ssyncset.done $0x0  }
0x157: {  	[sflag:s6] =	ssyncadd.s32 $0xFFFFC180  }
0x158: {  	[tilespmem:s11], [sflag:$0x2] =	stream.indirect.gather [hbm4b:s4+s9], $0x80, s31, s9, $0xb8;
	[tilespmem:$0x1F000] =	vst v63  }
0x159: {  	_ =	swait.ge [sflag:s13], $0x3E80  }
0x15a: {  	[sflag:s13] =	ssyncset.done $0x0  }
0x15b: {  	[sflag:s13] =	ssyncadd.s32 $0xFFFFC180  }
0x15c: {  	[spmem:s2] =	stream.indirect.scatter.add.f32 [tilespmem:s10], [sflag:$0x3], $0x80, s26, s9, $0xb8;
	[tilespmem:$0x1F000] =	vst v63  }
0x15d: {  	_ =	swait.ge [sflag:s6], $0x3E80  }
0x15e: {  	s31 =	sld [smem:$0x7CD]  }
0x15f: {  	[sflag:s6] =	ssyncset.done $0x0  }
0x160: {  	[sflag:s6] =	ssyncadd.s32 $0xFFFFC180  }
0x161: {  	[tilespmem:s10], [sflag:$0x1] =	stream.indirect.gather [hbm4b:s4+s9], $0x80, s31, s9, $0xb8;
	[tilespmem:$0x1F000] =	vst v63  }
0x162: {  	_ =	swait.ge [sflag:s14], $0x3E80  }
0x163: {  	[sflag:s14] =	ssyncset.done $0x0  }
0x164: {  	[sflag:s14] =	ssyncadd.s32 $0xFFFFC180  }
0x165: {  	[spmem:s2] =	stream.indirect.scatter.add.f32 [tilespmem:s11], [sflag:$0x3], $0x80, s28, s9, $0xb8;
	[tilespmem:$0x1F000] =	vst v63  }
0x166: {  	_ =	swait.ge [sflag:s6], $0x3E80  }
0x167: {  	s31 =	sld [smem:$0x7CE]  }
0x168: {  	[sflag:s6] =	ssyncset.done $0x0  }
0x169: {  	[sflag:s6] =	ssyncadd.s32 $0xFFFFC180  }
0x16a: {  	[tilespmem:s11], [sflag:$0x2] =	stream.indirect.gather [hbm4b:s4+s9], $0x80, s31, s9, $0xb8;
	[tilespmem:$0x1F000] =	vst v63  }
0x16b: {  	_ =	swait.ge [sflag:s13], $0x3E80  }
0x16c: {  	[sflag:s13] =	ssyncset.done $0x0  }
0x16d: {  	[sflag:s13] =	ssyncadd.s32 $0xFFFFC180  }
0x16e: {  	[spmem:s2] =	stream.indirect.scatter.add.f32 [tilespmem:s10], [sflag:$0x3], $0x80, s29, s9, $0xb8;
	[tilespmem:$0x1F000] =	vst v63  }
0x16f: {  	_ =	swait.ge [sflag:s6], $0x3E80  }
0x170: {  	s31 =	sld [smem:$0x7CF]  }
0x171: {  	[sflag:s6] =	ssyncset.done $0x0  }
0x172: {  	[sflag:s6] =	ssyncadd.s32 $0xFFFFC180  }
0x173: {  	[tilespmem:s10], [sflag:$0x1] =	stream.indirect.gather [hbm4b:s4+s9], $0x80, s31, s9, $0xb8;
	[tilespmem:$0x1F000] =	vst v63  }
0x174: {  	_ =	swait.ge [sflag:s14], $0x3E80  }
0x175: {  	[sflag:s14] =	ssyncset.done $0x0  }
0x176: {  	[sflag:s14] =	ssyncadd.s32 $0xFFFFC180  }
0x177: {  	[spmem:s2] =	stream.indirect.scatter.add.f32 [tilespmem:s11], [sflag:$0x3], $0x80, s30, s9, $0xb8;
	[tilespmem:$0x1F000] =	vst v63  }
0x178: {  	_ =	swait.ge [sflag:s6], $0x3E80  }
0x179: {  	s0 =	sld [smem:$0x7D0]  }
0x17a: {  	[sflag:s6] =	ssyncset.done $0x0  }
0x17b: {  	[sflag:s6] =	ssyncadd.s32 $0xFFFFC180  }
0x17c: {  	[tilespmem:s11], [sflag:$0x2] =	stream.indirect.gather [hbm4b:s4+s9], $0x80, s0, s9, $0xb8;
	[tilespmem:$0x1F000] =	vst v63  }
0x17d: {  	s31 =	rddreg [dreg:$0x7]  }
0x17e: {  	[tilespmem:s12], [sflag:$0x3] =	stream.linear.gather [hbm4b:s31+s3], $0x800, $0x38;
	[tilespmem:$0x1F000] =	vst v63  }
0x17f: {  	_ =	swait.ge [sflag:s6], $0x800  }
0x180: {  	[sflag:s6] =	ssyncset.done $0x0  }
0x181: {  	[sflag:s6] =	ssyncadd.s32 $0xFFFFF800  }
0x182: {  	_ =	swait.ge [sflag:s13], $0x3E80  }
0x183: {  	[sflag:s13] =	ssyncset.done $0x0  }
0x184: {  	[sflag:s13] =	ssyncadd.s32 $0xFFFFC180  }
0x185: {  	[spmem:s2] =	stream.indirect.scatter.add.f32 [tilespmem:s10], [sflag:$0x3], $0x80, s12, s9, $0xb8;
	[tilespmem:$0x1F000] =	vst v63  }
0x186: {  	_ =	swait.ge [sflag:s6], $0x3E80  }
0x187: {  	s31 =	sld [smem:$0x7D1]  }
0x188: {  	[sflag:s6] =	ssyncset.done $0x0  }
0x189: {  	[sflag:s6] =	ssyncadd.s32 $0xFFFFC180  }
0x18a: {  	[tilespmem:s10], [sflag:$0x1] =	stream.indirect.gather [hbm4b:s4+s9], $0x80, s31, s9, $0xb8;
	[tilespmem:$0x1F000] =	vst v63  }
0x18b: {  	_ =	swait.ge [sflag:s14], $0x3E80  }
0x18c: {  	[sflag:s14] =	ssyncset.done $0x0  }
0x18d: {  	[sflag:s14] =	ssyncadd.s32 $0xFFFFC180  }
0x18e: {  	[spmem:s2] =	stream.indirect.scatter.add.f32 [tilespmem:s11], [sflag:$0x3], $0x80, s15, s9, $0xb8;
	[tilespmem:$0x1F000] =	vst v63  }
0x18f: {  	_ =	swait.ge [sflag:s6], $0x3E80  }
0x190: {  	s31 =	sld [smem:$0x7D2]  }
0x191: {  	[sflag:s6] =	ssyncset.done $0x0  }
0x192: {  	[sflag:s6] =	ssyncadd.s32 $0xFFFFC180  }
0x193: {  	[tilespmem:s11], [sflag:$0x2] =	stream.indirect.gather [hbm4b:s4+s9], $0x80, s31, s9, $0xb8;
	[tilespmem:$0x1F000] =	vst v63  }
0x194: {  	_ =	swait.ge [sflag:s13], $0x3E80  }
0x195: {  	[sflag:s13] =	ssyncset.done $0x0  }
0x196: {  	[sflag:s13] =	ssyncadd.s32 $0xFFFFC180  }
0x197: {  	[spmem:s2] =	stream.indirect.scatter.add.f32 [tilespmem:s10], [sflag:$0x3], $0x80, s16, s9, $0xb8;
	[tilespmem:$0x1F000] =	vst v63  }
0x198: {  	_ =	swait.ge [sflag:s6], $0x3E80  }
0x199: {  	s31 =	sld [smem:$0x7D3]  }
0x19a: {  	[sflag:s6] =	ssyncset.done $0x0  }
0x19b: {  	[sflag:s6] =	ssyncadd.s32 $0xFFFFC180  }
0x19c: {  	[tilespmem:s10], [sflag:$0x1] =	stream.indirect.gather [hbm4b:s4+s9], $0x80, s31, s9, $0xb8;
	[tilespmem:$0x1F000] =	vst v63  }
0x19d: {  	_ =	swait.ge [sflag:s14], $0x3E80  }
0x19e: {  	[sflag:s14] =	ssyncset.done $0x0  }
0x19f: {  	[sflag:s14] =	ssyncadd.s32 $0xFFFFC180  }
0x1a0: {  	[spmem:s2] =	stream.indirect.scatter.add.f32 [tilespmem:s11], [sflag:$0x3], $0x80, s17, s9, $0xb8;
	[tilespmem:$0x1F000] =	vst v63  }
0x1a1: {  	_ =	swait.ge [sflag:s6], $0x3E80  }
0x1a2: {  	s31 =	sld [smem:$0x7D4]  }
0x1a3: {  	[sflag:s6] =	ssyncset.done $0x0  }
0x1a4: {  	[sflag:s6] =	ssyncadd.s32 $0xFFFFC180  }
0x1a5: {  	[tilespmem:s11], [sflag:$0x2] =	stream.indirect.gather [hbm4b:s4+s9], $0x80, s31, s9, $0xb8;
	[tilespmem:$0x1F000] =	vst v63  }
0x1a6: {  	_ =	swait.ge [sflag:s13], $0x3E80  }
0x1a7: {  	[sflag:s13] =	ssyncset.done $0x0  }
0x1a8: {  	[sflag:s13] =	ssyncadd.s32 $0xFFFFC180  }
0x1a9: {  	[spmem:s2] =	stream.indirect.scatter.add.f32 [tilespmem:s10], [sflag:$0x3], $0x80, s18, s9, $0xb8;
	[tilespmem:$0x1F000] =	vst v63  }
0x1aa: {  	_ =	swait.ge [sflag:s6], $0x3E80  }
0x1ab: {  	s31 =	sld [smem:$0x7D5]  }
0x1ac: {  	[sflag:s6] =	ssyncset.done $0x0  }
0x1ad: {  	[sflag:s6] =	ssyncadd.s32 $0xFFFFC180  }
0x1ae: {  	[tilespmem:s10], [sflag:$0x1] =	stream.indirect.gather [hbm4b:s4+s9], $0x80, s31, s9, $0xb8;
	[tilespmem:$0x1F000] =	vst v63  }
0x1af: {  	_ =	swait.ge [sflag:s14], $0x3E80  }
0x1b0: {  	[sflag:s14] =	ssyncset.done $0x0  }
0x1b1: {  	[sflag:s14] =	ssyncadd.s32 $0xFFFFC180  }
0x1b2: {  	[spmem:s2] =	stream.indirect.scatter.add.f32 [tilespmem:s11], [sflag:$0x3], $0x80, s19, s9, $0xb8;
	[tilespmem:$0x1F000] =	vst v63  }
0x1b3: {  	_ =	swait.ge [sflag:s6], $0x3E80  }
0x1b4: {  	s31 =	sld [smem:$0x7D6]  }
0x1b5: {  	[sflag:s6] =	ssyncset.done $0x0  }
0x1b6: {  	[sflag:s6] =	ssyncadd.s32 $0xFFFFC180  }
0x1b7: {  	[tilespmem:s11], [sflag:$0x2] =	stream.indirect.gather [hbm4b:s4+s9], $0x80, s31, s9, $0xb8;
	[tilespmem:$0x1F000] =	vst v63  }
0x1b8: {  	_ =	swait.ge [sflag:s13], $0x3E80  }
0x1b9: {  	[sflag:s13] =	ssyncset.done $0x0  }
0x1ba: {  	[sflag:s13] =	ssyncadd.s32 $0xFFFFC180  }
0x1bb: {  	[spmem:s2] =	stream.indirect.scatter.add.f32 [tilespmem:s10], [sflag:$0x3], $0x80, s20, s9, $0xb8;
	[tilespmem:$0x1F000] =	vst v63  }
0x1bc: {  	_ =	swait.ge [sflag:s6], $0x3E80  }
0x1bd: {  	s31 =	sld [smem:$0x7D7]  }
0x1be: {  	[sflag:s6] =	ssyncset.done $0x0  }
0x1bf: {  	[sflag:s6] =	ssyncadd.s32 $0xFFFFC180  }
0x1c0: {  	[tilespmem:s10], [sflag:$0x1] =	stream.indirect.gather [hbm4b:s4+s9], $0x80, s31, s9, $0xb8;
	[tilespmem:$0x1F000] =	vst v63  }
0x1c1: {  	_ =	swait.ge [sflag:s14], $0x3E80  }
0x1c2: {  	[sflag:s14] =	ssyncset.done $0x0  }
0x1c3: {  	[sflag:s14] =	ssyncadd.s32 $0xFFFFC180  }
0x1c4: {  	[spmem:s2] =	stream.indirect.scatter.add.f32 [tilespmem:s11], [sflag:$0x3], $0x80, s21, s9, $0xb8;
	[tilespmem:$0x1F000] =	vst v63  }
0x1c5: {  	_ =	swait.ge [sflag:s6], $0x3E80  }
0x1c6: {  	s31 =	sld [smem:$0x7D8]  }
0x1c7: {  	[sflag:s6] =	ssyncset.done $0x0  }
0x1c8: {  	[sflag:s6] =	ssyncadd.s32 $0xFFFFC180  }
0x1c9: {  	[tilespmem:s11], [sflag:$0x2] =	stream.indirect.gather [hbm4b:s4+s9], $0x80, s31, s9, $0xb8;
	[tilespmem:$0x1F000] =	vst v63  }
0x1ca: {  	_ =	swait.ge [sflag:s13], $0x3E80  }
0x1cb: {  	[sflag:s13] =	ssyncset.done $0x0  }
0x1cc: {  	[sflag:s13] =	ssyncadd.s32 $0xFFFFC180  }
0x1cd: {  	[spmem:s2] =	stream.indirect.scatter.add.f32 [tilespmem:s10], [sflag:$0x3], $0x80, s22, s9, $0xb8;
	[tilespmem:$0x1F000] =	vst v63  }
0x1ce: {  	_ =	swait.ge [sflag:s6], $0x3E80  }
0x1cf: {  	s31 =	sld [smem:$0x7D9]  }
0x1d0: {  	[sflag:s6] =	ssyncset.done $0x0  }
0x1d1: {  	[sflag:s6] =	ssyncadd.s32 $0xFFFFC180  }
0x1d2: {  	[tilespmem:s10], [sflag:$0x1] =	stream.indirect.gather [hbm4b:s4+s9], $0x80, s31, s9, $0xb8;
	[tilespmem:$0x1F000] =	vst v63  }
0x1d3: {  	_ =	swait.ge [sflag:s14], $0x3E80  }
0x1d4: {  	[sflag:s14] =	ssyncset.done $0x0  }
0x1d5: {  	[sflag:s14] =	ssyncadd.s32 $0xFFFFC180  }
0x1d6: {  	[spmem:s2] =	stream.indirect.scatter.add.f32 [tilespmem:s11], [sflag:$0x3], $0x80, s23, s9, $0xb8;
	[tilespmem:$0x1F000] =	vst v63  }
0x1d7: {  	_ =	swait.ge [sflag:s6], $0x3E80  }
0x1d8: {  	s31 =	sld [smem:$0x7DA]  }
0x1d9: {  	[sflag:s6] =	ssyncset.done $0x0  }
0x1da: {  	[sflag:s6] =	ssyncadd.s32 $0xFFFFC180  }
0x1db: {  	[tilespmem:s11], [sflag:$0x2] =	stream.indirect.gather [hbm4b:s4+s9], $0x80, s31, s9, $0xb8;
	[tilespmem:$0x1F000] =	vst v63  }
0x1dc: {  	_ =	swait.ge [sflag:s13], $0x3E80  }
0x1dd: {  	[sflag:s13] =	ssyncset.done $0x0  }
0x1de: {  	[sflag:s13] =	ssyncadd.s32 $0xFFFFC180  }
0x1df: {  	[spmem:s2] =	stream.indirect.scatter.add.f32 [tilespmem:s10], [sflag:$0x3], $0x80, s24, s9, $0xb8;
	[tilespmem:$0x1F000] =	vst v63  }
0x1e0: {  	_ =	swait.ge [sflag:s6], $0x3E80  }
0x1e1: {  	s31 =	sld [smem:$0x7DB]  }
0x1e2: {  	[sflag:s6] =	ssyncset.done $0x0  }
0x1e3: {  	[sflag:s6] =	ssyncadd.s32 $0xFFFFC180  }
0x1e4: {  	[tilespmem:s10], [sflag:$0x1] =	stream.indirect.gather [hbm4b:s4+s9], $0x80, s31, s9, $0xb8;
	[tilespmem:$0x1F000] =	vst v63  }
0x1e5: {  	_ =	swait.ge [sflag:s14], $0x3E80  }
0x1e6: {  	[sflag:s14] =	ssyncset.done $0x0  }
0x1e7: {  	[sflag:s14] =	ssyncadd.s32 $0xFFFFC180  }
0x1e8: {  	[spmem:s2] =	stream.indirect.scatter.add.f32 [tilespmem:s11], [sflag:$0x3], $0x80, s25, s9, $0xb8;
	[tilespmem:$0x1F000] =	vst v63  }
0x1e9: {  	_ =	swait.ge [sflag:s6], $0x3E80  }
0x1ea: {  	s31 =	sld [smem:$0x7DC]  }
0x1eb: {  	[sflag:s6] =	ssyncset.done $0x0  }
0x1ec: {  	[sflag:s6] =	ssyncadd.s32 $0xFFFFC180  }
0x1ed: {  	[tilespmem:s11], [sflag:$0x2] =	stream.indirect.gather [hbm4b:s4+s9], $0x80, s31, s9, $0xb8;
	[tilespmem:$0x1F000] =	vst v63  }
0x1ee: {  	_ =	swait.ge [sflag:s13], $0x3E80  }
0x1ef: {  	[sflag:s13] =	ssyncset.done $0x0  }
0x1f0: {  	[sflag:s13] =	ssyncadd.s32 $0xFFFFC180  }
0x1f1: {  	[spmem:s2] =	stream.indirect.scatter.add.f32 [tilespmem:s10], [sflag:$0x3], $0x80, s26, s9, $0xb8;
	[tilespmem:$0x1F000] =	vst v63  }
0x1f2: {  	_ =	swait.ge [sflag:s6], $0x3E80  }
0x1f3: {  	s31 =	sld [smem:$0x7DD]  }
0x1f4: {  	[sflag:s6] =	ssyncset.done $0x0  }
0x1f5: {  	[sflag:s6] =	ssyncadd.s32 $0xFFFFC180  }
0x1f6: {  	[tilespmem:s10], [sflag:$0x1] =	stream.indirect.gather [hbm4b:s4+s9], $0x80, s31, s9, $0xb8;
	[tilespmem:$0x1F000] =	vst v63  }
0x1f7: {  	_ =	swait.ge [sflag:s14], $0x3E80  }
0x1f8: {  	[sflag:s14] =	ssyncset.done $0x0  }
0x1f9: {  	[sflag:s14] =	ssyncadd.s32 $0xFFFFC180  }
0x1fa: {  	[spmem:s2] =	stream.indirect.scatter.add.f32 [tilespmem:s11], [sflag:$0x3], $0x80, s28, s9, $0xb8;
	[tilespmem:$0x1F000] =	vst v63  }
0x1fb: {  	_ =	swait.ge [sflag:s6], $0x3E80  }
0x1fc: {  	s31 =	sld [smem:$0x7DE]  }
0x1fd: {  	[sflag:s6] =	ssyncset.done $0x0  }
0x1fe: {  	[sflag:s6] =	ssyncadd.s32 $0xFFFFC180  }
0x1ff: {  	[tilespmem:s11], [sflag:$0x2] =	stream.indirect.gather [hbm4b:s4+s9], $0x80, s31, s9, $0xb8;
	[tilespmem:$0x1F000] =	vst v63  }
0x200: {  	_ =	swait.ge [sflag:s13], $0x3E80  }
0x201: {  	[sflag:s13] =	ssyncset.done $0x0  }
0x202: {  	[sflag:s13] =	ssyncadd.s32 $0xFFFFC180  }
0x203: {  	[spmem:s2] =	stream.indirect.scatter.add.f32 [tilespmem:s10], [sflag:$0x3], $0x80, s29, s9, $0xb8;
	[tilespmem:$0x1F000] =	vst v63  }
0x204: {  	_ =	swait.ge [sflag:s6], $0x3E80  }
0x205: {  	s31 =	sld [smem:$0x7DF]  }
0x206: {  	[sflag:s6] =	ssyncset.done $0x0  }
0x207: {  	[sflag:s6] =	ssyncadd.s32 $0xFFFFC180  }
0x208: {  	[tilespmem:s10], [sflag:$0x1] =	stream.indirect.gather [hbm4b:s4+s9], $0x80, s31, s9, $0xb8;
	[tilespmem:$0x1F000] =	vst v63  }
0x209: {  	_ =	swait.ge [sflag:s14], $0x3E80  }
0x20a: {  	[sflag:s14] =	ssyncset.done $0x0  }
0x20b: {  	[sflag:s14] =	ssyncadd.s32 $0xFFFFC180  }
0x20c: {  	[spmem:s2] =	stream.indirect.scatter.add.f32 [tilespmem:s11], [sflag:$0x3], $0x80, s30, s9, $0xb8;
	[tilespmem:$0x1F000] =	vst v63  }
0x20d: {  	_ =	swait.ge [sflag:s6], $0x3E80  }
0x20e: {  	s0 =	sld [smem:$0x7E0]  }
0x20f: {  	[sflag:s6] =	ssyncset.done $0x0  }
0x210: {  	[sflag:s6] =	ssyncadd.s32 $0xFFFFC180  }
0x211: {  	[tilespmem:s11], [sflag:$0x2] =	stream.indirect.gather [hbm4b:s4+s9], $0x80, s0, s9, $0xb8;
	[tilespmem:$0x1F000] =	vst v63  }
0x212: {  	s31 =	rddreg [dreg:$0x8]  }
0x213: {  	[tilespmem:s12], [sflag:$0x3] =	stream.linear.gather [hbm4b:s31+s3], $0x800, $0x38;
	[tilespmem:$0x1F000] =	vst v63  }
0x214: {  	_ =	swait.ge [sflag:s6], $0x800  }
0x215: {  	[sflag:s6] =	ssyncset.done $0x0  }
0x216: {  	[sflag:s6] =	ssyncadd.s32 $0xFFFFF800  }
0x217: {  	_ =	swait.ge [sflag:s13], $0x3E80  }
0x218: {  	[sflag:s13] =	ssyncset.done $0x0  }
0x219: {  	[sflag:s13] =	ssyncadd.s32 $0xFFFFC180  }
0x21a: {  	[spmem:s2] =	stream.indirect.scatter.add.f32 [tilespmem:s10], [sflag:$0x3], $0x80, s12, s9, $0xb8;
	[tilespmem:$0x1F000] =	vst v63  }
0x21b: {  	_ =	swait.ge [sflag:s6], $0x3E80  }
0x21c: {  	s31 =	sld [smem:$0x7E1]  }
0x21d: {  	[sflag:s6] =	ssyncset.done $0x0  }
0x21e: {  	[sflag:s6] =	ssyncadd.s32 $0xFFFFC180  }
0x21f: {  	[tilespmem:s10], [sflag:$0x1] =	stream.indirect.gather [hbm4b:s4+s9], $0x80, s31, s9, $0xb8;
	[tilespmem:$0x1F000] =	vst v63  }
0x220: {  	_ =	swait.ge [sflag:s14], $0x3E80  }
0x221: {  	[sflag:s14] =	ssyncset.done $0x0  }
0x222: {  	[sflag:s14] =	ssyncadd.s32 $0xFFFFC180  }
0x223: {  	[spmem:s2] =	stream.indirect.scatter.add.f32 [tilespmem:s11], [sflag:$0x3], $0x80, s15, s9, $0xb8;
	[tilespmem:$0x1F000] =	vst v63  }
0x224: {  	_ =	swait.ge [sflag:s6], $0x3E80  }
0x225: {  	s31 =	sld [smem:$0x7E2]  }
0x226: {  	[sflag:s6] =	ssyncset.done $0x0  }
0x227: {  	[sflag:s6] =	ssyncadd.s32 $0xFFFFC180  }
0x228: {  	[tilespmem:s11], [sflag:$0x2] =	stream.indirect.gather [hbm4b:s4+s9], $0x80, s31, s9, $0xb8;
	[tilespmem:$0x1F000] =	vst v63  }
0x229: {  	_ =	swait.ge [sflag:s13], $0x3E80  }
0x22a: {  	[sflag:s13] =	ssyncset.done $0x0  }
0x22b: {  	[sflag:s13] =	ssyncadd.s32 $0xFFFFC180  }
0x22c: {  	[spmem:s2] =	stream.indirect.scatter.add.f32 [tilespmem:s10], [sflag:$0x3], $0x80, s16, s9, $0xb8;
	[tilespmem:$0x1F000] =	vst v63  }
0x22d: {  	_ =	swait.ge [sflag:s6], $0x3E80  }
0x22e: {  	s31 =	sld [smem:$0x7E3]  }
0x22f: {  	[sflag:s6] =	ssyncset.done $0x0  }
0x230: {  	[sflag:s6] =	ssyncadd.s32 $0xFFFFC180  }
0x231: {  	[tilespmem:s10], [sflag:$0x1] =	stream.indirect.gather [hbm4b:s4+s9], $0x80, s31, s9, $0xb8;
	[tilespmem:$0x1F000] =	vst v63  }
0x232: {  	_ =	swait.ge [sflag:s14], $0x3E80  }
0x233: {  	[sflag:s14] =	ssyncset.done $0x0  }
0x234: {  	[sflag:s14] =	ssyncadd.s32 $0xFFFFC180  }
0x235: {  	[spmem:s2] =	stream.indirect.scatter.add.f32 [tilespmem:s11], [sflag:$0x3], $0x80, s17, s9, $0xb8;
	[tilespmem:$0x1F000] =	vst v63  }
0x236: {  	_ =	swait.ge [sflag:s6], $0x3E80  }
0x237: {  	s31 =	sld [smem:$0x7E4]  }
0x238: {  	[sflag:s6] =	ssyncset.done $0x0  }
0x239: {  	[sflag:s6] =	ssyncadd.s32 $0xFFFFC180  }
0x23a: {  	[tilespmem:s11], [sflag:$0x2] =	stream.indirect.gather [hbm4b:s4+s9], $0x80, s31, s9, $0xb8;
	[tilespmem:$0x1F000] =	vst v63  }
0x23b: {  	_ =	swait.ge [sflag:s13], $0x3E80  }
0x23c: {  	[sflag:s13] =	ssyncset.done $0x0  }
0x23d: {  	[sflag:s13] =	ssyncadd.s32 $0xFFFFC180  }
0x23e: {  	[spmem:s2] =	stream.indirect.scatter.add.f32 [tilespmem:s10], [sflag:$0x3], $0x80, s18, s9, $0xb8;
	[tilespmem:$0x1F000] =	vst v63  }
0x23f: {  	_ =	swait.ge [sflag:s6], $0x3E80  }
0x240: {  	s31 =	sld [smem:$0x7E5]  }
0x241: {  	[sflag:s6] =	ssyncset.done $0x0  }
0x242: {  	[sflag:s6] =	ssyncadd.s32 $0xFFFFC180  }
0x243: {  	[tilespmem:s10], [sflag:$0x1] =	stream.indirect.gather [hbm4b:s4+s9], $0x80, s31, s9, $0xb8;
	[tilespmem:$0x1F000] =	vst v63  }
0x244: {  	_ =	swait.ge [sflag:s14], $0x3E80  }
0x245: {  	[sflag:s14] =	ssyncset.done $0x0  }
0x246: {  	[sflag:s14] =	ssyncadd.s32 $0xFFFFC180  }
0x247: {  	[spmem:s2] =	stream.indirect.scatter.add.f32 [tilespmem:s11], [sflag:$0x3], $0x80, s19, s9, $0xb8;
	[tilespmem:$0x1F000] =	vst v63  }
0x248: {  	_ =	swait.ge [sflag:s6], $0x3E80  }
0x249: {  	s31 =	sld [smem:$0x7E6]  }
0x24a: {  	[sflag:s6] =	ssyncset.done $0x0  }
0x24b: {  	[sflag:s6] =	ssyncadd.s32 $0xFFFFC180  }
0x24c: {  	[tilespmem:s11], [sflag:$0x2] =	stream.indirect.gather [hbm4b:s4+s9], $0x80, s31, s9, $0xb8;
	[tilespmem:$0x1F000] =	vst v63  }
0x24d: {  	_ =	swait.ge [sflag:s13], $0x3E80  }
0x24e: {  	[sflag:s13] =	ssyncset.done $0x0  }
0x24f: {  	[sflag:s13] =	ssyncadd.s32 $0xFFFFC180  }
0x250: {  	[spmem:s2] =	stream.indirect.scatter.add.f32 [tilespmem:s10], [sflag:$0x3], $0x80, s20, s9, $0xb8;
	[tilespmem:$0x1F000] =	vst v63  }
0x251: {  	_ =	swait.ge [sflag:s6], $0x3E80  }
0x252: {  	s31 =	sld [smem:$0x7E7]  }
0x253: {  	[sflag:s6] =	ssyncset.done $0x0  }
0x254: {  	[sflag:s6] =	ssyncadd.s32 $0xFFFFC180  }
0x255: {  	[tilespmem:s10], [sflag:$0x1] =	stream.indirect.gather [hbm4b:s4+s9], $0x80, s31, s9, $0xb8;
	[tilespmem:$0x1F000] =	vst v63  }
0x256: {  	_ =	swait.ge [sflag:s14], $0x3E80  }
0x257: {  	[sflag:s14] =	ssyncset.done $0x0  }
0x258: {  	[sflag:s14] =	ssyncadd.s32 $0xFFFFC180  }
0x259: {  	[spmem:s2] =	stream.indirect.scatter.add.f32 [tilespmem:s11], [sflag:$0x3], $0x80, s21, s9, $0xb8;
	[tilespmem:$0x1F000] =	vst v63  }
0x25a: {  	_ =	swait.ge [sflag:s6], $0x3E80  }
0x25b: {  	s31 =	sld [smem:$0x7E8]  }
0x25c: {  	[sflag:s6] =	ssyncset.done $0x0  }
0x25d: {  	[sflag:s6] =	ssyncadd.s32 $0xFFFFC180  }
0x25e: {  	[tilespmem:s11], [sflag:$0x2] =	stream.indirect.gather [hbm4b:s4+s9], $0x80, s31, s9, $0xb8;
	[tilespmem:$0x1F000] =	vst v63  }
0x25f: {  	_ =	swait.ge [sflag:s13], $0x3E80  }
0x260: {  	[sflag:s13] =	ssyncset.done $0x0  }
0x261: {  	[sflag:s13] =	ssyncadd.s32 $0xFFFFC180  }
0x262: {  	[spmem:s2] =	stream.indirect.scatter.add.f32 [tilespmem:s10], [sflag:$0x3], $0x80, s22, s9, $0xb8;
	[tilespmem:$0x1F000] =	vst v63  }
0x263: {  	_ =	swait.ge [sflag:s6], $0x3E80  }
0x264: {  	s31 =	sld [smem:$0x7E9]  }
0x265: {  	[sflag:s6] =	ssyncset.done $0x0  }
0x266: {  	[sflag:s6] =	ssyncadd.s32 $0xFFFFC180  }
0x267: {  	[tilespmem:s10], [sflag:$0x1] =	stream.indirect.gather [hbm4b:s4+s9], $0x80, s31, s9, $0xb8;
	[tilespmem:$0x1F000] =	vst v63  }
0x268: {  	_ =	swait.ge [sflag:s14], $0x3E80  }
0x269: {  	[sflag:s14] =	ssyncset.done $0x0  }
0x26a: {  	[sflag:s14] =	ssyncadd.s32 $0xFFFFC180  }
0x26b: {  	[spmem:s2] =	stream.indirect.scatter.add.f32 [tilespmem:s11], [sflag:$0x3], $0x80, s23, s9, $0xb8;
	[tilespmem:$0x1F000] =	vst v63  }
0x26c: {  	_ =	swait.ge [sflag:s6], $0x3E80  }
0x26d: {  	s31 =	sld [smem:$0x7EA]  }
0x26e: {  	[sflag:s6] =	ssyncset.done $0x0  }
0x26f: {  	[sflag:s6] =	ssyncadd.s32 $0xFFFFC180  }
0x270: {  	[tilespmem:s11], [sflag:$0x2] =	stream.indirect.gather [hbm4b:s4+s9], $0x80, s31, s9, $0xb8;
	[tilespmem:$0x1F000] =	vst v63  }
0x271: {  	_ =	swait.ge [sflag:s13], $0x3E80  }
0x272: {  	[sflag:s13] =	ssyncset.done $0x0  }
0x273: {  	[sflag:s13] =	ssyncadd.s32 $0xFFFFC180  }
0x274: {  	[spmem:s2] =	stream.indirect.scatter.add.f32 [tilespmem:s10], [sflag:$0x3], $0x80, s24, s9, $0xb8;
	[tilespmem:$0x1F000] =	vst v63  }
0x275: {  	_ =	swait.ge [sflag:s6], $0x3E80  }
0x276: {  	s31 =	sld [smem:$0x7EB]  }
0x277: {  	[sflag:s6] =	ssyncset.done $0x0  }
0x278: {  	[sflag:s6] =	ssyncadd.s32 $0xFFFFC180  }
0x279: {  	[tilespmem:s10], [sflag:$0x1] =	stream.indirect.gather [hbm4b:s4+s9], $0x80, s31, s9, $0xb8;
	[tilespmem:$0x1F000] =	vst v63  }
0x27a: {  	_ =	swait.ge [sflag:s14], $0x3E80  }
0x27b: {  	[sflag:s14] =	ssyncset.done $0x0  }
0x27c: {  	[sflag:s14] =	ssyncadd.s32 $0xFFFFC180  }
0x27d: {  	[spmem:s2] =	stream.indirect.scatter.add.f32 [tilespmem:s11], [sflag:$0x3], $0x80, s25, s9, $0xb8;
	[tilespmem:$0x1F000] =	vst v63  }
0x27e: {  	_ =	swait.ge [sflag:s6], $0x3E80  }
0x27f: {  	s31 =	sld [smem:$0x7EC]  }
0x280: {  	[sflag:s6] =	ssyncset.done $0x0  }
0x281: {  	[sflag:s6] =	ssyncadd.s32 $0xFFFFC180  }
0x282: {  	[tilespmem:s11], [sflag:$0x2] =	stream.indirect.gather [hbm4b:s4+s9], $0x80, s31, s9, $0xb8;
	[tilespmem:$0x1F000] =	vst v63  }
0x283: {  	_ =	swait.ge [sflag:s13], $0x3E80  }
0x284: {  	[sflag:s13] =	ssyncset.done $0x0  }
0x285: {  	[sflag:s13] =	ssyncadd.s32 $0xFFFFC180  }
0x286: {  	[spmem:s2] =	stream.indirect.scatter.add.f32 [tilespmem:s10], [sflag:$0x3], $0x80, s26, s9, $0xb8;
	[tilespmem:$0x1F000] =	vst v63  }
0x287: {  	_ =	swait.ge [sflag:s6], $0x3E80  }
0x288: {  	s31 =	sld [smem:$0x7ED]  }
0x289: {  	[sflag:s6] =	ssyncset.done $0x0  }
0x28a: {  	[sflag:s6] =	ssyncadd.s32 $0xFFFFC180  }
0x28b: {  	[tilespmem:s10], [sflag:$0x1] =	stream.indirect.gather [hbm4b:s4+s9], $0x80, s31, s9, $0xb8;
	[tilespmem:$0x1F000] =	vst v63  }
0x28c: {  	_ =	swait.ge [sflag:s14], $0x3E80  }
0x28d: {  	[sflag:s14] =	ssyncset.done $0x0  }
0x28e: {  	[sflag:s14] =	ssyncadd.s32 $0xFFFFC180  }
0x28f: {  	[spmem:s2] =	stream.indirect.scatter.add.f32 [tilespmem:s11], [sflag:$0x3], $0x80, s28, s9, $0xb8;
	[tilespmem:$0x1F000] =	vst v63  }
0x290: {  	_ =	swait.ge [sflag:s6], $0x3E80  }
0x291: {  	s31 =	sld [smem:$0x7EE]  }
0x292: {  	[sflag:s6] =	ssyncset.done $0x0  }
0x293: {  	[sflag:s6] =	ssyncadd.s32 $0xFFFFC180  }
0x294: {  	[tilespmem:s11], [sflag:$0x2] =	stream.indirect.gather [hbm4b:s4+s9], $0x80, s31, s9, $0xb8;
	[tilespmem:$0x1F000] =	vst v63  }
0x295: {  	_ =	swait.ge [sflag:s13], $0x3E80  }
0x296: {  	[sflag:s13] =	ssyncset.done $0x0  }
0x297: {  	[sflag:s13] =	ssyncadd.s32 $0xFFFFC180  }
0x298: {  	[spmem:s2] =	stream.indirect.scatter.add.f32 [tilespmem:s10], [sflag:$0x3], $0x80, s29, s9, $0xb8;
	[tilespmem:$0x1F000] =	vst v63  }
0x299: {  	_ =	swait.ge [sflag:s6], $0x3E80  }
0x29a: {  	s31 =	sld [smem:$0x7EF]  }
0x29b: {  	[sflag:s6] =	ssyncset.done $0x0  }
0x29c: {  	[sflag:s6] =	ssyncadd.s32 $0xFFFFC180  }
0x29d: {  	[tilespmem:s10], [sflag:$0x1] =	stream.indirect.gather [hbm4b:s4+s9], $0x80, s31, s9, $0xb8;
	[tilespmem:$0x1F000] =	vst v63  }
0x29e: {  	_ =	swait.ge [sflag:s14], $0x3E80  }
0x29f: {  	[sflag:s14] =	ssyncset.done $0x0  }
0x2a0: {  	[sflag:s14] =	ssyncadd.s32 $0xFFFFC180  }
0x2a1: {  	[spmem:s2] =	stream.indirect.scatter.add.f32 [tilespmem:s11], [sflag:$0x3], $0x80, s30, s9, $0xb8;
	[tilespmem:$0x1F000] =	vst v63  }
0x2a2: {  	_ =	swait.ge [sflag:s6], $0x3E80  }
0x2a3: {  	s0 =	sld [smem:$0x7F0]  }
0x2a4: {  	[sflag:s6] =	ssyncset.done $0x0  }
0x2a5: {  	[sflag:s6] =	ssyncadd.s32 $0xFFFFC180  }
0x2a6: {  	[tilespmem:s11], [sflag:$0x2] =	stream.indirect.gather [hbm4b:s4+s9], $0x80, s0, s9, $0xb8;
	[tilespmem:$0x1F000] =	vst v63  }
0x2a7: {  	s31 =	rddreg [dreg:$0x9]  }
0x2a8: {  	[tilespmem:s12], [sflag:$0x3] =	stream.linear.gather [hbm4b:s31+s3], $0x800, $0x38;
	[tilespmem:$0x1F000] =	vst v63  }
0x2a9: {  	_ =	swait.ge [sflag:s6], $0x800  }
0x2aa: {  	[sflag:s6] =	ssyncset.done $0x0  }
0x2ab: {  	[sflag:s6] =	ssyncadd.s32 $0xFFFFF800  }
0x2ac: {  	_ =	swait.ge [sflag:s13], $0x3E80  }
0x2ad: {  	[sflag:s13] =	ssyncset.done $0x0  }
0x2ae: {  	[sflag:s13] =	ssyncadd.s32 $0xFFFFC180  }
0x2af: {  	[spmem:s2] =	stream.indirect.scatter.add.f32 [tilespmem:s10], [sflag:$0x3], $0x80, s12, s9, $0xb8;
	[tilespmem:$0x1F000] =	vst v63  }
0x2b0: {  	_ =	swait.ge [sflag:s6], $0x3E80  }
0x2b1: {  	s31 =	sld [smem:$0x7F1]  }
0x2b2: {  	[sflag:s6] =	ssyncset.done $0x0  }
0x2b3: {  	[sflag:s6] =	ssyncadd.s32 $0xFFFFC180  }
0x2b4: {  	[tilespmem:s10], [sflag:$0x1] =	stream.indirect.gather [hbm4b:s4+s9], $0x80, s31, s9, $0xb8;
	[tilespmem:$0x1F000] =	vst v63  }
0x2b5: {  	_ =	swait.ge [sflag:s14], $0x3E80  }
0x2b6: {  	[sflag:s14] =	ssyncset.done $0x0  }
0x2b7: {  	[sflag:s14] =	ssyncadd.s32 $0xFFFFC180  }
0x2b8: {  	[spmem:s2] =	stream.indirect.scatter.add.f32 [tilespmem:s11], [sflag:$0x3], $0x80, s15, s9, $0xb8;
	[tilespmem:$0x1F000] =	vst v63  }
0x2b9: {  	_ =	swait.ge [sflag:s6], $0x3E80  }
0x2ba: {  	s31 =	sld [smem:$0x7F2]  }
0x2bb: {  	[sflag:s6] =	ssyncset.done $0x0  }
0x2bc: {  	[sflag:s6] =	ssyncadd.s32 $0xFFFFC180  }
0x2bd: {  	[tilespmem:s11], [sflag:$0x2] =	stream.indirect.gather [hbm4b:s4+s9], $0x80, s31, s9, $0xb8;
	[tilespmem:$0x1F000] =	vst v63  }
0x2be: {  	_ =	swait.ge [sflag:s13], $0x3E80  }
0x2bf: {  	[sflag:s13] =	ssyncset.done $0x0  }
0x2c0: {  	[sflag:s13] =	ssyncadd.s32 $0xFFFFC180  }
0x2c1: {  	[spmem:s2] =	stream.indirect.scatter.add.f32 [tilespmem:s10], [sflag:$0x3], $0x80, s16, s9, $0xb8;
	[tilespmem:$0x1F000] =	vst v63  }
0x2c2: {  	_ =	swait.ge [sflag:s6], $0x3E80  }
0x2c3: {  	s31 =	sld [smem:$0x7F3]  }
0x2c4: {  	[sflag:s6] =	ssyncset.done $0x0  }
0x2c5: {  	[sflag:s6] =	ssyncadd.s32 $0xFFFFC180  }
0x2c6: {  	[tilespmem:s10], [sflag:$0x1] =	stream.indirect.gather [hbm4b:s4+s9], $0x80, s31, s9, $0xb8;
	[tilespmem:$0x1F000] =	vst v63  }
0x2c7: {  	_ =	swait.ge [sflag:s14], $0x3E80  }
0x2c8: {  	[sflag:s14] =	ssyncset.done $0x0  }
0x2c9: {  	[sflag:s14] =	ssyncadd.s32 $0xFFFFC180  }
0x2ca: {  	[spmem:s2] =	stream.indirect.scatter.add.f32 [tilespmem:s11], [sflag:$0x3], $0x80, s17, s9, $0xb8;
	[tilespmem:$0x1F000] =	vst v63  }
0x2cb: {  	_ =	swait.ge [sflag:s6], $0x3E80  }
0x2cc: {  	s31 =	sld [smem:$0x7F4]  }
0x2cd: {  	[sflag:s6] =	ssyncset.done $0x0  }
0x2ce: {  	[sflag:s6] =	ssyncadd.s32 $0xFFFFC180  }
0x2cf: {  	[tilespmem:s11], [sflag:$0x2] =	stream.indirect.gather [hbm4b:s4+s9], $0x80, s31, s9, $0xb8;
	[tilespmem:$0x1F000] =	vst v63  }
0x2d0: {  	_ =	swait.ge [sflag:s13], $0x3E80  }
0x2d1: {  	[sflag:s13] =	ssyncset.done $0x0  }
0x2d2: {  	[sflag:s13] =	ssyncadd.s32 $0xFFFFC180  }
0x2d3: {  	[spmem:s2] =	stream.indirect.scatter.add.f32 [tilespmem:s10], [sflag:$0x3], $0x80, s18, s9, $0xb8;
	[tilespmem:$0x1F000] =	vst v63  }
0x2d4: {  	_ =	swait.ge [sflag:s6], $0x3E80  }
0x2d5: {  	s31 =	sld [smem:$0x7F5]  }
0x2d6: {  	[sflag:s6] =	ssyncset.done $0x0  }
0x2d7: {  	[sflag:s6] =	ssyncadd.s32 $0xFFFFC180  }
0x2d8: {  	[tilespmem:s10], [sflag:$0x1] =	stream.indirect.gather [hbm4b:s4+s9], $0x80, s31, s9, $0xb8;
	[tilespmem:$0x1F000] =	vst v63  }
0x2d9: {  	_ =	swait.ge [sflag:s14], $0x3E80  }
0x2da: {  	[sflag:s14] =	ssyncset.done $0x0  }
0x2db: {  	[sflag:s14] =	ssyncadd.s32 $0xFFFFC180  }
0x2dc: {  	[spmem:s2] =	stream.indirect.scatter.add.f32 [tilespmem:s11], [sflag:$0x3], $0x80, s19, s9, $0xb8;
	[tilespmem:$0x1F000] =	vst v63  }
0x2dd: {  	_ =	swait.ge [sflag:s6], $0x3E80  }
0x2de: {  	s31 =	sld [smem:$0x7F6]  }
0x2df: {  	[sflag:s6] =	ssyncset.done $0x0  }
0x2e0: {  	[sflag:s6] =	ssyncadd.s32 $0xFFFFC180  }
0x2e1: {  	[tilespmem:s11], [sflag:$0x2] =	stream.indirect.gather [hbm4b:s4+s9], $0x80, s31, s9, $0xb8;
	[tilespmem:$0x1F000] =	vst v63  }
0x2e2: {  	_ =	swait.ge [sflag:s13], $0x3E80  }
0x2e3: {  	[sflag:s13] =	ssyncset.done $0x0  }
0x2e4: {  	[sflag:s13] =	ssyncadd.s32 $0xFFFFC180  }
0x2e5: {  	[spmem:s2] =	stream.indirect.scatter.add.f32 [tilespmem:s10], [sflag:$0x3], $0x80, s20, s9, $0xb8;
	[tilespmem:$0x1F000] =	vst v63  }
0x2e6: {  	_ =	swait.ge [sflag:s6], $0x3E80  }
0x2e7: {  	s31 =	sld [smem:$0x7F7]  }
0x2e8: {  	[sflag:s6] =	ssyncset.done $0x0  }
0x2e9: {  	[sflag:s6] =	ssyncadd.s32 $0xFFFFC180  }
0x2ea: {  	[tilespmem:s10], [sflag:$0x1] =	stream.indirect.gather [hbm4b:s4+s9], $0x80, s31, s9, $0xb8;
	[tilespmem:$0x1F000] =	vst v63  }
0x2eb: {  	_ =	swait.ge [sflag:s14], $0x3E80  }
0x2ec: {  	[sflag:s14] =	ssyncset.done $0x0  }
0x2ed: {  	[sflag:s14] =	ssyncadd.s32 $0xFFFFC180  }
0x2ee: {  	[spmem:s2] =	stream.indirect.scatter.add.f32 [tilespmem:s11], [sflag:$0x3], $0x80, s21, s9, $0xb8;
	[tilespmem:$0x1F000] =	vst v63  }
0x2ef: {  	_ =	swait.ge [sflag:s6], $0x3E80  }
0x2f0: {  	s31 =	sld [smem:$0x7F8]  }
0x2f1: {  	[sflag:s6] =	ssyncset.done $0x0  }
0x2f2: {  	[sflag:s6] =	ssyncadd.s32 $0xFFFFC180  }
0x2f3: {  	[tilespmem:s11], [sflag:$0x2] =	stream.indirect.gather [hbm4b:s4+s9], $0x80, s31, s9, $0xb8;
	[tilespmem:$0x1F000] =	vst v63  }
0x2f4: {  	_ =	swait.ge [sflag:s13], $0x3E80  }
0x2f5: {  	[sflag:s13] =	ssyncset.done $0x0  }
0x2f6: {  	[sflag:s13] =	ssyncadd.s32 $0xFFFFC180  }
0x2f7: {  	[spmem:s2] =	stream.indirect.scatter.add.f32 [tilespmem:s10], [sflag:$0x3], $0x80, s22, s9, $0xb8;
	[tilespmem:$0x1F000] =	vst v63  }
0x2f8: {  	_ =	swait.ge [sflag:s6], $0x3E80  }
0x2f9: {  	s31 =	sld [smem:$0x7F9]  }
0x2fa: {  	[sflag:s6] =	ssyncset.done $0x0  }
0x2fb: {  	[sflag:s6] =	ssyncadd.s32 $0xFFFFC180  }
0x2fc: {  	[tilespmem:s10], [sflag:$0x1] =	stream.indirect.gather [hbm4b:s4+s9], $0x80, s31, s9, $0xb8;
	[tilespmem:$0x1F000] =	vst v63  }
0x2fd: {  	_ =	swait.ge [sflag:s14], $0x3E80  }
0x2fe: {  	[sflag:s14] =	ssyncset.done $0x0  }
0x2ff: {  	[sflag:s14] =	ssyncadd.s32 $0xFFFFC180  }
0x300: {  	[spmem:s2] =	stream.indirect.scatter.add.f32 [tilespmem:s11], [sflag:$0x3], $0x80, s23, s9, $0xb8;
	[tilespmem:$0x1F000] =	vst v63  }
0x301: {  	_ =	swait.ge [sflag:s6], $0x3E80  }
0x302: {  	s31 =	sld [smem:$0x7FA]  }
0x303: {  	[sflag:s6] =	ssyncset.done $0x0  }
0x304: {  	[sflag:s6] =	ssyncadd.s32 $0xFFFFC180  }
0x305: {  	[tilespmem:s11], [sflag:$0x2] =	stream.indirect.gather [hbm4b:s4+s9], $0x80, s31, s9, $0xb8;
	[tilespmem:$0x1F000] =	vst v63  }
0x306: {  	_ =	swait.ge [sflag:s13], $0x3E80  }
0x307: {  	[sflag:s13] =	ssyncset.done $0x0  }
0x308: {  	[sflag:s13] =	ssyncadd.s32 $0xFFFFC180  }
0x309: {  	[spmem:s2] =	stream.indirect.scatter.add.f32 [tilespmem:s10], [sflag:$0x3], $0x80, s24, s9, $0xb8;
	[tilespmem:$0x1F000] =	vst v63  }
0x30a: {  	_ =	swait.ge [sflag:s6], $0x3E80  }
0x30b: {  	s31 =	sld [smem:$0x7FB]  }
0x30c: {  	[sflag:s6] =	ssyncset.done $0x0  }
0x30d: {  	[sflag:s6] =	ssyncadd.s32 $0xFFFFC180  }
0x30e: {  	[tilespmem:s10], [sflag:$0x1] =	stream.indirect.gather [hbm4b:s4+s9], $0x80, s31, s9, $0xb8;
	[tilespmem:$0x1F000] =	vst v63  }
0x30f: {  	_ =	swait.ge [sflag:s14], $0x3E80  }
0x310: {  	[sflag:s14] =	ssyncset.done $0x0  }
0x311: {  	[sflag:s14] =	ssyncadd.s32 $0xFFFFC180  }
0x312: {  	[spmem:s2] =	stream.indirect.scatter.add.f32 [tilespmem:s11], [sflag:$0x3], $0x80, s25, s9, $0xb8;
	[tilespmem:$0x1F000] =	vst v63  }
0x313: {  	_ =	swait.ge [sflag:s6], $0x3E80  }
0x314: {  	s31 =	sld [smem:$0x7FC]  }
0x315: {  	[sflag:s6] =	ssyncset.done $0x0  }
0x316: {  	[sflag:s6] =	ssyncadd.s32 $0xFFFFC180  }
0x317: {  	[tilespmem:s11], [sflag:$0x2] =	stream.indirect.gather [hbm4b:s4+s9], $0x80, s31, s9, $0xb8;
	[tilespmem:$0x1F000] =	vst v63  }
0x318: {  	_ =	swait.ge [sflag:s13], $0x3E80  }
0x319: {  	[sflag:s13] =	ssyncset.done $0x0  }
0x31a: {  	[sflag:s13] =	ssyncadd.s32 $0xFFFFC180  }
0x31b: {  	[spmem:s2] =	stream.indirect.scatter.add.f32 [tilespmem:s10], [sflag:$0x3], $0x80, s26, s9, $0xb8;
	[tilespmem:$0x1F000] =	vst v63  }
0x31c: {  	_ =	swait.ge [sflag:s6], $0x3E80  }
0x31d: {  	s31 =	sld [smem:$0x7FD]  }
0x31e: {  	[sflag:s6] =	ssyncset.done $0x0  }
0x31f: {  	[sflag:s6] =	ssyncadd.s32 $0xFFFFC180  }
0x320: {  	[tilespmem:s10], [sflag:$0x1] =	stream.indirect.gather [hbm4b:s4+s9], $0x80, s31, s9, $0xb8;
	[tilespmem:$0x1F000] =	vst v63  }
0x321: {  	_ =	swait.ge [sflag:s14], $0x3E80  }
0x322: {  	[sflag:s14] =	ssyncset.done $0x0  }
0x323: {  	[sflag:s14] =	ssyncadd.s32 $0xFFFFC180  }
0x324: {  	[spmem:s2] =	stream.indirect.scatter.add.f32 [tilespmem:s11], [sflag:$0x3], $0x80, s28, s9, $0xb8;
	[tilespmem:$0x1F000] =	vst v63  }
0x325: {  	_ =	swait.ge [sflag:s6], $0x3E80  }
0x326: {  	[sflag:s6] =	ssyncset.done $0x0  }
0x327: {  	s31 =	simm.s32 $0x2780;
	[sflag:s6] =	ssyncadd.s32 $0xFFFFC180  }
0x328: {  	[tilespmem:s11], [sflag:$0x2] =	stream.indirect.gather [hbm4b:s4+s9], $0x80, s31, s9, $0xb8;
	[tilespmem:$0x1F000] =	vst v63  }
0x329: {  	_ =	swait.ge [sflag:s13], $0x3E80  }
0x32a: {  	[sflag:s13] =	ssyncset.done $0x0  }
0x32b: {  	[sflag:s13] =	ssyncadd.s32 $0xFFFFC180  }
0x32c: {  	[spmem:s2] =	stream.indirect.scatter.add.f32 [tilespmem:s10], [sflag:$0x3], $0x80, s29, s9, $0xb8;
	[tilespmem:$0x1F000] =	vst v63  }
0x32d: {  	_ =	swait.ge [sflag:s6], $0x3E80  }
0x32e: {  	[sflag:s6] =	ssyncset.done $0x0  }
0x32f: {  	[sflag:s6] =	ssyncadd.s32 $0xFFFFC180  }
0x330: {  	_ =	swait.ge [sflag:s14], $0x3E80  }
0x331: {  	s0 =	ssub.s32 $0x2, s1;
	[sflag:s14] =	ssyncset.done $0x0  }
0x332: {  	s1 =	sshrl.u32 s0, $0x1;
	[sflag:s14] =	ssyncadd.s32 $0xFFFFC180  }
0x333: {  	[spmem:s2] =	stream.indirect.scatter.add.f32 [tilespmem:s11], [sflag:$0x3], $0x80, s30, s9, $0xb8;
	[tilespmem:$0x1F000] =	vst v63  }
0x334: {  	s0 =	ssub.s32 s0, s1;
	_ =	swait.ge [sflag:s6], $0x3E80  }
0x335: {  	s0 =	smax.u32 s0, $0x1;
	[sflag:s6] =	ssyncset.done $0x0  }
0x336: {  	p0 =	sne.s32 s0, $0x1;
	[sflag:s6] =	ssyncadd.s32 $0xFFFFC180  }
.Ltmp0:
0x337: {  	[bflag:$0x0] =	sbarrier.arrive $0xFFFF;
	(pc) =	sbr.rel @!p0 .LBB2_2-.Ltmp0, $4  }
0x338: {  	s31 =	rddreg [dreg:$0xa]  }
0x339: {  	[hbm:s31], [sflag:s7] =	dma.local [spmem:s8], $0x2800  }
0x33a: {  	_ =	swait.ge [sflag:s6], $0x2800  }
0x33b: {  	s1 =	sadd.s32 $0xFFFFFFFF, s0;
	[sflag:s6] =	ssyncset.done $0x0  }
.LBB2_1:
0x33c: {  	[sflag:s6] =	ssyncadd.s32 $0xFFFFD800  }
0x33d: {  	[tilespmem:s3], [sflag:$0x3] =	stream.linear.gather [hbm4b:s5+s3], $0x2800, $0x38;
	[tilespmem:$0x1F000] =	vst v63  }
0x33e: {  	_ =	swait.ge [sflag:s6], $0x2800  }
0x33f: {  	[sflag:s6] =	ssyncset.done $0x0  }
0x340: {  	s0 =	rddreg [dreg:$0x4];
	[sflag:s6] =	ssyncadd.s32 $0xFFFFD800  }
0x341: {  	[spmem:s8], [sflag:s7] =	dma.local [hbm:s0], $0x2800  }
0x342: {  	_ =	swait.ge [sflag:s6], $0x2800  }
0x343: {  	[sflag:s6] =	ssyncset.done $0x0  }
0x344: {  	[sflag:s6] =	ssyncadd.s32 $0xFFFFD800  }
0x345: {  	[bflag:$0x0] =	sbarrier.arrive $0xFFFF  }
0x346: {  	[tilespmem:s10], [sflag:$0x1] =	stream.indirect.gather [hbm4b:s4+s9], $0x80, s3, s9, $0xb8;
	[tilespmem:$0x1F000] =	vst v63  }
0x347: {  	s0 =	rddreg [dreg:$0xb]  }
0x348: {  	[tilespmem:s11], [sflag:$0x2] =	stream.indirect.gather [hbm4b:s4+s9], $0x80, s0, s9, $0xb8;
	[tilespmem:$0x1F000] =	vst v63  }
0x349: {  	s31 =	rddreg [dreg:$0x5]  }
0x34a: {  	[tilespmem:s12], [sflag:$0x3] =	stream.linear.gather [hbm4b:s31+s3], $0x800, $0x38;
	[tilespmem:$0x1F000] =	vst v63  }
0x34b: {  	_ =	swait.ge [sflag:s6], $0x800  }
0x34c: {  	[sflag:s6] =	ssyncset.done $0x0  }
0x34d: {  	[sflag:s6] =	ssyncadd.s32 $0xFFFFF800  }
0x34e: {  	_ =	swait.ge [sflag:s13], $0x3E80  }
0x34f: {  	[sflag:s13] =	ssyncset.done $0x0  }
0x350: {  	[sflag:s13] =	ssyncadd.s32 $0xFFFFC180  }
0x351: {  	[spmem:s2] =	stream.indirect.scatter.add.f32 [tilespmem:s10], [sflag:$0x3], $0x80, s12, s9, $0xb8;
	[tilespmem:$0x1F000] =	vst v63  }
0x352: {  	_ =	swait.ge [sflag:s6], $0x3E80  }
0x353: {  	[sflag:s6] =	ssyncset.done $0x0  }
0x354: {  	s31 =	rddreg [dreg:$0xc];
	[sflag:s6] =	ssyncadd.s32 $0xFFFFC180  }
0x355: {  	[tilespmem:s10], [sflag:$0x1] =	stream.indirect.gather [hbm4b:s4+s9], $0x80, s31, s9, $0xb8;
	[tilespmem:$0x1F000] =	vst v63  }
0x356: {  	_ =	swait.ge [sflag:s14], $0x3E80  }
0x357: {  	[sflag:s14] =	ssyncset.done $0x0  }
0x358: {  	[sflag:s14] =	ssyncadd.s32 $0xFFFFC180  }
0x359: {  	[spmem:s2] =	stream.indirect.scatter.add.f32 [tilespmem:s11], [sflag:$0x3], $0x80, s15, s9, $0xb8;
	[tilespmem:$0x1F000] =	vst v63  }
0x35a: {  	_ =	swait.ge [sflag:s6], $0x3E80  }
0x35b: {  	[sflag:s6] =	ssyncset.done $0x0  }
0x35c: {  	s31 =	rddreg [dreg:$0xd];
	[sflag:s6] =	ssyncadd.s32 $0xFFFFC180  }
0x35d: {  	[tilespmem:s11], [sflag:$0x2] =	stream.indirect.gather [hbm4b:s4+s9], $0x80, s31, s9, $0xb8;
	[tilespmem:$0x1F000] =	vst v63  }
0x35e: {  	_ =	swait.ge [sflag:s13], $0x3E80  }
0x35f: {  	[sflag:s13] =	ssyncset.done $0x0  }
0x360: {  	[sflag:s13] =	ssyncadd.s32 $0xFFFFC180  }
0x361: {  	[spmem:s2] =	stream.indirect.scatter.add.f32 [tilespmem:s10], [sflag:$0x3], $0x80, s16, s9, $0xb8;
	[tilespmem:$0x1F000] =	vst v63  }
0x362: {  	_ =	swait.ge [sflag:s6], $0x3E80  }
0x363: {  	[sflag:s6] =	ssyncset.done $0x0  }
0x364: {  	s31 =	rddreg [dreg:$0xe];
	[sflag:s6] =	ssyncadd.s32 $0xFFFFC180  }
0x365: {  	[tilespmem:s10], [sflag:$0x1] =	stream.indirect.gather [hbm4b:s4+s9], $0x80, s31, s9, $0xb8;
	[tilespmem:$0x1F000] =	vst v63  }
0x366: {  	_ =	swait.ge [sflag:s14], $0x3E80  }
0x367: {  	[sflag:s14] =	ssyncset.done $0x0  }
0x368: {  	[sflag:s14] =	ssyncadd.s32 $0xFFFFC180  }
0x369: {  	[spmem:s2] =	stream.indirect.scatter.add.f32 [tilespmem:s11], [sflag:$0x3], $0x80, s17, s9, $0xb8;
	[tilespmem:$0x1F000] =	vst v63  }
0x36a: {  	_ =	swait.ge [sflag:s6], $0x3E80  }
0x36b: {  	[sflag:s6] =	ssyncset.done $0x0  }
0x36c: {  	s31 =	rddreg [dreg:$0xf];
	[sflag:s6] =	ssyncadd.s32 $0xFFFFC180  }
0x36d: {  	[tilespmem:s11], [sflag:$0x2] =	stream.indirect.gather [hbm4b:s4+s9], $0x80, s31, s9, $0xb8;
	[tilespmem:$0x1F000] =	vst v63  }
0x36e: {  	_ =	swait.ge [sflag:s13], $0x3E80  }
0x36f: {  	[sflag:s13] =	ssyncset.done $0x0  }
0x370: {  	[sflag:s13] =	ssyncadd.s32 $0xFFFFC180  }
0x371: {  	[spmem:s2] =	stream.indirect.scatter.add.f32 [tilespmem:s10], [sflag:$0x3], $0x80, s18, s9, $0xb8;
	[tilespmem:$0x1F000] =	vst v63  }
0x372: {  	_ =	swait.ge [sflag:s6], $0x3E80  }
0x373: {  	[sflag:s6] =	ssyncset.done $0x0  }
0x374: {  	s31 =	rddreg [dreg:$0x10];
	[sflag:s6] =	ssyncadd.s32 $0xFFFFC180  }
0x375: {  	[tilespmem:s10], [sflag:$0x1] =	stream.indirect.gather [hbm4b:s4+s9], $0x80, s31, s9, $0xb8;
	[tilespmem:$0x1F000] =	vst v63  }
0x376: {  	_ =	swait.ge [sflag:s14], $0x3E80  }
0x377: {  	[sflag:s14] =	ssyncset.done $0x0  }
0x378: {  	[sflag:s14] =	ssyncadd.s32 $0xFFFFC180  }
0x379: {  	[spmem:s2] =	stream.indirect.scatter.add.f32 [tilespmem:s11], [sflag:$0x3], $0x80, s19, s9, $0xb8;
	[tilespmem:$0x1F000] =	vst v63  }
0x37a: {  	_ =	swait.ge [sflag:s6], $0x3E80  }
0x37b: {  	[sflag:s6] =	ssyncset.done $0x0  }
0x37c: {  	s31 =	rddreg [dreg:$0x11];
	[sflag:s6] =	ssyncadd.s32 $0xFFFFC180  }
0x37d: {  	[tilespmem:s11], [sflag:$0x2] =	stream.indirect.gather [hbm4b:s4+s9], $0x80, s31, s9, $0xb8;
	[tilespmem:$0x1F000] =	vst v63  }
0x37e: {  	_ =	swait.ge [sflag:s13], $0x3E80  }
0x37f: {  	[sflag:s13] =	ssyncset.done $0x0  }
0x380: {  	[sflag:s13] =	ssyncadd.s32 $0xFFFFC180  }
0x381: {  	[spmem:s2] =	stream.indirect.scatter.add.f32 [tilespmem:s10], [sflag:$0x3], $0x80, s20, s9, $0xb8;
	[tilespmem:$0x1F000] =	vst v63  }
0x382: {  	_ =	swait.ge [sflag:s6], $0x3E80  }
0x383: {  	[sflag:s6] =	ssyncset.done $0x0  }
0x384: {  	s31 =	rddreg [dreg:$0x12];
	[sflag:s6] =	ssyncadd.s32 $0xFFFFC180  }
0x385: {  	[tilespmem:s10], [sflag:$0x1] =	stream.indirect.gather [hbm4b:s4+s9], $0x80, s31, s9, $0xb8;
	[tilespmem:$0x1F000] =	vst v63  }
0x386: {  	_ =	swait.ge [sflag:s14], $0x3E80  }
0x387: {  	[sflag:s14] =	ssyncset.done $0x0  }
0x388: {  	[sflag:s14] =	ssyncadd.s32 $0xFFFFC180  }
0x389: {  	[spmem:s2] =	stream.indirect.scatter.add.f32 [tilespmem:s11], [sflag:$0x3], $0x80, s21, s9, $0xb8;
	[tilespmem:$0x1F000] =	vst v63  }
0x38a: {  	_ =	swait.ge [sflag:s6], $0x3E80  }
0x38b: {  	[sflag:s6] =	ssyncset.done $0x0  }
0x38c: {  	s31 =	rddreg [dreg:$0x13];
	[sflag:s6] =	ssyncadd.s32 $0xFFFFC180  }
0x38d: {  	[tilespmem:s11], [sflag:$0x2] =	stream.indirect.gather [hbm4b:s4+s9], $0x80, s31, s9, $0xb8;
	[tilespmem:$0x1F000] =	vst v63  }
0x38e: {  	_ =	swait.ge [sflag:s13], $0x3E80  }
0x38f: {  	[sflag:s13] =	ssyncset.done $0x0  }
0x390: {  	[sflag:s13] =	ssyncadd.s32 $0xFFFFC180  }
0x391: {  	[spmem:s2] =	stream.indirect.scatter.add.f32 [tilespmem:s10], [sflag:$0x3], $0x80, s22, s9, $0xb8;
	[tilespmem:$0x1F000] =	vst v63  }
0x392: {  	_ =	swait.ge [sflag:s6], $0x3E80  }
0x393: {  	[sflag:s6] =	ssyncset.done $0x0  }
0x394: {  	s31 =	rddreg [dreg:$0x14];
	[sflag:s6] =	ssyncadd.s32 $0xFFFFC180  }
0x395: {  	[tilespmem:s10], [sflag:$0x1] =	stream.indirect.gather [hbm4b:s4+s9], $0x80, s31, s9, $0xb8;
	[tilespmem:$0x1F000] =	vst v63  }
0x396: {  	_ =	swait.ge [sflag:s14], $0x3E80  }
0x397: {  	[sflag:s14] =	ssyncset.done $0x0  }
0x398: {  	[sflag:s14] =	ssyncadd.s32 $0xFFFFC180  }
0x399: {  	[spmem:s2] =	stream.indirect.scatter.add.f32 [tilespmem:s11], [sflag:$0x3], $0x80, s23, s9, $0xb8;
	[tilespmem:$0x1F000] =	vst v63  }
0x39a: {  	_ =	swait.ge [sflag:s6], $0x3E80  }
0x39b: {  	[sflag:s6] =	ssyncset.done $0x0  }
0x39c: {  	s31 =	rddreg [dreg:$0x15];
	[sflag:s6] =	ssyncadd.s32 $0xFFFFC180  }
0x39d: {  	[tilespmem:s11], [sflag:$0x2] =	stream.indirect.gather [hbm4b:s4+s9], $0x80, s31, s9, $0xb8;
	[tilespmem:$0x1F000] =	vst v63  }
0x39e: {  	_ =	swait.ge [sflag:s13], $0x3E80  }
0x39f: {  	[sflag:s13] =	ssyncset.done $0x0  }
0x3a0: {  	[sflag:s13] =	ssyncadd.s32 $0xFFFFC180  }
0x3a1: {  	[spmem:s2] =	stream.indirect.scatter.add.f32 [tilespmem:s10], [sflag:$0x3], $0x80, s24, s9, $0xb8;
	[tilespmem:$0x1F000] =	vst v63  }
0x3a2: {  	_ =	swait.ge [sflag:s6], $0x3E80  }
0x3a3: {  	[sflag:s6] =	ssyncset.done $0x0  }
0x3a4: {  	[sflag:s6] =	ssyncadd.s32 $0xFFFFC180;
	s31 =	rddreg [dreg:$0x16]  }
0x3a5: {  	[tilespmem:s10], [sflag:$0x1] =	stream.indirect.gather [hbm4b:s4+s9], $0x80, s31, s9, $0xb8;
	[tilespmem:$0x1F000] =	vst v63  }
0x3a6: {  	_ =	swait.ge [sflag:s14], $0x3E80  }
0x3a7: {  	[sflag:s14] =	ssyncset.done $0x0  }
0x3a8: {  	[sflag:s14] =	ssyncadd.s32 $0xFFFFC180  }
0x3a9: {  	[spmem:s2] =	stream.indirect.scatter.add.f32 [tilespmem:s11], [sflag:$0x3], $0x80, s25, s9, $0xb8;
	[tilespmem:$0x1F000] =	vst v63  }
0x3aa: {  	_ =	swait.ge [sflag:s6], $0x3E80  }
0x3ab: {  	[sflag:s6] =	ssyncset.done $0x0  }
0x3ac: {  	s31 =	rddreg [dreg:$0x17];
	[sflag:s6] =	ssyncadd.s32 $0xFFFFC180  }
0x3ad: {  	[tilespmem:s11], [sflag:$0x2] =	stream.indirect.gather [hbm4b:s4+s9], $0x80, s31, s9, $0xb8;
	[tilespmem:$0x1F000] =	vst v63  }
0x3ae: {  	_ =	swait.ge [sflag:s13], $0x3E80  }
0x3af: {  	[sflag:s13] =	ssyncset.done $0x0  }
0x3b0: {  	[sflag:s13] =	ssyncadd.s32 $0xFFFFC180  }
0x3b1: {  	[spmem:s2] =	stream.indirect.scatter.add.f32 [tilespmem:s10], [sflag:$0x3], $0x80, s26, s9, $0xb8;
	[tilespmem:$0x1F000] =	vst v63  }
0x3b2: {  	_ =	swait.ge [sflag:s6], $0x3E80  }
0x3b3: {  	[sflag:s6] =	ssyncset.done $0x0  }
0x3b4: {  	s31 =	rddreg [dreg:$0x18];
	[sflag:s6] =	ssyncadd.s32 $0xFFFFC180  }
0x3b5: {  	[tilespmem:s10], [sflag:$0x1] =	stream.indirect.gather [hbm4b:s4+s9], $0x80, s31, s9, $0xb8;
	[tilespmem:$0x1F000] =	vst v63  }
0x3b6: {  	_ =	swait.ge [sflag:s14], $0x3E80  }
0x3b7: {  	[sflag:s14] =	ssyncset.done $0x0  }
0x3b8: {  	[sflag:s14] =	ssyncadd.s32 $0xFFFFC180  }
0x3b9: {  	[spmem:s2] =	stream.indirect.scatter.add.f32 [tilespmem:s11], [sflag:$0x3], $0x80, s28, s9, $0xb8;
	[tilespmem:$0x1F000] =	vst v63  }
0x3ba: {  	_ =	swait.ge [sflag:s6], $0x3E80  }
0x3bb: {  	[sflag:s6] =	ssyncset.done $0x0  }
0x3bc: {  	s31 =	rddreg [dreg:$0x19];
	[sflag:s6] =	ssyncadd.s32 $0xFFFFC180  }
0x3bd: {  	[tilespmem:s11], [sflag:$0x2] =	stream.indirect.gather [hbm4b:s4+s9], $0x80, s31, s9, $0xb8;
	[tilespmem:$0x1F000] =	vst v63  }
0x3be: {  	_ =	swait.ge [sflag:s13], $0x3E80  }
0x3bf: {  	[sflag:s13] =	ssyncset.done $0x0  }
0x3c0: {  	[sflag:s13] =	ssyncadd.s32 $0xFFFFC180  }
0x3c1: {  	[spmem:s2] =	stream.indirect.scatter.add.f32 [tilespmem:s10], [sflag:$0x3], $0x80, s29, s9, $0xb8;
	[tilespmem:$0x1F000] =	vst v63  }
0x3c2: {  	_ =	swait.ge [sflag:s6], $0x3E80  }
0x3c3: {  	[sflag:s6] =	ssyncset.done $0x0  }
0x3c4: {  	s31 =	rddreg [dreg:$0x1a];
	[sflag:s6] =	ssyncadd.s32 $0xFFFFC180  }
0x3c5: {  	[tilespmem:s10], [sflag:$0x1] =	stream.indirect.gather [hbm4b:s4+s9], $0x80, s31, s9, $0xb8;
	[tilespmem:$0x1F000] =	vst v63  }
0x3c6: {  	_ =	swait.ge [sflag:s14], $0x3E80  }
0x3c7: {  	[sflag:s14] =	ssyncset.done $0x0  }
0x3c8: {  	[sflag:s14] =	ssyncadd.s32 $0xFFFFC180  }
0x3c9: {  	[spmem:s2] =	stream.indirect.scatter.add.f32 [tilespmem:s11], [sflag:$0x3], $0x80, s30, s9, $0xb8;
	[tilespmem:$0x1F000] =	vst v63  }
0x3ca: {  	_ =	swait.ge [sflag:s6], $0x3E80  }
0x3cb: {  	[sflag:s6] =	ssyncset.done $0x0  }
0x3cc: {  	s0 =	rddreg [dreg:$0x1b];
	[sflag:s6] =	ssyncadd.s32 $0xFFFFC180  }
0x3cd: {  	[tilespmem:s11], [sflag:$0x2] =	stream.indirect.gather [hbm4b:s4+s9], $0x80, s0, s9, $0xb8;
	[tilespmem:$0x1F000] =	vst v63  }
0x3ce: {  	s31 =	rddreg [dreg:$0x6]  }
0x3cf: {  	[tilespmem:s12], [sflag:$0x3] =	stream.linear.gather [hbm4b:s31+s3], $0x800, $0x38;
	[tilespmem:$0x1F000] =	vst v63  }
0x3d0: {  	_ =	swait.ge [sflag:s6], $0x800  }
0x3d1: {  	[sflag:s6] =	ssyncset.done $0x0  }
0x3d2: {  	[sflag:s6] =	ssyncadd.s32 $0xFFFFF800  }
0x3d3: {  	_ =	swait.ge [sflag:s13], $0x3E80  }
0x3d4: {  	[sflag:s13] =	ssyncset.done $0x0  }
0x3d5: {  	[sflag:s13] =	ssyncadd.s32 $0xFFFFC180  }
0x3d6: {  	[spmem:s2] =	stream.indirect.scatter.add.f32 [tilespmem:s10], [sflag:$0x3], $0x80, s12, s9, $0xb8;
	[tilespmem:$0x1F000] =	vst v63  }
0x3d7: {  	_ =	swait.ge [sflag:s6], $0x3E80  }
0x3d8: {  	[sflag:s6] =	ssyncset.done $0x0  }
0x3d9: {  	s31 =	rddreg [dreg:$0x1c];
	[sflag:s6] =	ssyncadd.s32 $0xFFFFC180  }
0x3da: {  	[tilespmem:s10], [sflag:$0x1] =	stream.indirect.gather [hbm4b:s4+s9], $0x80, s31, s9, $0xb8;
	[tilespmem:$0x1F000] =	vst v63  }
0x3db: {  	_ =	swait.ge [sflag:s14], $0x3E80  }
0x3dc: {  	[sflag:s14] =	ssyncset.done $0x0  }
0x3dd: {  	[sflag:s14] =	ssyncadd.s32 $0xFFFFC180  }
0x3de: {  	[spmem:s2] =	stream.indirect.scatter.add.f32 [tilespmem:s11], [sflag:$0x3], $0x80, s15, s9, $0xb8;
	[tilespmem:$0x1F000] =	vst v63  }
0x3df: {  	_ =	swait.ge [sflag:s6], $0x3E80  }
0x3e0: {  	[sflag:s6] =	ssyncset.done $0x0  }
0x3e1: {  	s31 =	rddreg [dreg:$0x1d];
	[sflag:s6] =	ssyncadd.s32 $0xFFFFC180  }
0x3e2: {  	[tilespmem:s11], [sflag:$0x2] =	stream.indirect.gather [hbm4b:s4+s9], $0x80, s31, s9, $0xb8;
	[tilespmem:$0x1F000] =	vst v63  }
0x3e3: {  	_ =	swait.ge [sflag:s13], $0x3E80  }
0x3e4: {  	[sflag:s13] =	ssyncset.done $0x0  }
0x3e5: {  	[sflag:s13] =	ssyncadd.s32 $0xFFFFC180  }
0x3e6: {  	[spmem:s2] =	stream.indirect.scatter.add.f32 [tilespmem:s10], [sflag:$0x3], $0x80, s16, s9, $0xb8;
	[tilespmem:$0x1F000] =	vst v63  }
0x3e7: {  	_ =	swait.ge [sflag:s6], $0x3E80  }
0x3e8: {  	[sflag:s6] =	ssyncset.done $0x0  }
0x3e9: {  	s31 =	rddreg [dreg:$0x1e];
	[sflag:s6] =	ssyncadd.s32 $0xFFFFC180  }
0x3ea: {  	[tilespmem:s10], [sflag:$0x1] =	stream.indirect.gather [hbm4b:s4+s9], $0x80, s31, s9, $0xb8;
	[tilespmem:$0x1F000] =	vst v63  }
0x3eb: {  	_ =	swait.ge [sflag:s14], $0x3E80  }
0x3ec: {  	[sflag:s14] =	ssyncset.done $0x0  }
0x3ed: {  	[sflag:s14] =	ssyncadd.s32 $0xFFFFC180  }
0x3ee: {  	[spmem:s2] =	stream.indirect.scatter.add.f32 [tilespmem:s11], [sflag:$0x3], $0x80, s17, s9, $0xb8;
	[tilespmem:$0x1F000] =	vst v63  }
0x3ef: {  	_ =	swait.ge [sflag:s6], $0x3E80  }
0x3f0: {  	[sflag:s6] =	ssyncset.done $0x0  }
0x3f1: {  	s31 =	rddreg [dreg:$0x1f];
	[sflag:s6] =	ssyncadd.s32 $0xFFFFC180  }
0x3f2: {  	[tilespmem:s11], [sflag:$0x2] =	stream.indirect.gather [hbm4b:s4+s9], $0x80, s31, s9, $0xb8;
	[tilespmem:$0x1F000] =	vst v63  }
0x3f3: {  	_ =	swait.ge [sflag:s13], $0x3E80  }
0x3f4: {  	[sflag:s13] =	ssyncset.done $0x0  }
0x3f5: {  	[sflag:s13] =	ssyncadd.s32 $0xFFFFC180  }
0x3f6: {  	[spmem:s2] =	stream.indirect.scatter.add.f32 [tilespmem:s10], [sflag:$0x3], $0x80, s18, s9, $0xb8;
	[tilespmem:$0x1F000] =	vst v63  }
0x3f7: {  	_ =	swait.ge [sflag:s6], $0x3E80  }
0x3f8: {  	s31 =	sld [smem:$0x7C5]  }
0x3f9: {  	[sflag:s6] =	ssyncset.done $0x0  }
0x3fa: {  	[sflag:s6] =	ssyncadd.s32 $0xFFFFC180  }
0x3fb: {  	[tilespmem:s10], [sflag:$0x1] =	stream.indirect.gather [hbm4b:s4+s9], $0x80, s31, s9, $0xb8;
	[tilespmem:$0x1F000] =	vst v63  }
0x3fc: {  	_ =	swait.ge [sflag:s14], $0x3E80  }
0x3fd: {  	[sflag:s14] =	ssyncset.done $0x0  }
0x3fe: {  	[sflag:s14] =	ssyncadd.s32 $0xFFFFC180  }
0x3ff: {  	[spmem:s2] =	stream.indirect.scatter.add.f32 [tilespmem:s11], [sflag:$0x3], $0x80, s19, s9, $0xb8;
	[tilespmem:$0x1F000] =	vst v63  }
0x400: {  	_ =	swait.ge [sflag:s6], $0x3E80  }
0x401: {  	s31 =	sld [smem:$0x7C6]  }
0x402: {  	[sflag:s6] =	ssyncset.done $0x0  }
0x403: {  	[sflag:s6] =	ssyncadd.s32 $0xFFFFC180  }
0x404: {  	[tilespmem:s11], [sflag:$0x2] =	stream.indirect.gather [hbm4b:s4+s9], $0x80, s31, s9, $0xb8;
	[tilespmem:$0x1F000] =	vst v63  }
0x405: {  	_ =	swait.ge [sflag:s13], $0x3E80  }
0x406: {  	[sflag:s13] =	ssyncset.done $0x0  }
0x407: {  	[sflag:s13] =	ssyncadd.s32 $0xFFFFC180  }
0x408: {  	[spmem:s2] =	stream.indirect.scatter.add.f32 [tilespmem:s10], [sflag:$0x3], $0x80, s20, s9, $0xb8;
	[tilespmem:$0x1F000] =	vst v63  }
0x409: {  	_ =	swait.ge [sflag:s6], $0x3E80  }
0x40a: {  	s31 =	sld [smem:$0x7C7]  }
0x40b: {  	[sflag:s6] =	ssyncset.done $0x0  }
0x40c: {  	[sflag:s6] =	ssyncadd.s32 $0xFFFFC180  }
0x40d: {  	[tilespmem:s10], [sflag:$0x1] =	stream.indirect.gather [hbm4b:s4+s9], $0x80, s31, s9, $0xb8;
	[tilespmem:$0x1F000] =	vst v63  }
0x40e: {  	_ =	swait.ge [sflag:s14], $0x3E80  }
0x40f: {  	[sflag:s14] =	ssyncset.done $0x0  }
0x410: {  	[sflag:s14] =	ssyncadd.s32 $0xFFFFC180  }
0x411: {  	[spmem:s2] =	stream.indirect.scatter.add.f32 [tilespmem:s11], [sflag:$0x3], $0x80, s21, s9, $0xb8;
	[tilespmem:$0x1F000] =	vst v63  }
0x412: {  	_ =	swait.ge [sflag:s6], $0x3E80  }
0x413: {  	s31 =	sld [smem:$0x7C8]  }
0x414: {  	[sflag:s6] =	ssyncset.done $0x0  }
0x415: {  	[sflag:s6] =	ssyncadd.s32 $0xFFFFC180  }
0x416: {  	[tilespmem:s11], [sflag:$0x2] =	stream.indirect.gather [hbm4b:s4+s9], $0x80, s31, s9, $0xb8;
	[tilespmem:$0x1F000] =	vst v63  }
0x417: {  	_ =	swait.ge [sflag:s13], $0x3E80  }
0x418: {  	[sflag:s13] =	ssyncset.done $0x0  }
0x419: {  	[sflag:s13] =	ssyncadd.s32 $0xFFFFC180  }
0x41a: {  	[spmem:s2] =	stream.indirect.scatter.add.f32 [tilespmem:s10], [sflag:$0x3], $0x80, s22, s9, $0xb8;
	[tilespmem:$0x1F000] =	vst v63  }
0x41b: {  	_ =	swait.ge [sflag:s6], $0x3E80  }
0x41c: {  	s31 =	sld [smem:$0x7C9]  }
0x41d: {  	[sflag:s6] =	ssyncset.done $0x0  }
0x41e: {  	[sflag:s6] =	ssyncadd.s32 $0xFFFFC180  }
0x41f: {  	[tilespmem:s10], [sflag:$0x1] =	stream.indirect.gather [hbm4b:s4+s9], $0x80, s31, s9, $0xb8;
	[tilespmem:$0x1F000] =	vst v63  }
0x420: {  	_ =	swait.ge [sflag:s14], $0x3E80  }
0x421: {  	[sflag:s14] =	ssyncset.done $0x0  }
0x422: {  	[sflag:s14] =	ssyncadd.s32 $0xFFFFC180  }
0x423: {  	[spmem:s2] =	stream.indirect.scatter.add.f32 [tilespmem:s11], [sflag:$0x3], $0x80, s23, s9, $0xb8;
	[tilespmem:$0x1F000] =	vst v63  }
0x424: {  	_ =	swait.ge [sflag:s6], $0x3E80  }
0x425: {  	s31 =	sld [smem:$0x7CA]  }
0x426: {  	[sflag:s6] =	ssyncset.done $0x0  }
0x427: {  	[sflag:s6] =	ssyncadd.s32 $0xFFFFC180  }
0x428: {  	[tilespmem:s11], [sflag:$0x2] =	stream.indirect.gather [hbm4b:s4+s9], $0x80, s31, s9, $0xb8;
	[tilespmem:$0x1F000] =	vst v63  }
0x429: {  	_ =	swait.ge [sflag:s13], $0x3E80  }
0x42a: {  	[sflag:s13] =	ssyncset.done $0x0  }
0x42b: {  	[sflag:s13] =	ssyncadd.s32 $0xFFFFC180  }
0x42c: {  	[spmem:s2] =	stream.indirect.scatter.add.f32 [tilespmem:s10], [sflag:$0x3], $0x80, s24, s9, $0xb8;
	[tilespmem:$0x1F000] =	vst v63  }
0x42d: {  	_ =	swait.ge [sflag:s6], $0x3E80  }
0x42e: {  	s31 =	sld [smem:$0x7CB]  }
0x42f: {  	[sflag:s6] =	ssyncset.done $0x0  }
0x430: {  	[sflag:s6] =	ssyncadd.s32 $0xFFFFC180  }
0x431: {  	[tilespmem:s10], [sflag:$0x1] =	stream.indirect.gather [hbm4b:s4+s9], $0x80, s31, s9, $0xb8;
	[tilespmem:$0x1F000] =	vst v63  }
0x432: {  	_ =	swait.ge [sflag:s14], $0x3E80  }
0x433: {  	[sflag:s14] =	ssyncset.done $0x0  }
0x434: {  	[sflag:s14] =	ssyncadd.s32 $0xFFFFC180  }
0x435: {  	[spmem:s2] =	stream.indirect.scatter.add.f32 [tilespmem:s11], [sflag:$0x3], $0x80, s25, s9, $0xb8;
	[tilespmem:$0x1F000] =	vst v63  }
0x436: {  	_ =	swait.ge [sflag:s6], $0x3E80  }
0x437: {  	s31 =	sld [smem:$0x7CC]  }
0x438: {  	[sflag:s6] =	ssyncset.done $0x0  }
0x439: {  	[sflag:s6] =	ssyncadd.s32 $0xFFFFC180  }
0x43a: {  	[tilespmem:s11], [sflag:$0x2] =	stream.indirect.gather [hbm4b:s4+s9], $0x80, s31, s9, $0xb8;
	[tilespmem:$0x1F000] =	vst v63  }
0x43b: {  	_ =	swait.ge [sflag:s13], $0x3E80  }
0x43c: {  	[sflag:s13] =	ssyncset.done $0x0  }
0x43d: {  	[sflag:s13] =	ssyncadd.s32 $0xFFFFC180  }
0x43e: {  	[spmem:s2] =	stream.indirect.scatter.add.f32 [tilespmem:s10], [sflag:$0x3], $0x80, s26, s9, $0xb8;
	[tilespmem:$0x1F000] =	vst v63  }
0x43f: {  	_ =	swait.ge [sflag:s6], $0x3E80  }
0x440: {  	s31 =	sld [smem:$0x7CD]  }
0x441: {  	[sflag:s6] =	ssyncset.done $0x0  }
0x442: {  	[sflag:s6] =	ssyncadd.s32 $0xFFFFC180  }
0x443: {  	[tilespmem:s10], [sflag:$0x1] =	stream.indirect.gather [hbm4b:s4+s9], $0x80, s31, s9, $0xb8;
	[tilespmem:$0x1F000] =	vst v63  }
0x444: {  	_ =	swait.ge [sflag:s14], $0x3E80  }
0x445: {  	[sflag:s14] =	ssyncset.done $0x0  }
0x446: {  	[sflag:s14] =	ssyncadd.s32 $0xFFFFC180  }
0x447: {  	[spmem:s2] =	stream.indirect.scatter.add.f32 [tilespmem:s11], [sflag:$0x3], $0x80, s28, s9, $0xb8;
	[tilespmem:$0x1F000] =	vst v63  }
0x448: {  	_ =	swait.ge [sflag:s6], $0x3E80  }
0x449: {  	s31 =	sld [smem:$0x7CE]  }
0x44a: {  	[sflag:s6] =	ssyncset.done $0x0  }
0x44b: {  	[sflag:s6] =	ssyncadd.s32 $0xFFFFC180  }
0x44c: {  	[tilespmem:s11], [sflag:$0x2] =	stream.indirect.gather [hbm4b:s4+s9], $0x80, s31, s9, $0xb8;
	[tilespmem:$0x1F000] =	vst v63  }
0x44d: {  	_ =	swait.ge [sflag:s13], $0x3E80  }
0x44e: {  	[sflag:s13] =	ssyncset.done $0x0  }
0x44f: {  	[sflag:s13] =	ssyncadd.s32 $0xFFFFC180  }
0x450: {  	[spmem:s2] =	stream.indirect.scatter.add.f32 [tilespmem:s10], [sflag:$0x3], $0x80, s29, s9, $0xb8;
	[tilespmem:$0x1F000] =	vst v63  }
0x451: {  	_ =	swait.ge [sflag:s6], $0x3E80  }
0x452: {  	s31 =	sld [smem:$0x7CF]  }
0x453: {  	[sflag:s6] =	ssyncset.done $0x0  }
0x454: {  	[sflag:s6] =	ssyncadd.s32 $0xFFFFC180  }
0x455: {  	[tilespmem:s10], [sflag:$0x1] =	stream.indirect.gather [hbm4b:s4+s9], $0x80, s31, s9, $0xb8;
	[tilespmem:$0x1F000] =	vst v63  }
0x456: {  	_ =	swait.ge [sflag:s14], $0x3E80  }
0x457: {  	[sflag:s14] =	ssyncset.done $0x0  }
0x458: {  	[sflag:s14] =	ssyncadd.s32 $0xFFFFC180  }
0x459: {  	[spmem:s2] =	stream.indirect.scatter.add.f32 [tilespmem:s11], [sflag:$0x3], $0x80, s30, s9, $0xb8;
	[tilespmem:$0x1F000] =	vst v63  }
0x45a: {  	_ =	swait.ge [sflag:s6], $0x3E80  }
0x45b: {  	s0 =	sld [smem:$0x7D0]  }
0x45c: {  	[sflag:s6] =	ssyncset.done $0x0  }
0x45d: {  	[sflag:s6] =	ssyncadd.s32 $0xFFFFC180  }
0x45e: {  	[tilespmem:s11], [sflag:$0x2] =	stream.indirect.gather [hbm4b:s4+s9], $0x80, s0, s9, $0xb8;
	[tilespmem:$0x1F000] =	vst v63  }
0x45f: {  	s31 =	rddreg [dreg:$0x7]  }
0x460: {  	[tilespmem:s12], [sflag:$0x3] =	stream.linear.gather [hbm4b:s31+s3], $0x800, $0x38;
	[tilespmem:$0x1F000] =	vst v63  }
0x461: {  	_ =	swait.ge [sflag:s6], $0x800  }
0x462: {  	[sflag:s6] =	ssyncset.done $0x0  }
0x463: {  	[sflag:s6] =	ssyncadd.s32 $0xFFFFF800  }
0x464: {  	_ =	swait.ge [sflag:s13], $0x3E80  }
0x465: {  	[sflag:s13] =	ssyncset.done $0x0  }
0x466: {  	[sflag:s13] =	ssyncadd.s32 $0xFFFFC180  }
0x467: {  	[spmem:s2] =	stream.indirect.scatter.add.f32 [tilespmem:s10], [sflag:$0x3], $0x80, s12, s9, $0xb8;
	[tilespmem:$0x1F000] =	vst v63  }
0x468: {  	_ =	swait.ge [sflag:s6], $0x3E80  }
0x469: {  	s31 =	sld [smem:$0x7D1]  }
0x46a: {  	[sflag:s6] =	ssyncset.done $0x0  }
0x46b: {  	[sflag:s6] =	ssyncadd.s32 $0xFFFFC180  }
0x46c: {  	[tilespmem:s10], [sflag:$0x1] =	stream.indirect.gather [hbm4b:s4+s9], $0x80, s31, s9, $0xb8;
	[tilespmem:$0x1F000] =	vst v63  }
0x46d: {  	_ =	swait.ge [sflag:s14], $0x3E80  }
0x46e: {  	[sflag:s14] =	ssyncset.done $0x0  }
0x46f: {  	[sflag:s14] =	ssyncadd.s32 $0xFFFFC180  }
0x470: {  	[spmem:s2] =	stream.indirect.scatter.add.f32 [tilespmem:s11], [sflag:$0x3], $0x80, s15, s9, $0xb8;
	[tilespmem:$0x1F000] =	vst v63  }
0x471: {  	_ =	swait.ge [sflag:s6], $0x3E80  }
0x472: {  	s31 =	sld [smem:$0x7D2]  }
0x473: {  	[sflag:s6] =	ssyncset.done $0x0  }
0x474: {  	[sflag:s6] =	ssyncadd.s32 $0xFFFFC180  }
0x475: {  	[tilespmem:s11], [sflag:$0x2] =	stream.indirect.gather [hbm4b:s4+s9], $0x80, s31, s9, $0xb8;
	[tilespmem:$0x1F000] =	vst v63  }
0x476: {  	_ =	swait.ge [sflag:s13], $0x3E80  }
0x477: {  	[sflag:s13] =	ssyncset.done $0x0  }
0x478: {  	[sflag:s13] =	ssyncadd.s32 $0xFFFFC180  }
0x479: {  	[spmem:s2] =	stream.indirect.scatter.add.f32 [tilespmem:s10], [sflag:$0x3], $0x80, s16, s9, $0xb8;
	[tilespmem:$0x1F000] =	vst v63  }
0x47a: {  	_ =	swait.ge [sflag:s6], $0x3E80  }
0x47b: {  	s31 =	sld [smem:$0x7D3]  }
0x47c: {  	[sflag:s6] =	ssyncset.done $0x0  }
0x47d: {  	[sflag:s6] =	ssyncadd.s32 $0xFFFFC180  }
0x47e: {  	[tilespmem:s10], [sflag:$0x1] =	stream.indirect.gather [hbm4b:s4+s9], $0x80, s31, s9, $0xb8;
	[tilespmem:$0x1F000] =	vst v63  }
0x47f: {  	_ =	swait.ge [sflag:s14], $0x3E80  }
0x480: {  	[sflag:s14] =	ssyncset.done $0x0  }
0x481: {  	[sflag:s14] =	ssyncadd.s32 $0xFFFFC180  }
0x482: {  	[spmem:s2] =	stream.indirect.scatter.add.f32 [tilespmem:s11], [sflag:$0x3], $0x80, s17, s9, $0xb8;
	[tilespmem:$0x1F000] =	vst v63  }
0x483: {  	_ =	swait.ge [sflag:s6], $0x3E80  }
0x484: {  	s31 =	sld [smem:$0x7D4]  }
0x485: {  	[sflag:s6] =	ssyncset.done $0x0  }
0x486: {  	[sflag:s6] =	ssyncadd.s32 $0xFFFFC180  }
0x487: {  	[tilespmem:s11], [sflag:$0x2] =	stream.indirect.gather [hbm4b:s4+s9], $0x80, s31, s9, $0xb8;
	[tilespmem:$0x1F000] =	vst v63  }
0x488: {  	_ =	swait.ge [sflag:s13], $0x3E80  }
0x489: {  	[sflag:s13] =	ssyncset.done $0x0  }
0x48a: {  	[sflag:s13] =	ssyncadd.s32 $0xFFFFC180  }
0x48b: {  	[spmem:s2] =	stream.indirect.scatter.add.f32 [tilespmem:s10], [sflag:$0x3], $0x80, s18, s9, $0xb8;
	[tilespmem:$0x1F000] =	vst v63  }
0x48c: {  	_ =	swait.ge [sflag:s6], $0x3E80  }
0x48d: {  	s31 =	sld [smem:$0x7D5]  }
0x48e: {  	[sflag:s6] =	ssyncset.done $0x0  }
0x48f: {  	[sflag:s6] =	ssyncadd.s32 $0xFFFFC180  }
0x490: {  	[tilespmem:s10], [sflag:$0x1] =	stream.indirect.gather [hbm4b:s4+s9], $0x80, s31, s9, $0xb8;
	[tilespmem:$0x1F000] =	vst v63  }
0x491: {  	_ =	swait.ge [sflag:s14], $0x3E80  }
0x492: {  	[sflag:s14] =	ssyncset.done $0x0  }
0x493: {  	[sflag:s14] =	ssyncadd.s32 $0xFFFFC180  }
0x494: {  	[spmem:s2] =	stream.indirect.scatter.add.f32 [tilespmem:s11], [sflag:$0x3], $0x80, s19, s9, $0xb8;
	[tilespmem:$0x1F000] =	vst v63  }
0x495: {  	_ =	swait.ge [sflag:s6], $0x3E80  }
0x496: {  	s31 =	sld [smem:$0x7D6]  }
0x497: {  	[sflag:s6] =	ssyncset.done $0x0  }
0x498: {  	[sflag:s6] =	ssyncadd.s32 $0xFFFFC180  }
0x499: {  	[tilespmem:s11], [sflag:$0x2] =	stream.indirect.gather [hbm4b:s4+s9], $0x80, s31, s9, $0xb8;
	[tilespmem:$0x1F000] =	vst v63  }
0x49a: {  	_ =	swait.ge [sflag:s13], $0x3E80  }
0x49b: {  	[sflag:s13] =	ssyncset.done $0x0  }
0x49c: {  	[sflag:s13] =	ssyncadd.s32 $0xFFFFC180  }
0x49d: {  	[spmem:s2] =	stream.indirect.scatter.add.f32 [tilespmem:s10], [sflag:$0x3], $0x80, s20, s9, $0xb8;
	[tilespmem:$0x1F000] =	vst v63  }
0x49e: {  	_ =	swait.ge [sflag:s6], $0x3E80  }
0x49f: {  	s31 =	sld [smem:$0x7D7]  }
0x4a0: {  	[sflag:s6] =	ssyncset.done $0x0  }
0x4a1: {  	[sflag:s6] =	ssyncadd.s32 $0xFFFFC180  }
0x4a2: {  	[tilespmem:s10], [sflag:$0x1] =	stream.indirect.gather [hbm4b:s4+s9], $0x80, s31, s9, $0xb8;
	[tilespmem:$0x1F000] =	vst v63  }
0x4a3: {  	_ =	swait.ge [sflag:s14], $0x3E80  }
0x4a4: {  	[sflag:s14] =	ssyncset.done $0x0  }
0x4a5: {  	[sflag:s14] =	ssyncadd.s32 $0xFFFFC180  }
0x4a6: {  	[spmem:s2] =	stream.indirect.scatter.add.f32 [tilespmem:s11], [sflag:$0x3], $0x80, s21, s9, $0xb8;
	[tilespmem:$0x1F000] =	vst v63  }
0x4a7: {  	_ =	swait.ge [sflag:s6], $0x3E80  }
0x4a8: {  	s31 =	sld [smem:$0x7D8]  }
0x4a9: {  	[sflag:s6] =	ssyncset.done $0x0  }
0x4aa: {  	[sflag:s6] =	ssyncadd.s32 $0xFFFFC180  }
0x4ab: {  	[tilespmem:s11], [sflag:$0x2] =	stream.indirect.gather [hbm4b:s4+s9], $0x80, s31, s9, $0xb8;
	[tilespmem:$0x1F000] =	vst v63  }
0x4ac: {  	_ =	swait.ge [sflag:s13], $0x3E80  }
0x4ad: {  	[sflag:s13] =	ssyncset.done $0x0  }
0x4ae: {  	[sflag:s13] =	ssyncadd.s32 $0xFFFFC180  }
0x4af: {  	[spmem:s2] =	stream.indirect.scatter.add.f32 [tilespmem:s10], [sflag:$0x3], $0x80, s22, s9, $0xb8;
	[tilespmem:$0x1F000] =	vst v63  }
0x4b0: {  	_ =	swait.ge [sflag:s6], $0x3E80  }
0x4b1: {  	s31 =	sld [smem:$0x7D9]  }
0x4b2: {  	[sflag:s6] =	ssyncset.done $0x0  }
0x4b3: {  	[sflag:s6] =	ssyncadd.s32 $0xFFFFC180  }
0x4b4: {  	[tilespmem:s10], [sflag:$0x1] =	stream.indirect.gather [hbm4b:s4+s9], $0x80, s31, s9, $0xb8;
	[tilespmem:$0x1F000] =	vst v63  }
0x4b5: {  	_ =	swait.ge [sflag:s14], $0x3E80  }
0x4b6: {  	[sflag:s14] =	ssyncset.done $0x0  }
0x4b7: {  	[sflag:s14] =	ssyncadd.s32 $0xFFFFC180  }
0x4b8: {  	[spmem:s2] =	stream.indirect.scatter.add.f32 [tilespmem:s11], [sflag:$0x3], $0x80, s23, s9, $0xb8;
	[tilespmem:$0x1F000] =	vst v63  }
0x4b9: {  	_ =	swait.ge [sflag:s6], $0x3E80  }
0x4ba: {  	s31 =	sld [smem:$0x7DA]  }
0x4bb: {  	[sflag:s6] =	ssyncset.done $0x0  }
0x4bc: {  	[sflag:s6] =	ssyncadd.s32 $0xFFFFC180  }
0x4bd: {  	[tilespmem:s11], [sflag:$0x2] =	stream.indirect.gather [hbm4b:s4+s9], $0x80, s31, s9, $0xb8;
	[tilespmem:$0x1F000] =	vst v63  }
0x4be: {  	_ =	swait.ge [sflag:s13], $0x3E80  }
0x4bf: {  	[sflag:s13] =	ssyncset.done $0x0  }
0x4c0: {  	[sflag:s13] =	ssyncadd.s32 $0xFFFFC180  }
0x4c1: {  	[spmem:s2] =	stream.indirect.scatter.add.f32 [tilespmem:s10], [sflag:$0x3], $0x80, s24, s9, $0xb8;
	[tilespmem:$0x1F000] =	vst v63  }
0x4c2: {  	_ =	swait.ge [sflag:s6], $0x3E80  }
0x4c3: {  	s31 =	sld [smem:$0x7DB]  }
0x4c4: {  	[sflag:s6] =	ssyncset.done $0x0  }
0x4c5: {  	[sflag:s6] =	ssyncadd.s32 $0xFFFFC180  }
0x4c6: {  	[tilespmem:s10], [sflag:$0x1] =	stream.indirect.gather [hbm4b:s4+s9], $0x80, s31, s9, $0xb8;
	[tilespmem:$0x1F000] =	vst v63  }
0x4c7: {  	_ =	swait.ge [sflag:s14], $0x3E80  }
0x4c8: {  	[sflag:s14] =	ssyncset.done $0x0  }
0x4c9: {  	[sflag:s14] =	ssyncadd.s32 $0xFFFFC180  }
0x4ca: {  	[spmem:s2] =	stream.indirect.scatter.add.f32 [tilespmem:s11], [sflag:$0x3], $0x80, s25, s9, $0xb8;
	[tilespmem:$0x1F000] =	vst v63  }
0x4cb: {  	_ =	swait.ge [sflag:s6], $0x3E80  }
0x4cc: {  	s31 =	sld [smem:$0x7DC]  }
0x4cd: {  	[sflag:s6] =	ssyncset.done $0x0  }
0x4ce: {  	[sflag:s6] =	ssyncadd.s32 $0xFFFFC180  }
0x4cf: {  	[tilespmem:s11], [sflag:$0x2] =	stream.indirect.gather [hbm4b:s4+s9], $0x80, s31, s9, $0xb8;
	[tilespmem:$0x1F000] =	vst v63  }
0x4d0: {  	_ =	swait.ge [sflag:s13], $0x3E80  }
0x4d1: {  	[sflag:s13] =	ssyncset.done $0x0  }
0x4d2: {  	[sflag:s13] =	ssyncadd.s32 $0xFFFFC180  }
0x4d3: {  	[spmem:s2] =	stream.indirect.scatter.add.f32 [tilespmem:s10], [sflag:$0x3], $0x80, s26, s9, $0xb8;
	[tilespmem:$0x1F000] =	vst v63  }
0x4d4: {  	_ =	swait.ge [sflag:s6], $0x3E80  }
0x4d5: {  	s31 =	sld [smem:$0x7DD]  }
0x4d6: {  	[sflag:s6] =	ssyncset.done $0x0  }
0x4d7: {  	[sflag:s6] =	ssyncadd.s32 $0xFFFFC180  }
0x4d8: {  	[tilespmem:s10], [sflag:$0x1] =	stream.indirect.gather [hbm4b:s4+s9], $0x80, s31, s9, $0xb8;
	[tilespmem:$0x1F000] =	vst v63  }
0x4d9: {  	_ =	swait.ge [sflag:s14], $0x3E80  }
0x4da: {  	[sflag:s14] =	ssyncset.done $0x0  }
0x4db: {  	[sflag:s14] =	ssyncadd.s32 $0xFFFFC180  }
0x4dc: {  	[spmem:s2] =	stream.indirect.scatter.add.f32 [tilespmem:s11], [sflag:$0x3], $0x80, s28, s9, $0xb8;
	[tilespmem:$0x1F000] =	vst v63  }
0x4dd: {  	_ =	swait.ge [sflag:s6], $0x3E80  }
0x4de: {  	s31 =	sld [smem:$0x7DE]  }
0x4df: {  	[sflag:s6] =	ssyncset.done $0x0  }
0x4e0: {  	[sflag:s6] =	ssyncadd.s32 $0xFFFFC180  }
0x4e1: {  	[tilespmem:s11], [sflag:$0x2] =	stream.indirect.gather [hbm4b:s4+s9], $0x80, s31, s9, $0xb8;
	[tilespmem:$0x1F000] =	vst v63  }
0x4e2: {  	_ =	swait.ge [sflag:s13], $0x3E80  }
0x4e3: {  	[sflag:s13] =	ssyncset.done $0x0  }
0x4e4: {  	[sflag:s13] =	ssyncadd.s32 $0xFFFFC180  }
0x4e5: {  	[spmem:s2] =	stream.indirect.scatter.add.f32 [tilespmem:s10], [sflag:$0x3], $0x80, s29, s9, $0xb8;
	[tilespmem:$0x1F000] =	vst v63  }
0x4e6: {  	_ =	swait.ge [sflag:s6], $0x3E80  }
0x4e7: {  	s31 =	sld [smem:$0x7DF]  }
0x4e8: {  	[sflag:s6] =	ssyncset.done $0x0  }
0x4e9: {  	[sflag:s6] =	ssyncadd.s32 $0xFFFFC180  }
0x4ea: {  	[tilespmem:s10], [sflag:$0x1] =	stream.indirect.gather [hbm4b:s4+s9], $0x80, s31, s9, $0xb8;
	[tilespmem:$0x1F000] =	vst v63  }
0x4eb: {  	_ =	swait.ge [sflag:s14], $0x3E80  }
0x4ec: {  	[sflag:s14] =	ssyncset.done $0x0  }
0x4ed: {  	[sflag:s14] =	ssyncadd.s32 $0xFFFFC180  }
0x4ee: {  	[spmem:s2] =	stream.indirect.scatter.add.f32 [tilespmem:s11], [sflag:$0x3], $0x80, s30, s9, $0xb8;
	[tilespmem:$0x1F000] =	vst v63  }
0x4ef: {  	_ =	swait.ge [sflag:s6], $0x3E80  }
0x4f0: {  	s0 =	sld [smem:$0x7E0]  }
0x4f1: {  	[sflag:s6] =	ssyncset.done $0x0  }
0x4f2: {  	[sflag:s6] =	ssyncadd.s32 $0xFFFFC180  }
0x4f3: {  	[tilespmem:s11], [sflag:$0x2] =	stream.indirect.gather [hbm4b:s4+s9], $0x80, s0, s9, $0xb8;
	[tilespmem:$0x1F000] =	vst v63  }
0x4f4: {  	s31 =	rddreg [dreg:$0x8]  }
0x4f5: {  	[tilespmem:s12], [sflag:$0x3] =	stream.linear.gather [hbm4b:s31+s3], $0x800, $0x38;
	[tilespmem:$0x1F000] =	vst v63  }
0x4f6: {  	_ =	swait.ge [sflag:s6], $0x800  }
0x4f7: {  	[sflag:s6] =	ssyncset.done $0x0  }
0x4f8: {  	[sflag:s6] =	ssyncadd.s32 $0xFFFFF800  }
0x4f9: {  	_ =	swait.ge [sflag:s13], $0x3E80  }
0x4fa: {  	[sflag:s13] =	ssyncset.done $0x0  }
0x4fb: {  	[sflag:s13] =	ssyncadd.s32 $0xFFFFC180  }
0x4fc: {  	[spmem:s2] =	stream.indirect.scatter.add.f32 [tilespmem:s10], [sflag:$0x3], $0x80, s12, s9, $0xb8;
	[tilespmem:$0x1F000] =	vst v63  }
0x4fd: {  	_ =	swait.ge [sflag:s6], $0x3E80  }
0x4fe: {  	s31 =	sld [smem:$0x7E1]  }
0x4ff: {  	[sflag:s6] =	ssyncset.done $0x0  }
0x500: {  	[sflag:s6] =	ssyncadd.s32 $0xFFFFC180  }
0x501: {  	[tilespmem:s10], [sflag:$0x1] =	stream.indirect.gather [hbm4b:s4+s9], $0x80, s31, s9, $0xb8;
	[tilespmem:$0x1F000] =	vst v63  }
0x502: {  	_ =	swait.ge [sflag:s14], $0x3E80  }
0x503: {  	[sflag:s14] =	ssyncset.done $0x0  }
0x504: {  	[sflag:s14] =	ssyncadd.s32 $0xFFFFC180  }
0x505: {  	[spmem:s2] =	stream.indirect.scatter.add.f32 [tilespmem:s11], [sflag:$0x3], $0x80, s15, s9, $0xb8;
	[tilespmem:$0x1F000] =	vst v63  }
0x506: {  	_ =	swait.ge [sflag:s6], $0x3E80  }
0x507: {  	s31 =	sld [smem:$0x7E2]  }
0x508: {  	[sflag:s6] =	ssyncset.done $0x0  }
0x509: {  	[sflag:s6] =	ssyncadd.s32 $0xFFFFC180  }
0x50a: {  	[tilespmem:s11], [sflag:$0x2] =	stream.indirect.gather [hbm4b:s4+s9], $0x80, s31, s9, $0xb8;
	[tilespmem:$0x1F000] =	vst v63  }
0x50b: {  	_ =	swait.ge [sflag:s13], $0x3E80  }
0x50c: {  	[sflag:s13] =	ssyncset.done $0x0  }
0x50d: {  	[sflag:s13] =	ssyncadd.s32 $0xFFFFC180  }
0x50e: {  	[spmem:s2] =	stream.indirect.scatter.add.f32 [tilespmem:s10], [sflag:$0x3], $0x80, s16, s9, $0xb8;
	[tilespmem:$0x1F000] =	vst v63  }
0x50f: {  	_ =	swait.ge [sflag:s6], $0x3E80  }
0x510: {  	s31 =	sld [smem:$0x7E3]  }
0x511: {  	[sflag:s6] =	ssyncset.done $0x0  }
0x512: {  	[sflag:s6] =	ssyncadd.s32 $0xFFFFC180  }
0x513: {  	[tilespmem:s10], [sflag:$0x1] =	stream.indirect.gather [hbm4b:s4+s9], $0x80, s31, s9, $0xb8;
	[tilespmem:$0x1F000] =	vst v63  }
0x514: {  	_ =	swait.ge [sflag:s14], $0x3E80  }
0x515: {  	[sflag:s14] =	ssyncset.done $0x0  }
0x516: {  	[sflag:s14] =	ssyncadd.s32 $0xFFFFC180  }
0x517: {  	[spmem:s2] =	stream.indirect.scatter.add.f32 [tilespmem:s11], [sflag:$0x3], $0x80, s17, s9, $0xb8;
	[tilespmem:$0x1F000] =	vst v63  }
0x518: {  	_ =	swait.ge [sflag:s6], $0x3E80  }
0x519: {  	s31 =	sld [smem:$0x7E4]  }
0x51a: {  	[sflag:s6] =	ssyncset.done $0x0  }
0x51b: {  	[sflag:s6] =	ssyncadd.s32 $0xFFFFC180  }
0x51c: {  	[tilespmem:s11], [sflag:$0x2] =	stream.indirect.gather [hbm4b:s4+s9], $0x80, s31, s9, $0xb8;
	[tilespmem:$0x1F000] =	vst v63  }
0x51d: {  	_ =	swait.ge [sflag:s13], $0x3E80  }
0x51e: {  	[sflag:s13] =	ssyncset.done $0x0  }
0x51f: {  	[sflag:s13] =	ssyncadd.s32 $0xFFFFC180  }
0x520: {  	[spmem:s2] =	stream.indirect.scatter.add.f32 [tilespmem:s10], [sflag:$0x3], $0x80, s18, s9, $0xb8;
	[tilespmem:$0x1F000] =	vst v63  }
0x521: {  	_ =	swait.ge [sflag:s6], $0x3E80  }
0x522: {  	s31 =	sld [smem:$0x7E5]  }
0x523: {  	[sflag:s6] =	ssyncset.done $0x0  }
0x524: {  	[sflag:s6] =	ssyncadd.s32 $0xFFFFC180  }
0x525: {  	[tilespmem:s10], [sflag:$0x1] =	stream.indirect.gather [hbm4b:s4+s9], $0x80, s31, s9, $0xb8;
	[tilespmem:$0x1F000] =	vst v63  }
0x526: {  	_ =	swait.ge [sflag:s14], $0x3E80  }
0x527: {  	[sflag:s14] =	ssyncset.done $0x0  }
0x528: {  	[sflag:s14] =	ssyncadd.s32 $0xFFFFC180  }
0x529: {  	[spmem:s2] =	stream.indirect.scatter.add.f32 [tilespmem:s11], [sflag:$0x3], $0x80, s19, s9, $0xb8;
	[tilespmem:$0x1F000] =	vst v63  }
0x52a: {  	_ =	swait.ge [sflag:s6], $0x3E80  }
0x52b: {  	s31 =	sld [smem:$0x7E6]  }
0x52c: {  	[sflag:s6] =	ssyncset.done $0x0  }
0x52d: {  	[sflag:s6] =	ssyncadd.s32 $0xFFFFC180  }
0x52e: {  	[tilespmem:s11], [sflag:$0x2] =	stream.indirect.gather [hbm4b:s4+s9], $0x80, s31, s9, $0xb8;
	[tilespmem:$0x1F000] =	vst v63  }
0x52f: {  	_ =	swait.ge [sflag:s13], $0x3E80  }
0x530: {  	[sflag:s13] =	ssyncset.done $0x0  }
0x531: {  	[sflag:s13] =	ssyncadd.s32 $0xFFFFC180  }
0x532: {  	[spmem:s2] =	stream.indirect.scatter.add.f32 [tilespmem:s10], [sflag:$0x3], $0x80, s20, s9, $0xb8;
	[tilespmem:$0x1F000] =	vst v63  }
0x533: {  	_ =	swait.ge [sflag:s6], $0x3E80  }
0x534: {  	s31 =	sld [smem:$0x7E7]  }
0x535: {  	[sflag:s6] =	ssyncset.done $0x0  }
0x536: {  	[sflag:s6] =	ssyncadd.s32 $0xFFFFC180  }
0x537: {  	[tilespmem:s10], [sflag:$0x1] =	stream.indirect.gather [hbm4b:s4+s9], $0x80, s31, s9, $0xb8;
	[tilespmem:$0x1F000] =	vst v63  }
0x538: {  	_ =	swait.ge [sflag:s14], $0x3E80  }
0x539: {  	[sflag:s14] =	ssyncset.done $0x0  }
0x53a: {  	[sflag:s14] =	ssyncadd.s32 $0xFFFFC180  }
0x53b: {  	[spmem:s2] =	stream.indirect.scatter.add.f32 [tilespmem:s11], [sflag:$0x3], $0x80, s21, s9, $0xb8;
	[tilespmem:$0x1F000] =	vst v63  }
0x53c: {  	_ =	swait.ge [sflag:s6], $0x3E80  }
0x53d: {  	s31 =	sld [smem:$0x7E8]  }
0x53e: {  	[sflag:s6] =	ssyncset.done $0x0  }
0x53f: {  	[sflag:s6] =	ssyncadd.s32 $0xFFFFC180  }
0x540: {  	[tilespmem:s11], [sflag:$0x2] =	stream.indirect.gather [hbm4b:s4+s9], $0x80, s31, s9, $0xb8;
	[tilespmem:$0x1F000] =	vst v63  }
0x541: {  	_ =	swait.ge [sflag:s13], $0x3E80  }
0x542: {  	[sflag:s13] =	ssyncset.done $0x0  }
0x543: {  	[sflag:s13] =	ssyncadd.s32 $0xFFFFC180  }
0x544: {  	[spmem:s2] =	stream.indirect.scatter.add.f32 [tilespmem:s10], [sflag:$0x3], $0x80, s22, s9, $0xb8;
	[tilespmem:$0x1F000] =	vst v63  }
0x545: {  	_ =	swait.ge [sflag:s6], $0x3E80  }
0x546: {  	s31 =	sld [smem:$0x7E9]  }
0x547: {  	[sflag:s6] =	ssyncset.done $0x0  }
0x548: {  	[sflag:s6] =	ssyncadd.s32 $0xFFFFC180  }
0x549: {  	[tilespmem:s10], [sflag:$0x1] =	stream.indirect.gather [hbm4b:s4+s9], $0x80, s31, s9, $0xb8;
	[tilespmem:$0x1F000] =	vst v63  }
0x54a: {  	_ =	swait.ge [sflag:s14], $0x3E80  }
0x54b: {  	[sflag:s14] =	ssyncset.done $0x0  }
0x54c: {  	[sflag:s14] =	ssyncadd.s32 $0xFFFFC180  }
0x54d: {  	[spmem:s2] =	stream.indirect.scatter.add.f32 [tilespmem:s11], [sflag:$0x3], $0x80, s23, s9, $0xb8;
	[tilespmem:$0x1F000] =	vst v63  }
0x54e: {  	_ =	swait.ge [sflag:s6], $0x3E80  }
0x54f: {  	s31 =	sld [smem:$0x7EA]  }
0x550: {  	[sflag:s6] =	ssyncset.done $0x0  }
0x551: {  	[sflag:s6] =	ssyncadd.s32 $0xFFFFC180  }
0x552: {  	[tilespmem:s11], [sflag:$0x2] =	stream.indirect.gather [hbm4b:s4+s9], $0x80, s31, s9, $0xb8;
	[tilespmem:$0x1F000] =	vst v63  }
0x553: {  	_ =	swait.ge [sflag:s13], $0x3E80  }
0x554: {  	[sflag:s13] =	ssyncset.done $0x0  }
0x555: {  	[sflag:s13] =	ssyncadd.s32 $0xFFFFC180  }
0x556: {  	[spmem:s2] =	stream.indirect.scatter.add.f32 [tilespmem:s10], [sflag:$0x3], $0x80, s24, s9, $0xb8;
	[tilespmem:$0x1F000] =	vst v63  }
0x557: {  	_ =	swait.ge [sflag:s6], $0x3E80  }
0x558: {  	s31 =	sld [smem:$0x7EB]  }
0x559: {  	[sflag:s6] =	ssyncset.done $0x0  }
0x55a: {  	[sflag:s6] =	ssyncadd.s32 $0xFFFFC180  }
0x55b: {  	[tilespmem:s10], [sflag:$0x1] =	stream.indirect.gather [hbm4b:s4+s9], $0x80, s31, s9, $0xb8;
	[tilespmem:$0x1F000] =	vst v63  }
0x55c: {  	_ =	swait.ge [sflag:s14], $0x3E80  }
0x55d: {  	[sflag:s14] =	ssyncset.done $0x0  }
0x55e: {  	[sflag:s14] =	ssyncadd.s32 $0xFFFFC180  }
0x55f: {  	[spmem:s2] =	stream.indirect.scatter.add.f32 [tilespmem:s11], [sflag:$0x3], $0x80, s25, s9, $0xb8;
	[tilespmem:$0x1F000] =	vst v63  }
0x560: {  	_ =	swait.ge [sflag:s6], $0x3E80  }
0x561: {  	s31 =	sld [smem:$0x7EC]  }
0x562: {  	[sflag:s6] =	ssyncset.done $0x0  }
0x563: {  	[sflag:s6] =	ssyncadd.s32 $0xFFFFC180  }
0x564: {  	[tilespmem:s11], [sflag:$0x2] =	stream.indirect.gather [hbm4b:s4+s9], $0x80, s31, s9, $0xb8;
	[tilespmem:$0x1F000] =	vst v63  }
0x565: {  	_ =	swait.ge [sflag:s13], $0x3E80  }
0x566: {  	[sflag:s13] =	ssyncset.done $0x0  }
0x567: {  	[sflag:s13] =	ssyncadd.s32 $0xFFFFC180  }
0x568: {  	[spmem:s2] =	stream.indirect.scatter.add.f32 [tilespmem:s10], [sflag:$0x3], $0x80, s26, s9, $0xb8;
	[tilespmem:$0x1F000] =	vst v63  }
0x569: {  	_ =	swait.ge [sflag:s6], $0x3E80  }
0x56a: {  	s31 =	sld [smem:$0x7ED]  }
0x56b: {  	[sflag:s6] =	ssyncset.done $0x0  }
0x56c: {  	[sflag:s6] =	ssyncadd.s32 $0xFFFFC180  }
0x56d: {  	[tilespmem:s10], [sflag:$0x1] =	stream.indirect.gather [hbm4b:s4+s9], $0x80, s31, s9, $0xb8;
	[tilespmem:$0x1F000] =	vst v63  }
0x56e: {  	_ =	swait.ge [sflag:s14], $0x3E80  }
0x56f: {  	[sflag:s14] =	ssyncset.done $0x0  }
0x570: {  	[sflag:s14] =	ssyncadd.s32 $0xFFFFC180  }
0x571: {  	[spmem:s2] =	stream.indirect.scatter.add.f32 [tilespmem:s11], [sflag:$0x3], $0x80, s28, s9, $0xb8;
	[tilespmem:$0x1F000] =	vst v63  }
0x572: {  	_ =	swait.ge [sflag:s6], $0x3E80  }
0x573: {  	s31 =	sld [smem:$0x7EE]  }
0x574: {  	[sflag:s6] =	ssyncset.done $0x0  }
0x575: {  	[sflag:s6] =	ssyncadd.s32 $0xFFFFC180  }
0x576: {  	[tilespmem:s11], [sflag:$0x2] =	stream.indirect.gather [hbm4b:s4+s9], $0x80, s31, s9, $0xb8;
	[tilespmem:$0x1F000] =	vst v63  }
0x577: {  	_ =	swait.ge [sflag:s13], $0x3E80  }
0x578: {  	[sflag:s13] =	ssyncset.done $0x0  }
0x579: {  	[sflag:s13] =	ssyncadd.s32 $0xFFFFC180  }
0x57a: {  	[spmem:s2] =	stream.indirect.scatter.add.f32 [tilespmem:s10], [sflag:$0x3], $0x80, s29, s9, $0xb8;
	[tilespmem:$0x1F000] =	vst v63  }
0x57b: {  	_ =	swait.ge [sflag:s6], $0x3E80  }
0x57c: {  	s31 =	sld [smem:$0x7EF]  }
0x57d: {  	[sflag:s6] =	ssyncset.done $0x0  }
0x57e: {  	[sflag:s6] =	ssyncadd.s32 $0xFFFFC180  }
0x57f: {  	[tilespmem:s10], [sflag:$0x1] =	stream.indirect.gather [hbm4b:s4+s9], $0x80, s31, s9, $0xb8;
	[tilespmem:$0x1F000] =	vst v63  }
0x580: {  	_ =	swait.ge [sflag:s14], $0x3E80  }
0x581: {  	[sflag:s14] =	ssyncset.done $0x0  }
0x582: {  	[sflag:s14] =	ssyncadd.s32 $0xFFFFC180  }
0x583: {  	[spmem:s2] =	stream.indirect.scatter.add.f32 [tilespmem:s11], [sflag:$0x3], $0x80, s30, s9, $0xb8;
	[tilespmem:$0x1F000] =	vst v63  }
0x584: {  	_ =	swait.ge [sflag:s6], $0x3E80  }
0x585: {  	s0 =	sld [smem:$0x7F0]  }
0x586: {  	[sflag:s6] =	ssyncset.done $0x0  }
0x587: {  	[sflag:s6] =	ssyncadd.s32 $0xFFFFC180  }
0x588: {  	[tilespmem:s11], [sflag:$0x2] =	stream.indirect.gather [hbm4b:s4+s9], $0x80, s0, s9, $0xb8;
	[tilespmem:$0x1F000] =	vst v63  }
0x589: {  	s31 =	rddreg [dreg:$0x9]  }
0x58a: {  	[tilespmem:s12], [sflag:$0x3] =	stream.linear.gather [hbm4b:s31+s3], $0x800, $0x38;
	[tilespmem:$0x1F000] =	vst v63  }
0x58b: {  	_ =	swait.ge [sflag:s6], $0x800  }
0x58c: {  	[sflag:s6] =	ssyncset.done $0x0  }
0x58d: {  	[sflag:s6] =	ssyncadd.s32 $0xFFFFF800  }
0x58e: {  	_ =	swait.ge [sflag:s13], $0x3E80  }
0x58f: {  	[sflag:s13] =	ssyncset.done $0x0  }
0x590: {  	[sflag:s13] =	ssyncadd.s32 $0xFFFFC180  }
0x591: {  	[spmem:s2] =	stream.indirect.scatter.add.f32 [tilespmem:s10], [sflag:$0x3], $0x80, s12, s9, $0xb8;
	[tilespmem:$0x1F000] =	vst v63  }
0x592: {  	_ =	swait.ge [sflag:s6], $0x3E80  }
0x593: {  	s31 =	sld [smem:$0x7F1]  }
0x594: {  	[sflag:s6] =	ssyncset.done $0x0  }
0x595: {  	[sflag:s6] =	ssyncadd.s32 $0xFFFFC180  }
0x596: {  	[tilespmem:s10], [sflag:$0x1] =	stream.indirect.gather [hbm4b:s4+s9], $0x80, s31, s9, $0xb8;
	[tilespmem:$0x1F000] =	vst v63  }
0x597: {  	_ =	swait.ge [sflag:s14], $0x3E80  }
0x598: {  	[sflag:s14] =	ssyncset.done $0x0  }
0x599: {  	[sflag:s14] =	ssyncadd.s32 $0xFFFFC180  }
0x59a: {  	[spmem:s2] =	stream.indirect.scatter.add.f32 [tilespmem:s11], [sflag:$0x3], $0x80, s15, s9, $0xb8;
	[tilespmem:$0x1F000] =	vst v63  }
0x59b: {  	_ =	swait.ge [sflag:s6], $0x3E80  }
0x59c: {  	s31 =	sld [smem:$0x7F2]  }
0x59d: {  	[sflag:s6] =	ssyncset.done $0x0  }
0x59e: {  	[sflag:s6] =	ssyncadd.s32 $0xFFFFC180  }
0x59f: {  	[tilespmem:s11], [sflag:$0x2] =	stream.indirect.gather [hbm4b:s4+s9], $0x80, s31, s9, $0xb8;
	[tilespmem:$0x1F000] =	vst v63  }
0x5a0: {  	_ =	swait.ge [sflag:s13], $0x3E80  }
0x5a1: {  	[sflag:s13] =	ssyncset.done $0x0  }
0x5a2: {  	[sflag:s13] =	ssyncadd.s32 $0xFFFFC180  }
0x5a3: {  	[spmem:s2] =	stream.indirect.scatter.add.f32 [tilespmem:s10], [sflag:$0x3], $0x80, s16, s9, $0xb8;
	[tilespmem:$0x1F000] =	vst v63  }
0x5a4: {  	_ =	swait.ge [sflag:s6], $0x3E80  }
0x5a5: {  	s31 =	sld [smem:$0x7F3]  }
0x5a6: {  	[sflag:s6] =	ssyncset.done $0x0  }
0x5a7: {  	[sflag:s6] =	ssyncadd.s32 $0xFFFFC180  }
0x5a8: {  	[tilespmem:s10], [sflag:$0x1] =	stream.indirect.gather [hbm4b:s4+s9], $0x80, s31, s9, $0xb8;
	[tilespmem:$0x1F000] =	vst v63  }
0x5a9: {  	_ =	swait.ge [sflag:s14], $0x3E80  }
0x5aa: {  	[sflag:s14] =	ssyncset.done $0x0  }
0x5ab: {  	[sflag:s14] =	ssyncadd.s32 $0xFFFFC180  }
0x5ac: {  	[spmem:s2] =	stream.indirect.scatter.add.f32 [tilespmem:s11], [sflag:$0x3], $0x80, s17, s9, $0xb8;
	[tilespmem:$0x1F000] =	vst v63  }
0x5ad: {  	_ =	swait.ge [sflag:s6], $0x3E80  }
0x5ae: {  	s31 =	sld [smem:$0x7F4]  }
0x5af: {  	[sflag:s6] =	ssyncset.done $0x0  }
0x5b0: {  	[sflag:s6] =	ssyncadd.s32 $0xFFFFC180  }
0x5b1: {  	[tilespmem:s11], [sflag:$0x2] =	stream.indirect.gather [hbm4b:s4+s9], $0x80, s31, s9, $0xb8;
	[tilespmem:$0x1F000] =	vst v63  }
0x5b2: {  	_ =	swait.ge [sflag:s13], $0x3E80  }
0x5b3: {  	[sflag:s13] =	ssyncset.done $0x0  }
0x5b4: {  	[sflag:s13] =	ssyncadd.s32 $0xFFFFC180  }
0x5b5: {  	[spmem:s2] =	stream.indirect.scatter.add.f32 [tilespmem:s10], [sflag:$0x3], $0x80, s18, s9, $0xb8;
	[tilespmem:$0x1F000] =	vst v63  }
0x5b6: {  	_ =	swait.ge [sflag:s6], $0x3E80  }
0x5b7: {  	s31 =	sld [smem:$0x7F5]  }
0x5b8: {  	[sflag:s6] =	ssyncset.done $0x0  }
0x5b9: {  	[sflag:s6] =	ssyncadd.s32 $0xFFFFC180  }
0x5ba: {  	[tilespmem:s10], [sflag:$0x1] =	stream.indirect.gather [hbm4b:s4+s9], $0x80, s31, s9, $0xb8;
	[tilespmem:$0x1F000] =	vst v63  }
0x5bb: {  	_ =	swait.ge [sflag:s14], $0x3E80  }
0x5bc: {  	[sflag:s14] =	ssyncset.done $0x0  }
0x5bd: {  	[sflag:s14] =	ssyncadd.s32 $0xFFFFC180  }
0x5be: {  	[spmem:s2] =	stream.indirect.scatter.add.f32 [tilespmem:s11], [sflag:$0x3], $0x80, s19, s9, $0xb8;
	[tilespmem:$0x1F000] =	vst v63  }
0x5bf: {  	_ =	swait.ge [sflag:s6], $0x3E80  }
0x5c0: {  	s31 =	sld [smem:$0x7F6]  }
0x5c1: {  	[sflag:s6] =	ssyncset.done $0x0  }
0x5c2: {  	[sflag:s6] =	ssyncadd.s32 $0xFFFFC180  }
0x5c3: {  	[tilespmem:s11], [sflag:$0x2] =	stream.indirect.gather [hbm4b:s4+s9], $0x80, s31, s9, $0xb8;
	[tilespmem:$0x1F000] =	vst v63  }
0x5c4: {  	_ =	swait.ge [sflag:s13], $0x3E80  }
0x5c5: {  	[sflag:s13] =	ssyncset.done $0x0  }
0x5c6: {  	[sflag:s13] =	ssyncadd.s32 $0xFFFFC180  }
0x5c7: {  	[spmem:s2] =	stream.indirect.scatter.add.f32 [tilespmem:s10], [sflag:$0x3], $0x80, s20, s9, $0xb8;
	[tilespmem:$0x1F000] =	vst v63  }
0x5c8: {  	_ =	swait.ge [sflag:s6], $0x3E80  }
0x5c9: {  	s31 =	sld [smem:$0x7F7]  }
0x5ca: {  	[sflag:s6] =	ssyncset.done $0x0  }
0x5cb: {  	[sflag:s6] =	ssyncadd.s32 $0xFFFFC180  }
0x5cc: {  	[tilespmem:s10], [sflag:$0x1] =	stream.indirect.gather [hbm4b:s4+s9], $0x80, s31, s9, $0xb8;
	[tilespmem:$0x1F000] =	vst v63  }
0x5cd: {  	_ =	swait.ge [sflag:s14], $0x3E80  }
0x5ce: {  	[sflag:s14] =	ssyncset.done $0x0  }
0x5cf: {  	[sflag:s14] =	ssyncadd.s32 $0xFFFFC180  }
0x5d0: {  	[spmem:s2] =	stream.indirect.scatter.add.f32 [tilespmem:s11], [sflag:$0x3], $0x80, s21, s9, $0xb8;
	[tilespmem:$0x1F000] =	vst v63  }
0x5d1: {  	_ =	swait.ge [sflag:s6], $0x3E80  }
0x5d2: {  	s31 =	sld [smem:$0x7F8]  }
0x5d3: {  	[sflag:s6] =	ssyncset.done $0x0  }
0x5d4: {  	[sflag:s6] =	ssyncadd.s32 $0xFFFFC180  }
0x5d5: {  	[tilespmem:s11], [sflag:$0x2] =	stream.indirect.gather [hbm4b:s4+s9], $0x80, s31, s9, $0xb8;
	[tilespmem:$0x1F000] =	vst v63  }
0x5d6: {  	_ =	swait.ge [sflag:s13], $0x3E80  }
0x5d7: {  	[sflag:s13] =	ssyncset.done $0x0  }
0x5d8: {  	[sflag:s13] =	ssyncadd.s32 $0xFFFFC180  }
0x5d9: {  	[spmem:s2] =	stream.indirect.scatter.add.f32 [tilespmem:s10], [sflag:$0x3], $0x80, s22, s9, $0xb8;
	[tilespmem:$0x1F000] =	vst v63  }
0x5da: {  	_ =	swait.ge [sflag:s6], $0x3E80  }
0x5db: {  	s31 =	sld [smem:$0x7F9]  }
0x5dc: {  	[sflag:s6] =	ssyncset.done $0x0  }
0x5dd: {  	[sflag:s6] =	ssyncadd.s32 $0xFFFFC180  }
0x5de: {  	[tilespmem:s10], [sflag:$0x1] =	stream.indirect.gather [hbm4b:s4+s9], $0x80, s31, s9, $0xb8;
	[tilespmem:$0x1F000] =	vst v63  }
0x5df: {  	_ =	swait.ge [sflag:s14], $0x3E80  }
0x5e0: {  	[sflag:s14] =	ssyncset.done $0x0  }
0x5e1: {  	[sflag:s14] =	ssyncadd.s32 $0xFFFFC180  }
0x5e2: {  	[spmem:s2] =	stream.indirect.scatter.add.f32 [tilespmem:s11], [sflag:$0x3], $0x80, s23, s9, $0xb8;
	[tilespmem:$0x1F000] =	vst v63  }
0x5e3: {  	_ =	swait.ge [sflag:s6], $0x3E80  }
0x5e4: {  	s31 =	sld [smem:$0x7FA]  }
0x5e5: {  	[sflag:s6] =	ssyncset.done $0x0  }
0x5e6: {  	[sflag:s6] =	ssyncadd.s32 $0xFFFFC180  }
0x5e7: {  	[tilespmem:s11], [sflag:$0x2] =	stream.indirect.gather [hbm4b:s4+s9], $0x80, s31, s9, $0xb8;
	[tilespmem:$0x1F000] =	vst v63  }
0x5e8: {  	_ =	swait.ge [sflag:s13], $0x3E80  }
0x5e9: {  	[sflag:s13] =	ssyncset.done $0x0  }
0x5ea: {  	[sflag:s13] =	ssyncadd.s32 $0xFFFFC180  }
0x5eb: {  	[spmem:s2] =	stream.indirect.scatter.add.f32 [tilespmem:s10], [sflag:$0x3], $0x80, s24, s9, $0xb8;
	[tilespmem:$0x1F000] =	vst v63  }
0x5ec: {  	_ =	swait.ge [sflag:s6], $0x3E80  }
0x5ed: {  	s31 =	sld [smem:$0x7FB]  }
0x5ee: {  	[sflag:s6] =	ssyncset.done $0x0  }
0x5ef: {  	[sflag:s6] =	ssyncadd.s32 $0xFFFFC180  }
0x5f0: {  	[tilespmem:s10], [sflag:$0x1] =	stream.indirect.gather [hbm4b:s4+s9], $0x80, s31, s9, $0xb8;
	[tilespmem:$0x1F000] =	vst v63  }
0x5f1: {  	_ =	swait.ge [sflag:s14], $0x3E80  }
0x5f2: {  	[sflag:s14] =	ssyncset.done $0x0  }
0x5f3: {  	[sflag:s14] =	ssyncadd.s32 $0xFFFFC180  }
0x5f4: {  	[spmem:s2] =	stream.indirect.scatter.add.f32 [tilespmem:s11], [sflag:$0x3], $0x80, s25, s9, $0xb8;
	[tilespmem:$0x1F000] =	vst v63  }
0x5f5: {  	_ =	swait.ge [sflag:s6], $0x3E80  }
0x5f6: {  	s31 =	sld [smem:$0x7FC]  }
0x5f7: {  	[sflag:s6] =	ssyncset.done $0x0  }
0x5f8: {  	[sflag:s6] =	ssyncadd.s32 $0xFFFFC180  }
0x5f9: {  	[tilespmem:s11], [sflag:$0x2] =	stream.indirect.gather [hbm4b:s4+s9], $0x80, s31, s9, $0xb8;
	[tilespmem:$0x1F000] =	vst v63  }
0x5fa: {  	_ =	swait.ge [sflag:s13], $0x3E80  }
0x5fb: {  	[sflag:s13] =	ssyncset.done $0x0  }
0x5fc: {  	[sflag:s13] =	ssyncadd.s32 $0xFFFFC180  }
0x5fd: {  	[spmem:s2] =	stream.indirect.scatter.add.f32 [tilespmem:s10], [sflag:$0x3], $0x80, s26, s9, $0xb8;
	[tilespmem:$0x1F000] =	vst v63  }
0x5fe: {  	_ =	swait.ge [sflag:s6], $0x3E80  }
0x5ff: {  	s31 =	sld [smem:$0x7FD]  }
0x600: {  	[sflag:s6] =	ssyncset.done $0x0  }
0x601: {  	[sflag:s6] =	ssyncadd.s32 $0xFFFFC180  }
0x602: {  	[tilespmem:s10], [sflag:$0x1] =	stream.indirect.gather [hbm4b:s4+s9], $0x80, s31, s9, $0xb8;
	[tilespmem:$0x1F000] =	vst v63  }
0x603: {  	_ =	swait.ge [sflag:s14], $0x3E80  }
0x604: {  	[sflag:s14] =	ssyncset.done $0x0  }
0x605: {  	[sflag:s14] =	ssyncadd.s32 $0xFFFFC180  }
0x606: {  	[spmem:s2] =	stream.indirect.scatter.add.f32 [tilespmem:s11], [sflag:$0x3], $0x80, s28, s9, $0xb8;
	[tilespmem:$0x1F000] =	vst v63  }
0x607: {  	_ =	swait.ge [sflag:s6], $0x3E80  }
0x608: {  	[sflag:s6] =	ssyncset.done $0x0  }
0x609: {  	s31 =	simm.s32 $0x2780;
	[sflag:s6] =	ssyncadd.s32 $0xFFFFC180  }
0x60a: {  	[tilespmem:s11], [sflag:$0x2] =	stream.indirect.gather [hbm4b:s4+s9], $0x80, s31, s9, $0xb8;
	[tilespmem:$0x1F000] =	vst v63  }
0x60b: {  	_ =	swait.ge [sflag:s13], $0x3E80  }
0x60c: {  	[sflag:s13] =	ssyncset.done $0x0  }
0x60d: {  	[sflag:s13] =	ssyncadd.s32 $0xFFFFC180  }
0x60e: {  	[spmem:s2] =	stream.indirect.scatter.add.f32 [tilespmem:s10], [sflag:$0x3], $0x80, s29, s9, $0xb8;
	[tilespmem:$0x1F000] =	vst v63  }
0x60f: {  	_ =	swait.ge [sflag:s6], $0x3E80  }
0x610: {  	[sflag:s6] =	ssyncset.done $0x0  }
0x611: {  	[sflag:s6] =	ssyncadd.s32 $0xFFFFC180  }
0x612: {  	_ =	swait.ge [sflag:s14], $0x3E80  }
0x613: {  	[sflag:s14] =	ssyncset.done $0x0  }
0x614: {  	[sflag:s14] =	ssyncadd.s32 $0xFFFFC180  }
0x615: {  	[spmem:s2] =	stream.indirect.scatter.add.f32 [tilespmem:s11], [sflag:$0x3], $0x80, s30, s9, $0xb8;
	[tilespmem:$0x1F000] =	vst v63  }
0x616: {  	_ =	swait.ge [sflag:s6], $0x3E80  }
0x617: {  	[sflag:s6] =	ssyncset.done $0x0  }
0x618: {  	p0 =	sne.s32 s1, $0x1;
	[sflag:s6] =	ssyncadd.s32 $0xFFFFC180  }
.Ltmp1:
0x619: {  	[bflag:$0x0] =	sbarrier.arrive $0xFFFF;
	(pc) =	sbr.rel @p0 .LBB2_1-.Ltmp1, $4  }
0x61a: {  	s31 =	rddreg [dreg:$0xa]  }
0x61b: {  	[hbm:s31], [sflag:s7] =	dma.local [spmem:s8], $0x2800  }
0x61c: {  	_ =	swait.ge [sflag:s6], $0x2800  }
0x61d: {  	s1 =	sadd.s32 $0xFFFFFFFF, s1;
	[sflag:s6] =	ssyncset.done $0x0  }
.LBB2_2:
0x61e: {  	[sflag:s6] =	ssyncadd.s32 $0xFFFFD800  }
0x61f: {  	_ =	sfence.sel $0x180000  }
0x620: {  	[bflag:$0x0] =	sbarrier.arrive $0xFFFF  }
0x621: {  	_ =	strace $0x9000004A  }
0x622: {  	s0 =	stileid.u32;
	[bflag:$0x2] =	sbarrier.arrive $0xFFFF  }
0x623: {  	p0 =	sne.s32 s0, $0x0;
	s0 =	rddreg [dreg:$0x3]  }
0x624: {  	s0 =	sadd.s32 @!p0 $0x100000, s0  }
0x625: {  	[sflag:s0] =	ssyncadd.tile.s32 @!p0 $0x1;
	_ =	shalt  }
.Lfunc_end2:
_tile_overlayer_lowered:
.L_overlay_start_2:
0x626: {  	(tag) =	ssettag $0x2  }
0x627: {  	s0 =	rddreg [dreg:$0x0];
	s2 =	stileid.u32  }
0x628: {  	s1 =	rddreg [dreg:$0x1];
	p0 =	sne.s32 s2, $0x0  }
0x629: {  	s3 =	rddreg [dreg:$0x2];
	[bflag:$0x3] =	sbarrier.arrive $0xFFFF;
	s2 =	simm.s32 @!p0 $0x1C03  }
0x62a: {  	[timem:s3], [sflag:s2] =	dma.local @!p0 [hbm:s0], s1  }
0x62b: {  	s0 =	simm.s32 @!p0 $0x3  }
0x62c: {  	_ =	swait.ge @!p0 [sflag:s0], s1  }
0x62d: {  	s1 =	ssub.s32 @!p0 $0x0, s1;
	[sflag:s0] =	ssyncset.done @!p0 $0x0  }
0x62e: {  	[sflag:s0] =	ssyncadd.s32 @!p0 s1  }
0x62f: {  	[bflag:$0x3] =	sbarrier.arrive $0xFFFF  }
0x630: {  	_ =	shalt  }

</sc_bundles>
